<compile_context>
chip_gen: v7x
topology: tpu7x:2x2x1
jax: 0.10.2.dev20260603
libtpu: 0.0.44.dev20260713+nightly
codegen_flags: <defaults>
</compile_context>

<pallas_src>
import functools

import jax
import jax.numpy as jnp
from jax import lax
from jax.experimental import pallas as pl
from jax.experimental.pallas import tpu as pltpu
from jax.experimental.pallas import tpu_sc as plsc

N = 10000
E = 320000
D = 128
NUM_NODE_TYPES = 64
R2 = 16
EPS = 0.01

BLK = 2000
NBLK = N // BLK

NW = 32
TPE = E // NW
KB = 128
NBF = TPE // KB
TAIL = TPE - NBF * KB
NPAD = 10240
RPT = NPAD // 16


def _h_body(idx_ref, nt_ref, q_ref, xs_ref, h_ref, x_scr, rel_scr):
    nb = pl.program_id(0)
    r = pl.program_id(1)

    @pl.when(nb == 0)
    def _():
        Qr = q_ref[0]
        row = lax.broadcasted_iota(jnp.int32, (D, D), 0)
        col = lax.broadcasted_iota(jnp.int32, (D, D), 1)
        eye = jnp.where(row == col, 1.0, 0.0).astype(jnp.float32)
        W = eye + xs_ref[0]
        WQ = jnp.dot(W, Qr, preferred_element_type=jnp.float32)
        rel_scr[r, :, :] = lax.dot_general(Qr, WQ, (((0,), (0,)), ((), ())),
                                           preferred_element_type=jnp.float32)

    @pl.when(r == 0)
    def _():
        idx = idx_ref[0, 0, :]
        iota = lax.broadcasted_iota(jnp.int32, (BLK, NUM_NODE_TYPES), 1)
        hit = (idx[:, None] == iota) & (idx[:, None] >= 0)
        onehot = jnp.where(hit, 1.0, 0.0).astype(jnp.float32)
        x_scr[...] = jnp.dot(onehot, nt_ref[...],
                             preferred_element_type=jnp.float32)

    h_ref[0] = lax.dot_general(x_scr[...], rel_scr[r], (((1,), (1,)), ((), ())),
                               preferred_element_type=jnp.float32)


def _h_call(idx3, node_table, Qsel, Xs):
    return pl.pallas_call(
        _h_body,
        grid=(NBLK, R2),
        in_specs=[
            pl.BlockSpec((1, 1, BLK), lambda nb, r: (nb, 0, 0)),
            pl.BlockSpec((NUM_NODE_TYPES, D), lambda nb, r: (0, 0)),
            pl.BlockSpec((1, D, D), lambda nb, r: (r, 0, 0)),
            pl.BlockSpec((1, D, D), lambda nb, r: (r, 0, 0)),
        ],
        out_specs=pl.BlockSpec((1, BLK, D), lambda nb, r: (r, nb, 0)),
        out_shape=jax.ShapeDtypeStruct((R2, N, D), jnp.float32),
        scratch_shapes=[pltpu.VMEM((BLK, D), jnp.float32),
                        pltpu.VMEM((R2, D, D), jnp.float32)],
    )(idx3, node_table, Qsel, Xs)


_MESH = plsc.VectorSubcoreMesh(core_axis_name="c", subcore_axis_name="s")


@functools.partial(
    pl.kernel,
    mesh=_MESH,
    out_type=jax.ShapeDtypeStruct((2 * NPAD, D), jnp.float32),
    scratch_types=[
        pltpu.VMEM((KB,), jnp.int32),
        pltpu.VMEM((KB,), jnp.int32),
        pltpu.VMEM((KB,), jnp.int32),
        pltpu.VMEM((KB,), jnp.int32),
        pltpu.VMEM((KB,), jnp.int32),
        pltpu.VMEM((KB,), jnp.int32),
        pltpu.VMEM((KB,), jnp.int32),
        pltpu.VMEM((KB,), jnp.int32),
        pltpu.VMEM((KB,), jnp.int32),
        pltpu.VMEM((KB,), jnp.int32),
        pltpu.VMEM((KB, D), jnp.float32),
        pltpu.VMEM((KB, D), jnp.float32),
        pltpu.VMEM((TAIL,), jnp.int32),
        pltpu.VMEM((TAIL,), jnp.int32),
        pltpu.VMEM((TAIL,), jnp.int32),
        pltpu.VMEM((TAIL,), jnp.int32),
        pltpu.VMEM((TAIL, D), jnp.float32),
        pltpu.VMEM_SHARED((NPAD, D), jnp.float32),
        pltpu.SemaphoreType.DMA,
        pltpu.SemaphoreType.DMA,
        pltpu.SemaphoreType.DMA,
        pltpu.SemaphoreType.DMA,
        pltpu.SemaphoreType.DMA,
        pltpu.SemaphoreType.DMA,
    ],
)
def _sc_edges(h_hbm, src_hbm, typ_hbm, dst_hbm, out_hbm,
              srcA, srcB, typA, typB, dstA, dstB, gidxA, gidxB, sidxA, sidxB,
              rowsA, rowsB, srcT, typT, dstT, gidxT, rowsT,
              acc, semIA, semIB, semGA, semGB, semSA, semSB):
    c = lax.axis_index("c")
    s = lax.axis_index("s")
    wid = s * 2 + c

    ebase = wid * TPE

    def fire_idx(i, srcv, typv, dstv, sem):
        off = ebase + i * KB
        pltpu.async_copy(src_hbm.at[pl.ds(off, KB)], srcv, sem)
        pltpu.async_copy(typ_hbm.at[pl.ds(off, KB)], typv, sem)
        pltpu.async_copy(dst_hbm.at[pl.ds(off, KB)], dstv, sem)

    fire_idx(0, srcA, typA, dstA, semIA)
    fire_idx(1, srcB, typB, dstB, semIB)

    zeros16 = jnp.zeros((16,), jnp.float32)

    def zrow(i, carry):
        for j in range(D // 16):
            rowsA[i, pl.ds(j * 16, 16)] = zeros16
        return carry

    lax.fori_loop(0, KB, zrow, 0)
    for cpy in range(RPT // KB):
        pltpu.sync_copy(rowsA, acc.at[pl.ds(s * RPT + cpy * KB, KB)])
    plsc.subcore_barrier()

    def finish_idx(srcv, typv, dstv, gidx, sidx, sem):
        pltpu.make_async_copy(src_hbm.at[pl.ds(0, KB)], srcv, sem).wait()
        pltpu.make_async_copy(typ_hbm.at[pl.ds(0, KB)], typv, sem).wait()
        pltpu.make_async_copy(dst_hbm.at[pl.ds(0, KB)], dstv, sem).wait()
        for j in range(KB // 16):
            sl = pl.ds(j * 16, 16)
            gidx[sl] = typv[sl] * N + srcv[sl]
            sidx[sl] = dstv[sl]

    def fire_gather(gidx, rows, sem):
        pltpu.async_copy(h_hbm.at[gidx], rows, sem)

    def wait_gather(gidx, rows, sem):
        pltpu.make_async_copy(h_hbm.at[gidx], rows, sem).wait()

    def fire_scat(dstv, rows, sem):
        pltpu.async_copy(rows, acc.at[dstv], sem, add=True)

    def wait_scat(dstv, rows, sem):
        pltpu.make_async_copy(rows, acc.at[dstv], sem).wait()

    finish_idx(srcA, typA, dstA, gidxA, sidxA, semIA)
    fire_gather(gidxA, rowsA, semGA)
    fire_idx(2, srcA, typA, dstA, semIA)
    finish_idx(srcB, typB, dstB, gidxB, sidxB, semIB)
    fire_gather(gidxB, rowsB, semGB)
    fire_idx(3, srcB, typB, dstB, semIB)
    wait_gather(gidxA, rowsA, semGA)
    fire_scat(sidxA, rowsA, semSA)
    wait_gather(gidxB, rowsB, semGB)
    fire_scat(sidxB, rowsB, semSB)

    def pair(g, carry):
        wait_scat(sidxA, rowsA, semSA)
        finish_idx(srcA, typA, dstA, gidxA, sidxA, semIA)
        fire_gather(gidxA, rowsA, semGA)
        fire_idx(2 * g + 4, srcA, typA, dstA, semIA)
        wait_scat(sidxB, rowsB, semSB)
        finish_idx(srcB, typB, dstB, gidxB, sidxB, semIB)
        fire_gather(gidxB, rowsB, semGB)
        fire_idx(2 * g + 5, srcB, typB, dstB, semIB)
        wait_gather(gidxA, rowsA, semGA)
        fire_scat(sidxA, rowsA, semSA)
        wait_gather(gidxB, rowsB, semGB)
        fire_scat(sidxB, rowsB, semSB)
        return carry

    lax.fori_loop(0, NBF // 2 - 2, pair, 0)

    wait_scat(sidxA, rowsA, semSA)
    finish_idx(srcA, typA, dstA, gidxA, sidxA, semIA)
    fire_gather(gidxA, rowsA, semGA)
    wait_scat(sidxB, rowsB, semSB)
    finish_idx(srcB, typB, dstB, gidxB, sidxB, semIB)
    fire_gather(gidxB, rowsB, semGB)
    wait_gather(gidxA, rowsA, semGA)
    fire_scat(sidxA, rowsA, semSA)
    wait_gather(gidxB, rowsB, semGB)
    fire_scat(sidxB, rowsB, semSB)

    toff = ebase + NBF * KB
    pltpu.sync_copy(src_hbm.at[pl.ds(toff, TAIL)], srcT)
    pltpu.sync_copy(typ_hbm.at[pl.ds(toff, TAIL)], typT)
    pltpu.sync_copy(dst_hbm.at[pl.ds(toff, TAIL)], dstT)
    gidxT[...] = typT[...] * N + srcT[...]
    pltpu.async_copy(h_hbm.at[gidxT], rowsT, semGA).wait()
    pltpu.sync_copy(rowsT, acc.at[dstT], add=True)

    wait_scat(sidxA, rowsA, semSA)
    wait_scat(sidxB, rowsB, semSB)
    plsc.subcore_barrier()

    pltpu.sync_copy(acc.at[pl.ds(s * RPT, RPT)],
                    out_hbm.at[pl.ds(c * NPAD + s * RPT, RPT)])


def _add_body(p_ref, o_ref):
    o_ref[...] = p_ref[0] + p_ref[1]


def _add_call(partials):
    return pl.pallas_call(
        _add_body,
        grid=(NBLK,),
        in_specs=[pl.BlockSpec((2, BLK, D), lambda nb: (0, nb, 0))],
        out_specs=pl.BlockSpec((BLK, D), lambda nb: (nb, 0)),
        out_shape=jax.ShapeDtypeStruct((N, D), jnp.float32),
    )(partials)


def kernel(node_mapping, relation_mapping, edge_index, edge_type,
           node_table, rel_X, Q):
    Qsel = jnp.take(Q, relation_mapping[:, 0], axis=0)
    worder = relation_mapping[:, 1]
    sign = jnp.where(worder % 2 == 0, EPS, -EPS).astype(jnp.float32)
    Xs = jnp.take(rel_X, worder // 2, axis=0) * sign[:, None, None]

    idx3 = node_mapping[:, 1].astype(jnp.int32).reshape(NBLK, 1, BLK)
    h = _h_call(idx3, node_table, Qsel, Xs)
    h2 = h.reshape(R2 * N, D)

    src = edge_index[0].astype(jnp.int32)
    typ = edge_type.astype(jnp.int32)
    dst = edge_index[1].astype(jnp.int32)
    partials = _sc_edges(h2, src, typ, dst)
    return _add_call(partials.reshape(2, NPAD, D))

# --- scband reference (transcript-rebuilt; emitter-appended) ---
"""Pipeline reference for scband-tree-rgcnpath-48653389529548 (READ-ONLY COPY).

The authoritative reference and input builder live on the scoring server;
editing this copy changes nothing except your own understanding.
"""

import jax, jax.numpy as jnp
import numpy as np
from jax.scipy.linalg import expm

N = 10000
E = 320000
D = 128
NUM_NODE_TYPES = 64
NUM_REL = 8
R2 = 2 * NUM_REL
MAX_LEN = 64
EPS = 0.01
THETA = 0.01


def _build_Q():
    # positional axes -> skew-symmetric generator -> rotation via matrix exponential
    position = np.arange(MAX_LEN, dtype=np.float32)[:, None]
    div_term = np.exp(np.arange(0, D, 2, dtype=np.float32) * (-np.log(10000.0) / D))
    axes = np.zeros((MAX_LEN, D), dtype=np.float32)
    axes[:, 0::2] = np.sin(position * div_term)
    axes[:, 1::2] = np.cos(position * div_term)
    axes = jnp.asarray(axes)
    S = THETA * (axes[..., None] - jnp.transpose(axes[..., None], (0, 2, 1)))
    Q = jax.vmap(expm)(S)
    return Q


def setup_inputs(seed: int = 0):
    key = jax.random.key(seed)
    k1, k2, k3, k4, k5, k6 = jax.random.split(key, 6)
    # node_mapping[:,0] = node index in graph, node_mapping[:,1] = vocab id (-1 = no vocab entry)
    col1 = jax.random.randint(k1, (N,), 0, NUM_NODE_TYPES)
    node_mapping = jnp.stack([jnp.arange(N), col1], axis=1)
    # relation_mapping[:,0] = position index into Q, relation_mapping[:,1] = index into interleaved W bank
    relation_mapping = jnp.stack([jax.random.randint(k2, (R2,), 0, MAX_LEN), jnp.arange(R2)], axis=1)
    edge_index = jax.random.randint(k3, (2, E), 0, N)
    edge_type = jax.random.randint(k4, (E,), 0, R2)
    # learned parameters
    node_table = jax.random.normal(k5, (NUM_NODE_TYPES, D), dtype=jnp.float32)  # std=1.0 as in module
    rel_X = jax.random.normal(k6, (NUM_REL, D, D), dtype=jnp.float32) * (1.0 / np.sqrt(D))
    Q = _build_Q()
    return {
        'node_mapping': node_mapping,
        'relation_mapping': relation_mapping,
        'edge_index': edge_index,
        'edge_type': edge_type,
        'node_table': node_table,
        'rel_X': rel_X,
        'Q': Q,
    }


def reference(node_mapping, relation_mapping, edge_index, edge_type, node_table, rel_X, Q):
    # --- TrainableNodeEncoder (zeros=True): init zeros then overwrite rows with vocab embeddings ---
    valid = node_mapping[:, 1] >= 0
    idx1 = jnp.where(valid, node_mapping[:, 1], 0)
    vals = node_table[idx1] * valid[:, None].astype(node_table.dtype)
    x = jnp.zeros((N, D), dtype=jnp.float32).at[node_mapping[:, 0]].set(vals)
    # --- TrainableRelationEncoder: W_even = I + eps*X, W_odd = I - eps*X, interleaved; conjugate by Q ---
    I = jnp.eye(D, dtype=jnp.float32)
    W_even = I[None, :, :] + EPS * rel_X
    W_odd = I[None, :, :] - EPS * rel_X
    W = jnp.stack([W_even, W_odd], axis=1).reshape(-1, D, D)  # [2*NUM_REL, D, D]
    Qsel = Q[relation_mapping[:, 0]]
    Wsel = W[relation_mapping[:, 1]]
    rel = jnp.transpose(Qsel, (0, 2, 1)) @ Wsel @ Qsel  # [R2, D, D]
    # --- relational message passing along edges (path step): m_e = W_{type(e)} h_{src(e)}, sum at dst ---
    h = jnp.einsum('rij,nj->rni', rel, x)  # [R2, N, D] per-relation transformed features
    src = edge_index[0]
    dst = edge_index[1]
    msg = h[edge_type, src]  # gather [E, D]
    out = jax.ops.segment_sum(msg, dst, num_segments=N)  # scatter-add [N, D]
    return out

if __name__ == "__main__":
    import jax
    _d = setup_inputs()
    print(jax.jit(kernel)(*tuple(_d.values())))

</pallas_src>

<mosaic_0001>
#map = affine_map<(d0, d1) -> (0, 0)>
#map1 = affine_map<(d0, d1) -> (0)>
module attributes {stable_mosaic.version = 14 : i64} {
  func.func @_sc_edges(%arg0: i32, %arg1: i32, %arg2: memref<160000x128xf32, #tpu.memory_space<hbm>>, %arg3: memref<320000xi32, #tpu.memory_space<hbm>>, %arg4: memref<320000xi32, #tpu.memory_space<hbm>>, %arg5: memref<320000xi32, #tpu.memory_space<hbm>>, %arg6: memref<20480x128xf32, #tpu.memory_space<hbm>>, %arg7: memref<128xi32, #tpu.memory_space<vmem>>, %arg8: memref<128xi32, #tpu.memory_space<vmem>>, %arg9: memref<128xi32, #tpu.memory_space<vmem>>, %arg10: memref<128xi32, #tpu.memory_space<vmem>>, %arg11: memref<128xi32, #tpu.memory_space<vmem>>, %arg12: memref<128xi32, #tpu.memory_space<vmem>>, %arg13: memref<128xi32, #tpu.memory_space<vmem>>, %arg14: memref<128xi32, #tpu.memory_space<vmem>>, %arg15: memref<128xi32, #tpu.memory_space<vmem>>, %arg16: memref<128xi32, #tpu.memory_space<vmem>>, %arg17: memref<128x128xf32, #tpu.memory_space<vmem>>, %arg18: memref<128x128xf32, #tpu.memory_space<vmem>>, %arg19: memref<16xi32, #tpu.memory_space<vmem>>, %arg20: memref<16xi32, #tpu.memory_space<vmem>>, %arg21: memref<16xi32, #tpu.memory_space<vmem>>, %arg22: memref<16xi32, #tpu.memory_space<vmem>>, %arg23: memref<16x128xf32, #tpu.memory_space<vmem>>, %arg24: memref<10240x128xf32, #tpu.memory_space<vmem_shared>>, %arg25: memref<!tpu.dma_semaphore, #tpu.memory_space<semaphore_mem>>, %arg26: memref<!tpu.dma_semaphore, #tpu.memory_space<semaphore_mem>>, %arg27: memref<!tpu.dma_semaphore, #tpu.memory_space<semaphore_mem>>, %arg28: memref<!tpu.dma_semaphore, #tpu.memory_space<semaphore_mem>>, %arg29: memref<!tpu.dma_semaphore, #tpu.memory_space<semaphore_mem>>, %arg30: memref<!tpu.dma_semaphore, #tpu.memory_space<semaphore_mem>>) attributes {dimension_semantics = [#tpu.dimension_semantics<core_parallel>, #tpu.dimension_semantics<subcore_parallel>], iteration_bounds = array<i64: 2, 16>, scalar_prefetch = 0 : i64, scratch_operands = 24 : i64, tpu.core_type = #tpu.core_type<sc_vector_subcore>, window_params = [{transform_indices = #map}, {transform_indices = #map1}, {transform_indices = #map1}, {transform_indices = #map1}, {transform_indices = #map}]} {
    %mul3A = arith.constant 2 : i32
    %mul3A_0 = arith.muli %arg1, %mul3A : i32
    %add3A = arith.addi %mul3A_0, %arg0 : i32
    %mul3A_1 = arith.constant 10000 : i32
    %mul3A_2 = arith.muli %add3A, %mul3A_1 : i32
    %add3A_3 = arith.constant 0 : i32
    %add3A_4 = arith.addi %mul3A_2, %add3A_3 : i32
    %dma_start3A = tpu.memref_slice %arg3[%add3A_4] : memref<320000xi32, #tpu.memory_space<hbm>> -> memref<128xi32, #tpu.memory_space<hbm>>
    %dma_start3A_5 = tpu.memref_slice %arg3[%add3A_4] : memref<320000xi32, #tpu.memory_space<hbm>> -> memref<128xi32, #tpu.memory_space<hbm>>
    tpu.enqueue_dma source(%dma_start3A_5 : memref<128xi32, #tpu.memory_space<hbm>>) target(%arg7 : memref<128xi32, #tpu.memory_space<vmem>>) target_semaphore(%arg25 : memref<!tpu.dma_semaphore, #tpu.memory_space<semaphore_mem>>)
    %dma_start3A_6 = tpu.memref_slice %arg4[%add3A_4] : memref<320000xi32, #tpu.memory_space<hbm>> -> memref<128xi32, #tpu.memory_space<hbm>>
    %dma_start3A_7 = tpu.memref_slice %arg4[%add3A_4] : memref<320000xi32, #tpu.memory_space<hbm>> -> memref<128xi32, #tpu.memory_space<hbm>>
    tpu.enqueue_dma source(%dma_start3A_7 : memref<128xi32, #tpu.memory_space<hbm>>) target(%arg9 : memref<128xi32, #tpu.memory_space<vmem>>) target_semaphore(%arg25 : memref<!tpu.dma_semaphore, #tpu.memory_space<semaphore_mem>>)
    %dma_start3A_8 = tpu.memref_slice %arg5[%add3A_4] : memref<320000xi32, #tpu.memory_space<hbm>> -> memref<128xi32, #tpu.memory_space<hbm>>
    %dma_start3A_9 = tpu.memref_slice %arg5[%add3A_4] : memref<320000xi32, #tpu.memory_space<hbm>> -> memref<128xi32, #tpu.memory_space<hbm>>
    tpu.enqueue_dma source(%dma_start3A_9 : memref<128xi32, #tpu.memory_space<hbm>>) target(%arg11 : memref<128xi32, #tpu.memory_space<vmem>>) target_semaphore(%arg25 : memref<!tpu.dma_semaphore, #tpu.memory_space<semaphore_mem>>)
    %add3A_10 = arith.constant 128 : i32
    %add3A_11 = arith.addi %mul3A_2, %add3A_10 : i32
    %dma_start3A_12 = tpu.memref_slice %arg3[%add3A_11] : memref<320000xi32, #tpu.memory_space<hbm>> -> memref<128xi32, #tpu.memory_space<hbm>>
    %dma_start3A_13 = tpu.memref_slice %arg3[%add3A_11] : memref<320000xi32, #tpu.memory_space<hbm>> -> memref<128xi32, #tpu.memory_space<hbm>>
    tpu.enqueue_dma source(%dma_start3A_13 : memref<128xi32, #tpu.memory_space<hbm>>) target(%arg8 : memref<128xi32, #tpu.memory_space<vmem>>) target_semaphore(%arg26 : memref<!tpu.dma_semaphore, #tpu.memory_space<semaphore_mem>>)
    %dma_start3A_14 = tpu.memref_slice %arg4[%add3A_11] : memref<320000xi32, #tpu.memory_space<hbm>> -> memref<128xi32, #tpu.memory_space<hbm>>
    %dma_start3A_15 = tpu.memref_slice %arg4[%add3A_11] : memref<320000xi32, #tpu.memory_space<hbm>> -> memref<128xi32, #tpu.memory_space<hbm>>
    tpu.enqueue_dma source(%dma_start3A_15 : memref<128xi32, #tpu.memory_space<hbm>>) target(%arg10 : memref<128xi32, #tpu.memory_space<vmem>>) target_semaphore(%arg26 : memref<!tpu.dma_semaphore, #tpu.memory_space<semaphore_mem>>)
    %dma_start3A_16 = tpu.memref_slice %arg5[%add3A_11] : memref<320000xi32, #tpu.memory_space<hbm>> -> memref<128xi32, #tpu.memory_space<hbm>>
    %dma_start3A_17 = tpu.memref_slice %arg5[%add3A_11] : memref<320000xi32, #tpu.memory_space<hbm>> -> memref<128xi32, #tpu.memory_space<hbm>>
    tpu.enqueue_dma source(%dma_start3A_17 : memref<128xi32, #tpu.memory_space<hbm>>) target(%arg12 : memref<128xi32, #tpu.memory_space<vmem>>) target_semaphore(%arg26 : memref<!tpu.dma_semaphore, #tpu.memory_space<semaphore_mem>>)
    %broadcast_in_dim3A = arith.constant 0.000000e+00 : f32
    %broadcast_in_dim3A_18 = vector.broadcast %broadcast_in_dim3A : f32 to vector<16xf32>
    %scan3A = arith.constant 0 : i32
    %scan3A_19 = arith.constant 0 : i32
    %scan3A_20 = arith.constant 128 : i32
    %scan3A_21 = arith.addi %scan3A_19, %scan3A_20 : i32
    %scan3A_22 = arith.constant 1 : i32
    scf.for %scan3A_861 = %scan3A_19 to %scan3A_21 step %scan3A_22  : i32 {
      %swap3A_862 = arith.index_cast %scan3A_861 : i32 to index
      %swap3A_863 = arith.constant 0 : index
      %swap3A_864 = tpu.vector_load %arg17[%swap3A_862, %swap3A_863] {strides = array<i32>} : memref<128x128xf32, #tpu.memory_space<vmem>>, vector<1x16xf32>,
      %swap3A_865 = vector.shape_cast %swap3A_864 : vector<1x16xf32> to vector<16xf32>
      %swap3A_866 = vector.shape_cast %broadcast_in_dim3A_18 : vector<16xf32> to vector<1x16xf32>
      tpu.vector_store %arg17[%swap3A_862, %swap3A_863], %swap3A_866 {strides = array<i32>} : memref<128x128xf32, #tpu.memory_space<vmem>>, vector<1x16xf32>,
      %swap3A_867 = arith.index_cast %scan3A_861 : i32 to index
      %swap3A_868 = arith.constant 16 : index
      %swap3A_869 = tpu.vector_load %arg17[%swap3A_867, %swap3A_868] {strides = array<i32>} : memref<128x128xf32, #tpu.memory_space<vmem>>, vector<1x16xf32>,
      %swap3A_870 = vector.shape_cast %swap3A_869 : vector<1x16xf32> to vector<16xf32>
      %swap3A_871 = vector.shape_cast %broadcast_in_dim3A_18 : vector<16xf32> to vector<1x16xf32>
      tpu.vector_store %arg17[%swap3A_867, %swap3A_868], %swap3A_871 {strides = array<i32>} : memref<128x128xf32, #tpu.memory_space<vmem>>, vector<1x16xf32>,
      %swap3A_872 = arith.index_cast %scan3A_861 : i32 to index
      %swap3A_873 = arith.constant 32 : index
      %swap3A_874 = tpu.vector_load %arg17[%swap3A_872, %swap3A_873] {strides = array<i32>} : memref<128x128xf32, #tpu.memory_space<vmem>>, vector<1x16xf32>,
      %swap3A_875 = vector.shape_cast %swap3A_874 : vector<1x16xf32> to vector<16xf32>
      %swap3A_876 = vector.shape_cast %broadcast_in_dim3A_18 : vector<16xf32> to vector<1x16xf32>
      tpu.vector_store %arg17[%swap3A_872, %swap3A_873], %swap3A_876 {strides = array<i32>} : memref<128x128xf32, #tpu.memory_space<vmem>>, vector<1x16xf32>,
      %swap3A_877 = arith.index_cast %scan3A_861 : i32 to index
      %swap3A_878 = arith.constant 48 : index
      %swap3A_879 = tpu.vector_load %arg17[%swap3A_877, %swap3A_878] {strides = array<i32>} : memref<128x128xf32, #tpu.memory_space<vmem>>, vector<1x16xf32>,
      %swap3A_880 = vector.shape_cast %swap3A_879 : vector<1x16xf32> to vector<16xf32>
      %swap3A_881 = vector.shape_cast %broadcast_in_dim3A_18 : vector<16xf32> to vector<1x16xf32>
      tpu.vector_store %arg17[%swap3A_877, %swap3A_878], %swap3A_881 {strides = array<i32>} : memref<128x128xf32, #tpu.memory_space<vmem>>, vector<1x16xf32>,
      %swap3A_882 = arith.index_cast %scan3A_861 : i32 to index
      %swap3A_883 = arith.constant 64 : index
      %swap3A_884 = tpu.vector_load %arg17[%swap3A_882, %swap3A_883] {strides = array<i32>} : memref<128x128xf32, #tpu.memory_space<vmem>>, vector<1x16xf32>,
      %swap3A_885 = vector.shape_cast %swap3A_884 : vector<1x16xf32> to vector<16xf32>
      %swap3A_886 = vector.shape_cast %broadcast_in_dim3A_18 : vector<16xf32> to vector<1x16xf32>
      tpu.vector_store %arg17[%swap3A_882, %swap3A_883], %swap3A_886 {strides = array<i32>} : memref<128x128xf32, #tpu.memory_space<vmem>>, vector<1x16xf32>,
      %swap3A_887 = arith.index_cast %scan3A_861 : i32 to index
      %swap3A_888 = arith.constant 80 : index
      %swap3A_889 = tpu.vector_load %arg17[%swap3A_887, %swap3A_888] {strides = array<i32>} : memref<128x128xf32, #tpu.memory_space<vmem>>, vector<1x16xf32>,
      %swap3A_890 = vector.shape_cast %swap3A_889 : vector<1x16xf32> to vector<16xf32>
      %swap3A_891 = vector.shape_cast %broadcast_in_dim3A_18 : vector<16xf32> to vector<1x16xf32>
      tpu.vector_store %arg17[%swap3A_887, %swap3A_888], %swap3A_891 {strides = array<i32>} : memref<128x128xf32, #tpu.memory_space<vmem>>, vector<1x16xf32>,
      %swap3A_892 = arith.index_cast %scan3A_861 : i32 to index
      %swap3A_893 = arith.constant 96 : index
      %swap3A_894 = tpu.vector_load %arg17[%swap3A_892, %swap3A_893] {strides = array<i32>} : memref<128x128xf32, #tpu.memory_space<vmem>>, vector<1x16xf32>,
      %swap3A_895 = vector.shape_cast %swap3A_894 : vector<1x16xf32> to vector<16xf32>
      %swap3A_896 = vector.shape_cast %broadcast_in_dim3A_18 : vector<16xf32> to vector<1x16xf32>
      tpu.vector_store %arg17[%swap3A_892, %swap3A_893], %swap3A_896 {strides = array<i32>} : memref<128x128xf32, #tpu.memory_space<vmem>>, vector<1x16xf32>,
      %swap3A_897 = arith.index_cast %scan3A_861 : i32 to index
      %swap3A_898 = arith.constant 112 : index
      %swap3A_899 = tpu.vector_load %arg17[%swap3A_897, %swap3A_898] {strides = array<i32>} : memref<128x128xf32, #tpu.memory_space<vmem>>, vector<1x16xf32>,
      %swap3A_900 = vector.shape_cast %swap3A_899 : vector<1x16xf32> to vector<16xf32>
      %swap3A_901 = vector.shape_cast %broadcast_in_dim3A_18 : vector<16xf32> to vector<1x16xf32>
      tpu.vector_store %arg17[%swap3A_897, %swap3A_898], %swap3A_901 {strides = array<i32>} : memref<128x128xf32, #tpu.memory_space<vmem>>, vector<1x16xf32>,
    }
    %scan3A_23 = arith.constant 128 : i32
    %mul3A_24 = arith.constant 640 : i32
    %mul3A_25 = arith.muli %arg1, %mul3A_24 : i32
    %add3A_26 = arith.constant 0 : i32
    %add3A_27 = arith.addi %mul3A_25, %add3A_26 : i32
    "tpu.region"() ({
      %run_scoped3A = tpu.sem_alloc : memref<!tpu.dma_semaphore, #tpu.memory_space<semaphore_mem>>
      %dma_start3A_861 = arith.constant 0 : i32
      %dma_start3A_862 = tpu.memref_slice %arg24[%add3A_27, %dma_start3A_861] : memref<10240x128xf32, #tpu.memory_space<vmem_shared>> -> memref<128x128xf32, #tpu.memory_space<vmem_shared>>
      %dma_start3A_863 = arith.constant 0 : i32
      %dma_start3A_864 = tpu.memref_slice %arg24[%add3A_27, %dma_start3A_863] : memref<10240x128xf32, #tpu.memory_space<vmem_shared>> -> memref<128x128xf32, #tpu.memory_space<vmem_shared>>
      tpu.enqueue_dma source(%arg17 : memref<128x128xf32, #tpu.memory_space<vmem>>) target(%dma_start3A_864 : memref<128x128xf32, #tpu.memory_space<vmem_shared>>) target_semaphore(%run_scoped3A : memref<!tpu.dma_semaphore, #tpu.memory_space<semaphore_mem>>)
      %dma_wait3A_865 = arith.constant 0 : i32
      %dma_wait3A_866 = tpu.memref_slice %arg24[%add3A_27, %dma_wait3A_865] : memref<10240x128xf32, #tpu.memory_space<vmem_shared>> -> memref<128x128xf32, #tpu.memory_space<vmem_shared>>
      %dma_wait3A_867 = arith.constant 0 : i32
      %dma_wait3A_868 = tpu.memref_slice %arg24[%add3A_27, %dma_wait3A_867] : memref<10240x128xf32, #tpu.memory_space<vmem_shared>> -> memref<128x128xf32, #tpu.memory_space<vmem_shared>>
      tpu.wait_dma2 semaphore(%run_scoped3A : memref<!tpu.dma_semaphore, #tpu.memory_space<semaphore_mem>>) src(%arg17 : memref<128x128xf32, #tpu.memory_space<vmem>>) dst(%dma_wait3A_868 : memref<128x128xf32, #tpu.memory_space<vmem_shared>>)
      tpu.yield
    }) : () -> ()
    %mul3A_28 = arith.constant 640 : i32
    %mul3A_29 = arith.muli %arg1, %mul3A_28 : i32
    %add3A_30 = arith.constant 128 : i32
    %add3A_31 = arith.addi %mul3A_29, %add3A_30 : i32
    "tpu.region"() ({
      %run_scoped3A = tpu.sem_alloc : memref<!tpu.dma_semaphore, #tpu.memory_space<semaphore_mem>>
      %dma_start3A_861 = arith.constant 0 : i32
      %dma_start3A_862 = tpu.memref_slice %arg24[%add3A_31, %dma_start3A_861] : memref<10240x128xf32, #tpu.memory_space<vmem_shared>> -> memref<128x128xf32, #tpu.memory_space<vmem_shared>>
      %dma_start3A_863 = arith.constant 0 : i32
      %dma_start3A_864 = tpu.memref_slice %arg24[%add3A_31, %dma_start3A_863] : memref<10240x128xf32, #tpu.memory_space<vmem_shared>> -> memref<128x128xf32, #tpu.memory_space<vmem_shared>>
      tpu.enqueue_dma source(%arg17 : memref<128x128xf32, #tpu.memory_space<vmem>>) target(%dma_start3A_864 : memref<128x128xf32, #tpu.memory_space<vmem_shared>>) target_semaphore(%run_scoped3A : memref<!tpu.dma_semaphore, #tpu.memory_space<semaphore_mem>>)
      %dma_wait3A_865 = arith.constant 0 : i32
      %dma_wait3A_866 = tpu.memref_slice %arg24[%add3A_31, %dma_wait3A_865] : memref<10240x128xf32, #tpu.memory_space<vmem_shared>> -> memref<128x128xf32, #tpu.memory_space<vmem_shared>>
      %dma_wait3A_867 = arith.constant 0 : i32
      %dma_wait3A_868 = tpu.memref_slice %arg24[%add3A_31, %dma_wait3A_867] : memref<10240x128xf32, #tpu.memory_space<vmem_shared>> -> memref<128x128xf32, #tpu.memory_space<vmem_shared>>
      tpu.wait_dma2 semaphore(%run_scoped3A : memref<!tpu.dma_semaphore, #tpu.memory_space<semaphore_mem>>) src(%arg17 : memref<128x128xf32, #tpu.memory_space<vmem>>) dst(%dma_wait3A_868 : memref<128x128xf32, #tpu.memory_space<vmem_shared>>)
      tpu.yield
    }) : () -> ()
    %mul3A_32 = arith.constant 640 : i32
    %mul3A_33 = arith.muli %arg1, %mul3A_32 : i32
    %add3A_34 = arith.constant 256 : i32
    %add3A_35 = arith.addi %mul3A_33, %add3A_34 : i32
    "tpu.region"() ({
      %run_scoped3A = tpu.sem_alloc : memref<!tpu.dma_semaphore, #tpu.memory_space<semaphore_mem>>
      %dma_start3A_861 = arith.constant 0 : i32
      %dma_start3A_862 = tpu.memref_slice %arg24[%add3A_35, %dma_start3A_861] : memref<10240x128xf32, #tpu.memory_space<vmem_shared>> -> memref<128x128xf32, #tpu.memory_space<vmem_shared>>
      %dma_start3A_863 = arith.constant 0 : i32
      %dma_start3A_864 = tpu.memref_slice %arg24[%add3A_35, %dma_start3A_863] : memref<10240x128xf32, #tpu.memory_space<vmem_shared>> -> memref<128x128xf32, #tpu.memory_space<vmem_shared>>
      tpu.enqueue_dma source(%arg17 : memref<128x128xf32, #tpu.memory_space<vmem>>) target(%dma_start3A_864 : memref<128x128xf32, #tpu.memory_space<vmem_shared>>) target_semaphore(%run_scoped3A : memref<!tpu.dma_semaphore, #tpu.memory_space<semaphore_mem>>)
      %dma_wait3A_865 = arith.constant 0 : i32
      %dma_wait3A_866 = tpu.memref_slice %arg24[%add3A_35, %dma_wait3A_865] : memref<10240x128xf32, #tpu.memory_space<vmem_shared>> -> memref<128x128xf32, #tpu.memory_space<vmem_shared>>
      %dma_wait3A_867 = arith.constant 0 : i32
      %dma_wait3A_868 = tpu.memref_slice %arg24[%add3A_35, %dma_wait3A_867] : memref<10240x128xf32, #tpu.memory_space<vmem_shared>> -> memref<128x128xf32, #tpu.memory_space<vmem_shared>>
      tpu.wait_dma2 semaphore(%run_scoped3A : memref<!tpu.dma_semaphore, #tpu.memory_space<semaphore_mem>>) src(%arg17 : memref<128x128xf32, #tpu.memory_space<vmem>>) dst(%dma_wait3A_868 : memref<128x128xf32, #tpu.memory_space<vmem_shared>>)
      tpu.yield
    }) : () -> ()
    %mul3A_36 = arith.constant 640 : i32
    %mul3A_37 = arith.muli %arg1, %mul3A_36 : i32
    %add3A_38 = arith.constant 384 : i32
    %add3A_39 = arith.addi %mul3A_37, %add3A_38 : i32
    "tpu.region"() ({
      %run_scoped3A = tpu.sem_alloc : memref<!tpu.dma_semaphore, #tpu.memory_space<semaphore_mem>>
      %dma_start3A_861 = arith.constant 0 : i32
      %dma_start3A_862 = tpu.memref_slice %arg24[%add3A_39, %dma_start3A_861] : memref<10240x128xf32, #tpu.memory_space<vmem_shared>> -> memref<128x128xf32, #tpu.memory_space<vmem_shared>>
      %dma_start3A_863 = arith.constant 0 : i32
      %dma_start3A_864 = tpu.memref_slice %arg24[%add3A_39, %dma_start3A_863] : memref<10240x128xf32, #tpu.memory_space<vmem_shared>> -> memref<128x128xf32, #tpu.memory_space<vmem_shared>>
      tpu.enqueue_dma source(%arg17 : memref<128x128xf32, #tpu.memory_space<vmem>>) target(%dma_start3A_864 : memref<128x128xf32, #tpu.memory_space<vmem_shared>>) target_semaphore(%run_scoped3A : memref<!tpu.dma_semaphore, #tpu.memory_space<semaphore_mem>>)
      %dma_wait3A_865 = arith.constant 0 : i32
      %dma_wait3A_866 = tpu.memref_slice %arg24[%add3A_39, %dma_wait3A_865] : memref<10240x128xf32, #tpu.memory_space<vmem_shared>> -> memref<128x128xf32, #tpu.memory_space<vmem_shared>>
      %dma_wait3A_867 = arith.constant 0 : i32
      %dma_wait3A_868 = tpu.memref_slice %arg24[%add3A_39, %dma_wait3A_867] : memref<10240x128xf32, #tpu.memory_space<vmem_shared>> -> memref<128x128xf32, #tpu.memory_space<vmem_shared>>
      tpu.wait_dma2 semaphore(%run_scoped3A : memref<!tpu.dma_semaphore, #tpu.memory_space<semaphore_mem>>) src(%arg17 : memref<128x128xf32, #tpu.memory_space<vmem>>) dst(%dma_wait3A_868 : memref<128x128xf32, #tpu.memory_space<vmem_shared>>)
      tpu.yield
    }) : () -> ()
    %mul3A_40 = arith.constant 640 : i32
    %mul3A_41 = arith.muli %arg1, %mul3A_40 : i32
    %add3A_42 = arith.constant 512 : i32
    %add3A_43 = arith.addi %mul3A_41, %add3A_42 : i32
    "tpu.region"() ({
      %run_scoped3A = tpu.sem_alloc : memref<!tpu.dma_semaphore, #tpu.memory_space<semaphore_mem>>
      %dma_start3A_861 = arith.constant 0 : i32
      %dma_start3A_862 = tpu.memref_slice %arg24[%add3A_43, %dma_start3A_861] : memref<10240x128xf32, #tpu.memory_space<vmem_shared>> -> memref<128x128xf32, #tpu.memory_space<vmem_shared>>
      %dma_start3A_863 = arith.constant 0 : i32
      %dma_start3A_864 = tpu.memref_slice %arg24[%add3A_43, %dma_start3A_863] : memref<10240x128xf32, #tpu.memory_space<vmem_shared>> -> memref<128x128xf32, #tpu.memory_space<vmem_shared>>
      tpu.enqueue_dma source(%arg17 : memref<128x128xf32, #tpu.memory_space<vmem>>) target(%dma_start3A_864 : memref<128x128xf32, #tpu.memory_space<vmem_shared>>) target_semaphore(%run_scoped3A : memref<!tpu.dma_semaphore, #tpu.memory_space<semaphore_mem>>)
      %dma_wait3A_865 = arith.constant 0 : i32
      %dma_wait3A_866 = tpu.memref_slice %arg24[%add3A_43, %dma_wait3A_865] : memref<10240x128xf32, #tpu.memory_space<vmem_shared>> -> memref<128x128xf32, #tpu.memory_space<vmem_shared>>
      %dma_wait3A_867 = arith.constant 0 : i32
      %dma_wait3A_868 = tpu.memref_slice %arg24[%add3A_43, %dma_wait3A_867] : memref<10240x128xf32, #tpu.memory_space<vmem_shared>> -> memref<128x128xf32, #tpu.memory_space<vmem_shared>>
      tpu.wait_dma2 semaphore(%run_scoped3A : memref<!tpu.dma_semaphore, #tpu.memory_space<semaphore_mem>>) src(%arg17 : memref<128x128xf32, #tpu.memory_space<vmem>>) dst(%dma_wait3A_868 : memref<128x128xf32, #tpu.memory_space<vmem_shared>>)
      tpu.yield
    }) : () -> ()
    %barrier3A = arith.constant 0 : index
    tpu.barrier barrier_id(%barrier3A)
    %dma_wait3A = arith.constant 0 : i32
    %dma_wait3A_44 = tpu.memref_slice %arg3[%dma_wait3A] : memref<320000xi32, #tpu.memory_space<hbm>> -> memref<128xi32, #tpu.memory_space<hbm>>
    %dma_wait3A_45 = arith.constant 0 : i32
    %dma_wait3A_46 = tpu.memref_slice %arg3[%dma_wait3A_45] : memref<320000xi32, #tpu.memory_space<hbm>> -> memref<128xi32, #tpu.memory_space<hbm>>
    tpu.wait_dma2 semaphore(%arg25 : memref<!tpu.dma_semaphore, #tpu.memory_space<semaphore_mem>>) src(%dma_wait3A_46 : memref<128xi32, #tpu.memory_space<hbm>>) dst(%arg7 : memref<128xi32, #tpu.memory_space<vmem>>)
    %dma_wait3A_47 = arith.constant 0 : i32
    %dma_wait3A_48 = tpu.memref_slice %arg4[%dma_wait3A_47] : memref<320000xi32, #tpu.memory_space<hbm>> -> memref<128xi32, #tpu.memory_space<hbm>>
    %dma_wait3A_49 = arith.constant 0 : i32
    %dma_wait3A_50 = tpu.memref_slice %arg4[%dma_wait3A_49] : memref<320000xi32, #tpu.memory_space<hbm>> -> memref<128xi32, #tpu.memory_space<hbm>>
    tpu.wait_dma2 semaphore(%arg25 : memref<!tpu.dma_semaphore, #tpu.memory_space<semaphore_mem>>) src(%dma_wait3A_50 : memref<128xi32, #tpu.memory_space<hbm>>) dst(%arg9 : memref<128xi32, #tpu.memory_space<vmem>>)
    %dma_wait3A_51 = arith.constant 0 : i32
    %dma_wait3A_52 = tpu.memref_slice %arg5[%dma_wait3A_51] : memref<320000xi32, #tpu.memory_space<hbm>> -> memref<128xi32, #tpu.memory_space<hbm>>
    %dma_wait3A_53 = arith.constant 0 : i32
    %dma_wait3A_54 = tpu.memref_slice %arg5[%dma_wait3A_53] : memref<320000xi32, #tpu.memory_space<hbm>> -> memref<128xi32, #tpu.memory_space<hbm>>
    tpu.wait_dma2 semaphore(%arg25 : memref<!tpu.dma_semaphore, #tpu.memory_space<semaphore_mem>>) src(%dma_wait3A_54 : memref<128xi32, #tpu.memory_space<hbm>>) dst(%arg11 : memref<128xi32, #tpu.memory_space<vmem>>)
    %get3A = arith.constant 0 : index
    %get3A_55 = tpu.vector_load %arg9[%get3A] {strides = array<i32>} : memref<128xi32, #tpu.memory_space<vmem>>, vector<16xi32>,
    %get3A_56 = vector.shape_cast %get3A_55 : vector<16xi32> to vector<16xi32>
    %mul3A_57 = arith.constant 10000 : i32
    %mul3A_58 = vector.broadcast %mul3A_57 : i32 to vector<16xi32>
    %mul3A_59 = arith.muli %get3A_56, %mul3A_58 : vector<16xi32>
    %get3A_60 = arith.constant 0 : index
    %get3A_61 = tpu.vector_load %arg7[%get3A_60] {strides = array<i32>} : memref<128xi32, #tpu.memory_space<vmem>>, vector<16xi32>,
    %get3A_62 = vector.shape_cast %get3A_61 : vector<16xi32> to vector<16xi32>
    %add3A_63 = arith.addi %mul3A_59, %get3A_62 : vector<16xi32>
    %swap3A = arith.constant 0 : index
    %swap3A_64 = tpu.vector_load %arg13[%swap3A] {strides = array<i32>} : memref<128xi32, #tpu.memory_space<vmem>>, vector<16xi32>,
    %swap3A_65 = vector.shape_cast %swap3A_64 : vector<16xi32> to vector<16xi32>
    %swap3A_66 = vector.shape_cast %add3A_63 : vector<16xi32> to vector<16xi32>
    tpu.vector_store %arg13[%swap3A], %swap3A_66 {strides = array<i32>} : memref<128xi32, #tpu.memory_space<vmem>>, vector<16xi32>,
    %get3A_67 = arith.constant 0 : index
    %get3A_68 = tpu.vector_load %arg11[%get3A_67] {strides = array<i32>} : memref<128xi32, #tpu.memory_space<vmem>>, vector<16xi32>,
    %get3A_69 = vector.shape_cast %get3A_68 : vector<16xi32> to vector<16xi32>
    %swap3A_70 = arith.constant 0 : index
    %swap3A_71 = tpu.vector_load %arg15[%swap3A_70] {strides = array<i32>} : memref<128xi32, #tpu.memory_space<vmem>>, vector<16xi32>,
    %swap3A_72 = vector.shape_cast %swap3A_71 : vector<16xi32> to vector<16xi32>
    %swap3A_73 = vector.shape_cast %get3A_69 : vector<16xi32> to vector<16xi32>
    tpu.vector_store %arg15[%swap3A_70], %swap3A_73 {strides = array<i32>} : memref<128xi32, #tpu.memory_space<vmem>>, vector<16xi32>,
    %get3A_74 = arith.constant 16 : index
    %get3A_75 = tpu.vector_load %arg9[%get3A_74] {strides = array<i32>} : memref<128xi32, #tpu.memory_space<vmem>>, vector<16xi32>,
    %get3A_76 = vector.shape_cast %get3A_75 : vector<16xi32> to vector<16xi32>
    %mul3A_77 = arith.constant 10000 : i32
    %mul3A_78 = vector.broadcast %mul3A_77 : i32 to vector<16xi32>
    %mul3A_79 = arith.muli %get3A_76, %mul3A_78 : vector<16xi32>
    %get3A_80 = arith.constant 16 : index
    %get3A_81 = tpu.vector_load %arg7[%get3A_80] {strides = array<i32>} : memref<128xi32, #tpu.memory_space<vmem>>, vector<16xi32>,
    %get3A_82 = vector.shape_cast %get3A_81 : vector<16xi32> to vector<16xi32>
    %add3A_83 = arith.addi %mul3A_79, %get3A_82 : vector<16xi32>
    %swap3A_84 = arith.constant 16 : index
    %swap3A_85 = tpu.vector_load %arg13[%swap3A_84] {strides = array<i32>} : memref<128xi32, #tpu.memory_space<vmem>>, vector<16xi32>,
    %swap3A_86 = vector.shape_cast %swap3A_85 : vector<16xi32> to vector<16xi32>
    %swap3A_87 = vector.shape_cast %add3A_83 : vector<16xi32> to vector<16xi32>
    tpu.vector_store %arg13[%swap3A_84], %swap3A_87 {strides = array<i32>} : memref<128xi32, #tpu.memory_space<vmem>>, vector<16xi32>,
    %get3A_88 = arith.constant 16 : index
    %get3A_89 = tpu.vector_load %arg11[%get3A_88] {strides = array<i32>} : memref<128xi32, #tpu.memory_space<vmem>>, vector<16xi32>,
    %get3A_90 = vector.shape_cast %get3A_89 : vector<16xi32> to vector<16xi32>
    %swap3A_91 = arith.constant 16 : index
    %swap3A_92 = tpu.vector_load %arg15[%swap3A_91] {strides = array<i32>} : memref<128xi32, #tpu.memory_space<vmem>>, vector<16xi32>,
    %swap3A_93 = vector.shape_cast %swap3A_92 : vector<16xi32> to vector<16xi32>
    %swap3A_94 = vector.shape_cast %get3A_90 : vector<16xi32> to vector<16xi32>
    tpu.vector_store %arg15[%swap3A_91], %swap3A_94 {strides = array<i32>} : memref<128xi32, #tpu.memory_space<vmem>>, vector<16xi32>,
    %get3A_95 = arith.constant 32 : index
    %get3A_96 = tpu.vector_load %arg9[%get3A_95] {strides = array<i32>} : memref<128xi32, #tpu.memory_space<vmem>>, vector<16xi32>,
    %get3A_97 = vector.shape_cast %get3A_96 : vector<16xi32> to vector<16xi32>
    %mul3A_98 = arith.constant 10000 : i32
    %mul3A_99 = vector.broadcast %mul3A_98 : i32 to vector<16xi32>
    %mul3A_100 = arith.muli %get3A_97, %mul3A_99 : vector<16xi32>
    %get3A_101 = arith.constant 32 : index
    %get3A_102 = tpu.vector_load %arg7[%get3A_101] {strides = array<i32>} : memref<128xi32, #tpu.memory_space<vmem>>, vector<16xi32>,
    %get3A_103 = vector.shape_cast %get3A_102 : vector<16xi32> to vector<16xi32>
    %add3A_104 = arith.addi %mul3A_100, %get3A_103 : vector<16xi32>
    %swap3A_105 = arith.constant 32 : index
    %swap3A_106 = tpu.vector_load %arg13[%swap3A_105] {strides = array<i32>} : memref<128xi32, #tpu.memory_space<vmem>>, vector<16xi32>,
    %swap3A_107 = vector.shape_cast %swap3A_106 : vector<16xi32> to vector<16xi32>
    %swap3A_108 = vector.shape_cast %add3A_104 : vector<16xi32> to vector<16xi32>
    tpu.vector_store %arg13[%swap3A_105], %swap3A_108 {strides = array<i32>} : memref<128xi32, #tpu.memory_space<vmem>>, vector<16xi32>,
    %get3A_109 = arith.constant 32 : index
    %get3A_110 = tpu.vector_load %arg11[%get3A_109] {strides = array<i32>} : memref<128xi32, #tpu.memory_space<vmem>>, vector<16xi32>,
    %get3A_111 = vector.shape_cast %get3A_110 : vector<16xi32> to vector<16xi32>
    %swap3A_112 = arith.constant 32 : index
    %swap3A_113 = tpu.vector_load %arg15[%swap3A_112] {strides = array<i32>} : memref<128xi32, #tpu.memory_space<vmem>>, vector<16xi32>,
    %swap3A_114 = vector.shape_cast %swap3A_113 : vector<16xi32> to vector<16xi32>
    %swap3A_115 = vector.shape_cast %get3A_111 : vector<16xi32> to vector<16xi32>
    tpu.vector_store %arg15[%swap3A_112], %swap3A_115 {strides = array<i32>} : memref<128xi32, #tpu.memory_space<vmem>>, vector<16xi32>,
    %get3A_116 = arith.constant 48 : index
    %get3A_117 = tpu.vector_load %arg9[%get3A_116] {strides = array<i32>} : memref<128xi32, #tpu.memory_space<vmem>>, vector<16xi32>,
    %get3A_118 = vector.shape_cast %get3A_117 : vector<16xi32> to vector<16xi32>
    %mul3A_119 = arith.constant 10000 : i32
    %mul3A_120 = vector.broadcast %mul3A_119 : i32 to vector<16xi32>
    %mul3A_121 = arith.muli %get3A_118, %mul3A_120 : vector<16xi32>
    %get3A_122 = arith.constant 48 : index
    %get3A_123 = tpu.vector_load %arg7[%get3A_122] {strides = array<i32>} : memref<128xi32, #tpu.memory_space<vmem>>, vector<16xi32>,
    %get3A_124 = vector.shape_cast %get3A_123 : vector<16xi32> to vector<16xi32>
    %add3A_125 = arith.addi %mul3A_121, %get3A_124 : vector<16xi32>
    %swap3A_126 = arith.constant 48 : index
    %swap3A_127 = tpu.vector_load %arg13[%swap3A_126] {strides = array<i32>} : memref<128xi32, #tpu.memory_space<vmem>>, vector<16xi32>,
    %swap3A_128 = vector.shape_cast %swap3A_127 : vector<16xi32> to vector<16xi32>
    %swap3A_129 = vector.shape_cast %add3A_125 : vector<16xi32> to vector<16xi32>
    tpu.vector_store %arg13[%swap3A_126], %swap3A_129 {strides = array<i32>} : memref<128xi32, #tpu.memory_space<vmem>>, vector<16xi32>,
    %get3A_130 = arith.constant 48 : index
    %get3A_131 = tpu.vector_load %arg11[%get3A_130] {strides = array<i32>} : memref<128xi32, #tpu.memory_space<vmem>>, vector<16xi32>,
    %get3A_132 = vector.shape_cast %get3A_131 : vector<16xi32> to vector<16xi32>
    %swap3A_133 = arith.constant 48 : index
    %swap3A_134 = tpu.vector_load %arg15[%swap3A_133] {strides = array<i32>} : memref<128xi32, #tpu.memory_space<vmem>>, vector<16xi32>,
    %swap3A_135 = vector.shape_cast %swap3A_134 : vector<16xi32> to vector<16xi32>
    %swap3A_136 = vector.shape_cast %get3A_132 : vector<16xi32> to vector<16xi32>
    tpu.vector_store %arg15[%swap3A_133], %swap3A_136 {strides = array<i32>} : memref<128xi32, #tpu.memory_space<vmem>>, vector<16xi32>,
    %get3A_137 = arith.constant 64 : index
    %get3A_138 = tpu.vector_load %arg9[%get3A_137] {strides = array<i32>} : memref<128xi32, #tpu.memory_space<vmem>>, vector<16xi32>,
    %get3A_139 = vector.shape_cast %get3A_138 : vector<16xi32> to vector<16xi32>
    %mul3A_140 = arith.constant 10000 : i32
    %mul3A_141 = vector.broadcast %mul3A_140 : i32 to vector<16xi32>
    %mul3A_142 = arith.muli %get3A_139, %mul3A_141 : vector<16xi32>
    %get3A_143 = arith.constant 64 : index
    %get3A_144 = tpu.vector_load %arg7[%get3A_143] {strides = array<i32>} : memref<128xi32, #tpu.memory_space<vmem>>, vector<16xi32>,
    %get3A_145 = vector.shape_cast %get3A_144 : vector<16xi32> to vector<16xi32>
    %add3A_146 = arith.addi %mul3A_142, %get3A_145 : vector<16xi32>
    %swap3A_147 = arith.constant 64 : index
    %swap3A_148 = tpu.vector_load %arg13[%swap3A_147] {strides = array<i32>} : memref<128xi32, #tpu.memory_space<vmem>>, vector<16xi32>,
    %swap3A_149 = vector.shape_cast %swap3A_148 : vector<16xi32> to vector<16xi32>
    %swap3A_150 = vector.shape_cast %add3A_146 : vector<16xi32> to vector<16xi32>
    tpu.vector_store %arg13[%swap3A_147], %swap3A_150 {strides = array<i32>} : memref<128xi32, #tpu.memory_space<vmem>>, vector<16xi32>,
    %get3A_151 = arith.constant 64 : index
    %get3A_152 = tpu.vector_load %arg11[%get3A_151] {strides = array<i32>} : memref<128xi32, #tpu.memory_space<vmem>>, vector<16xi32>,
    %get3A_153 = vector.shape_cast %get3A_152 : vector<16xi32> to vector<16xi32>
    %swap3A_154 = arith.constant 64 : index
    %swap3A_155 = tpu.vector_load %arg15[%swap3A_154] {strides = array<i32>} : memref<128xi32, #tpu.memory_space<vmem>>, vector<16xi32>,
    %swap3A_156 = vector.shape_cast %swap3A_155 : vector<16xi32> to vector<16xi32>
    %swap3A_157 = vector.shape_cast %get3A_153 : vector<16xi32> to vector<16xi32>
    tpu.vector_store %arg15[%swap3A_154], %swap3A_157 {strides = array<i32>} : memref<128xi32, #tpu.memory_space<vmem>>, vector<16xi32>,
    %get3A_158 = arith.constant 80 : index
    %get3A_159 = tpu.vector_load %arg9[%get3A_158] {strides = array<i32>} : memref<128xi32, #tpu.memory_space<vmem>>, vector<16xi32>,
    %get3A_160 = vector.shape_cast %get3A_159 : vector<16xi32> to vector<16xi32>
    %mul3A_161 = arith.constant 10000 : i32
    %mul3A_162 = vector.broadcast %mul3A_161 : i32 to vector<16xi32>
    %mul3A_163 = arith.muli %get3A_160, %mul3A_162 : vector<16xi32>
    %get3A_164 = arith.constant 80 : index
    %get3A_165 = tpu.vector_load %arg7[%get3A_164] {strides = array<i32>} : memref<128xi32, #tpu.memory_space<vmem>>, vector<16xi32>,
    %get3A_166 = vector.shape_cast %get3A_165 : vector<16xi32> to vector<16xi32>
    %add3A_167 = arith.addi %mul3A_163, %get3A_166 : vector<16xi32>
    %swap3A_168 = arith.constant 80 : index
    %swap3A_169 = tpu.vector_load %arg13[%swap3A_168] {strides = array<i32>} : memref<128xi32, #tpu.memory_space<vmem>>, vector<16xi32>,
    %swap3A_170 = vector.shape_cast %swap3A_169 : vector<16xi32> to vector<16xi32>
    %swap3A_171 = vector.shape_cast %add3A_167 : vector<16xi32> to vector<16xi32>
    tpu.vector_store %arg13[%swap3A_168], %swap3A_171 {strides = array<i32>} : memref<128xi32, #tpu.memory_space<vmem>>, vector<16xi32>,
    %get3A_172 = arith.constant 80 : index
    %get3A_173 = tpu.vector_load %arg11[%get3A_172] {strides = array<i32>} : memref<128xi32, #tpu.memory_space<vmem>>, vector<16xi32>,
    %get3A_174 = vector.shape_cast %get3A_173 : vector<16xi32> to vector<16xi32>
    %swap3A_175 = arith.constant 80 : index
    %swap3A_176 = tpu.vector_load %arg15[%swap3A_175] {strides = array<i32>} : memref<128xi32, #tpu.memory_space<vmem>>, vector<16xi32>,
    %swap3A_177 = vector.shape_cast %swap3A_176 : vector<16xi32> to vector<16xi32>
    %swap3A_178 = vector.shape_cast %get3A_174 : vector<16xi32> to vector<16xi32>
    tpu.vector_store %arg15[%swap3A_175], %swap3A_178 {strides = array<i32>} : memref<128xi32, #tpu.memory_space<vmem>>, vector<16xi32>,
    %get3A_179 = arith.constant 96 : index
    %get3A_180 = tpu.vector_load %arg9[%get3A_179] {strides = array<i32>} : memref<128xi32, #tpu.memory_space<vmem>>, vector<16xi32>,
    %get3A_181 = vector.shape_cast %get3A_180 : vector<16xi32> to vector<16xi32>
    %mul3A_182 = arith.constant 10000 : i32
    %mul3A_183 = vector.broadcast %mul3A_182 : i32 to vector<16xi32>
    %mul3A_184 = arith.muli %get3A_181, %mul3A_183 : vector<16xi32>
    %get3A_185 = arith.constant 96 : index
    %get3A_186 = tpu.vector_load %arg7[%get3A_185] {strides = array<i32>} : memref<128xi32, #tpu.memory_space<vmem>>, vector<16xi32>,
    %get3A_187 = vector.shape_cast %get3A_186 : vector<16xi32> to vector<16xi32>
    %add3A_188 = arith.addi %mul3A_184, %get3A_187 : vector<16xi32>
    %swap3A_189 = arith.constant 96 : index
    %swap3A_190 = tpu.vector_load %arg13[%swap3A_189] {strides = array<i32>} : memref<128xi32, #tpu.memory_space<vmem>>, vector<16xi32>,
    %swap3A_191 = vector.shape_cast %swap3A_190 : vector<16xi32> to vector<16xi32>
    %swap3A_192 = vector.shape_cast %add3A_188 : vector<16xi32> to vector<16xi32>
    tpu.vector_store %arg13[%swap3A_189], %swap3A_192 {strides = array<i32>} : memref<128xi32, #tpu.memory_space<vmem>>, vector<16xi32>,
    %get3A_193 = arith.constant 96 : index
    %get3A_194 = tpu.vector_load %arg11[%get3A_193] {strides = array<i32>} : memref<128xi32, #tpu.memory_space<vmem>>, vector<16xi32>,
    %get3A_195 = vector.shape_cast %get3A_194 : vector<16xi32> to vector<16xi32>
    %swap3A_196 = arith.constant 96 : index
    %swap3A_197 = tpu.vector_load %arg15[%swap3A_196] {strides = array<i32>} : memref<128xi32, #tpu.memory_space<vmem>>, vector<16xi32>,
    %swap3A_198 = vector.shape_cast %swap3A_197 : vector<16xi32> to vector<16xi32>
    %swap3A_199 = vector.shape_cast %get3A_195 : vector<16xi32> to vector<16xi32>
    tpu.vector_store %arg15[%swap3A_196], %swap3A_199 {strides = array<i32>} : memref<128xi32, #tpu.memory_space<vmem>>, vector<16xi32>,
    %get3A_200 = arith.constant 112 : index
    %get3A_201 = tpu.vector_load %arg9[%get3A_200] {strides = array<i32>} : memref<128xi32, #tpu.memory_space<vmem>>, vector<16xi32>,
    %get3A_202 = vector.shape_cast %get3A_201 : vector<16xi32> to vector<16xi32>
    %mul3A_203 = arith.constant 10000 : i32
    %mul3A_204 = vector.broadcast %mul3A_203 : i32 to vector<16xi32>
    %mul3A_205 = arith.muli %get3A_202, %mul3A_204 : vector<16xi32>
    %get3A_206 = arith.constant 112 : index
    %get3A_207 = tpu.vector_load %arg7[%get3A_206] {strides = array<i32>} : memref<128xi32, #tpu.memory_space<vmem>>, vector<16xi32>,
    %get3A_208 = vector.shape_cast %get3A_207 : vector<16xi32> to vector<16xi32>
    %add3A_209 = arith.addi %mul3A_205, %get3A_208 : vector<16xi32>
    %swap3A_210 = arith.constant 112 : index
    %swap3A_211 = tpu.vector_load %arg13[%swap3A_210] {strides = array<i32>} : memref<128xi32, #tpu.memory_space<vmem>>, vector<16xi32>,
    %swap3A_212 = vector.shape_cast %swap3A_211 : vector<16xi32> to vector<16xi32>
    %swap3A_213 = vector.shape_cast %add3A_209 : vector<16xi32> to vector<16xi32>
    tpu.vector_store %arg13[%swap3A_210], %swap3A_213 {strides = array<i32>} : memref<128xi32, #tpu.memory_space<vmem>>, vector<16xi32>,
    %get3A_214 = arith.constant 112 : index
    %get3A_215 = tpu.vector_load %arg11[%get3A_214] {strides = array<i32>} : memref<128xi32, #tpu.memory_space<vmem>>, vector<16xi32>,
    %get3A_216 = vector.shape_cast %get3A_215 : vector<16xi32> to vector<16xi32>
    %swap3A_217 = arith.constant 112 : index
    %swap3A_218 = tpu.vector_load %arg15[%swap3A_217] {strides = array<i32>} : memref<128xi32, #tpu.memory_space<vmem>>, vector<16xi32>,
    %swap3A_219 = vector.shape_cast %swap3A_218 : vector<16xi32> to vector<16xi32>
    %swap3A_220 = vector.shape_cast %get3A_216 : vector<16xi32> to vector<16xi32>
    tpu.vector_store %arg15[%swap3A_217], %swap3A_220 {strides = array<i32>} : memref<128xi32, #tpu.memory_space<vmem>>, vector<16xi32>,
    %dma_start3A_221 = arith.constant 0 : i32
    %dma_start3A_222 = arith.constant 0 : i32
    %dma_start3A_223 = tpu.memref_slice %arg2[%dma_start3A_221, %dma_start3A_222] : memref<160000x128xf32, #tpu.memory_space<hbm>> -> memref<160000x128xf32, #tpu.memory_space<hbm>>
    tpu.enqueue_indirect_dma source(%dma_start3A_223 : memref<160000x128xf32, #tpu.memory_space<hbm>>) target(%arg17 : memref<128x128xf32, #tpu.memory_space<vmem>>) offsets(%arg13 : memref<128xi32, #tpu.memory_space<vmem>>) semaphore(%arg27 : memref<!tpu.dma_semaphore, #tpu.memory_space<semaphore_mem>>)
    %add3A_224 = arith.constant 256 : i32
    %add3A_225 = arith.addi %mul3A_2, %add3A_224 : i32
    %dma_start3A_226 = tpu.memref_slice %arg3[%add3A_225] : memref<320000xi32, #tpu.memory_space<hbm>> -> memref<128xi32, #tpu.memory_space<hbm>>
    %dma_start3A_227 = tpu.memref_slice %arg3[%add3A_225] : memref<320000xi32, #tpu.memory_space<hbm>> -> memref<128xi32, #tpu.memory_space<hbm>>
    tpu.enqueue_dma source(%dma_start3A_227 : memref<128xi32, #tpu.memory_space<hbm>>) target(%arg7 : memref<128xi32, #tpu.memory_space<vmem>>) target_semaphore(%arg25 : memref<!tpu.dma_semaphore, #tpu.memory_space<semaphore_mem>>)
    %dma_start3A_228 = tpu.memref_slice %arg4[%add3A_225] : memref<320000xi32, #tpu.memory_space<hbm>> -> memref<128xi32, #tpu.memory_space<hbm>>
    %dma_start3A_229 = tpu.memref_slice %arg4[%add3A_225] : memref<320000xi32, #tpu.memory_space<hbm>> -> memref<128xi32, #tpu.memory_space<hbm>>
    tpu.enqueue_dma source(%dma_start3A_229 : memref<128xi32, #tpu.memory_space<hbm>>) target(%arg9 : memref<128xi32, #tpu.memory_space<vmem>>) target_semaphore(%arg25 : memref<!tpu.dma_semaphore, #tpu.memory_space<semaphore_mem>>)
    %dma_start3A_230 = tpu.memref_slice %arg5[%add3A_225] : memref<320000xi32, #tpu.memory_space<hbm>> -> memref<128xi32, #tpu.memory_space<hbm>>
    %dma_start3A_231 = tpu.memref_slice %arg5[%add3A_225] : memref<320000xi32, #tpu.memory_space<hbm>> -> memref<128xi32, #tpu.memory_space<hbm>>
    tpu.enqueue_dma source(%dma_start3A_231 : memref<128xi32, #tpu.memory_space<hbm>>) target(%arg11 : memref<128xi32, #tpu.memory_space<vmem>>) target_semaphore(%arg25 : memref<!tpu.dma_semaphore, #tpu.memory_space<semaphore_mem>>)
    %dma_wait3A_232 = arith.constant 0 : i32
    %dma_wait3A_233 = tpu.memref_slice %arg3[%dma_wait3A_232] : memref<320000xi32, #tpu.memory_space<hbm>> -> memref<128xi32, #tpu.memory_space<hbm>>
    %dma_wait3A_234 = arith.constant 0 : i32
    %dma_wait3A_235 = tpu.memref_slice %arg3[%dma_wait3A_234] : memref<320000xi32, #tpu.memory_space<hbm>> -> memref<128xi32, #tpu.memory_space<hbm>>
    tpu.wait_dma2 semaphore(%arg26 : memref<!tpu.dma_semaphore, #tpu.memory_space<semaphore_mem>>) src(%dma_wait3A_235 : memref<128xi32, #tpu.memory_space<hbm>>) dst(%arg8 : memref<128xi32, #tpu.memory_space<vmem>>)
    %dma_wait3A_236 = arith.constant 0 : i32
    %dma_wait3A_237 = tpu.memref_slice %arg4[%dma_wait3A_236] : memref<320000xi32, #tpu.memory_space<hbm>> -> memref<128xi32, #tpu.memory_space<hbm>>
    %dma_wait3A_238 = arith.constant 0 : i32
    %dma_wait3A_239 = tpu.memref_slice %arg4[%dma_wait3A_238] : memref<320000xi32, #tpu.memory_space<hbm>> -> memref<128xi32, #tpu.memory_space<hbm>>
    tpu.wait_dma2 semaphore(%arg26 : memref<!tpu.dma_semaphore, #tpu.memory_space<semaphore_mem>>) src(%dma_wait3A_239 : memref<128xi32, #tpu.memory_space<hbm>>) dst(%arg10 : memref<128xi32, #tpu.memory_space<vmem>>)
    %dma_wait3A_240 = arith.constant 0 : i32
    %dma_wait3A_241 = tpu.memref_slice %arg5[%dma_wait3A_240] : memref<320000xi32, #tpu.memory_space<hbm>> -> memref<128xi32, #tpu.memory_space<hbm>>
    %dma_wait3A_242 = arith.constant 0 : i32
    %dma_wait3A_243 = tpu.memref_slice %arg5[%dma_wait3A_242] : memref<320000xi32, #tpu.memory_space<hbm>> -> memref<128xi32, #tpu.memory_space<hbm>>
    tpu.wait_dma2 semaphore(%arg26 : memref<!tpu.dma_semaphore, #tpu.memory_space<semaphore_mem>>) src(%dma_wait3A_243 : memref<128xi32, #tpu.memory_space<hbm>>) dst(%arg12 : memref<128xi32, #tpu.memory_space<vmem>>)
    %get3A_244 = arith.constant 0 : index
    %get3A_245 = tpu.vector_load %arg10[%get3A_244] {strides = array<i32>} : memref<128xi32, #tpu.memory_space<vmem>>, vector<16xi32>,
    %get3A_246 = vector.shape_cast %get3A_245 : vector<16xi32> to vector<16xi32>
    %mul3A_247 = arith.constant 10000 : i32
    %mul3A_248 = vector.broadcast %mul3A_247 : i32 to vector<16xi32>
    %mul3A_249 = arith.muli %get3A_246, %mul3A_248 : vector<16xi32>
    %get3A_250 = arith.constant 0 : index
    %get3A_251 = tpu.vector_load %arg8[%get3A_250] {strides = array<i32>} : memref<128xi32, #tpu.memory_space<vmem>>, vector<16xi32>,
    %get3A_252 = vector.shape_cast %get3A_251 : vector<16xi32> to vector<16xi32>
    %add3A_253 = arith.addi %mul3A_249, %get3A_252 : vector<16xi32>
    %swap3A_254 = arith.constant 0 : index
    %swap3A_255 = tpu.vector_load %arg14[%swap3A_254] {strides = array<i32>} : memref<128xi32, #tpu.memory_space<vmem>>, vector<16xi32>,
    %swap3A_256 = vector.shape_cast %swap3A_255 : vector<16xi32> to vector<16xi32>
    %swap3A_257 = vector.shape_cast %add3A_253 : vector<16xi32> to vector<16xi32>
    tpu.vector_store %arg14[%swap3A_254], %swap3A_257 {strides = array<i32>} : memref<128xi32, #tpu.memory_space<vmem>>, vector<16xi32>,
    %get3A_258 = arith.constant 0 : index
    %get3A_259 = tpu.vector_load %arg12[%get3A_258] {strides = array<i32>} : memref<128xi32, #tpu.memory_space<vmem>>, vector<16xi32>,
    %get3A_260 = vector.shape_cast %get3A_259 : vector<16xi32> to vector<16xi32>
    %swap3A_261 = arith.constant 0 : index
    %swap3A_262 = tpu.vector_load %arg16[%swap3A_261] {strides = array<i32>} : memref<128xi32, #tpu.memory_space<vmem>>, vector<16xi32>,
    %swap3A_263 = vector.shape_cast %swap3A_262 : vector<16xi32> to vector<16xi32>
    %swap3A_264 = vector.shape_cast %get3A_260 : vector<16xi32> to vector<16xi32>
    tpu.vector_store %arg16[%swap3A_261], %swap3A_264 {strides = array<i32>} : memref<128xi32, #tpu.memory_space<vmem>>, vector<16xi32>,
    %get3A_265 = arith.constant 16 : index
    %get3A_266 = tpu.vector_load %arg10[%get3A_265] {strides = array<i32>} : memref<128xi32, #tpu.memory_space<vmem>>, vector<16xi32>,
    %get3A_267 = vector.shape_cast %get3A_266 : vector<16xi32> to vector<16xi32>
    %mul3A_268 = arith.constant 10000 : i32
    %mul3A_269 = vector.broadcast %mul3A_268 : i32 to vector<16xi32>
    %mul3A_270 = arith.muli %get3A_267, %mul3A_269 : vector<16xi32>
    %get3A_271 = arith.constant 16 : index
    %get3A_272 = tpu.vector_load %arg8[%get3A_271] {strides = array<i32>} : memref<128xi32, #tpu.memory_space<vmem>>, vector<16xi32>,
    %get3A_273 = vector.shape_cast %get3A_272 : vector<16xi32> to vector<16xi32>
    %add3A_274 = arith.addi %mul3A_270, %get3A_273 : vector<16xi32>
    %swap3A_275 = arith.constant 16 : index
    %swap3A_276 = tpu.vector_load %arg14[%swap3A_275] {strides = array<i32>} : memref<128xi32, #tpu.memory_space<vmem>>, vector<16xi32>,
    %swap3A_277 = vector.shape_cast %swap3A_276 : vector<16xi32> to vector<16xi32>
    %swap3A_278 = vector.shape_cast %add3A_274 : vector<16xi32> to vector<16xi32>
    tpu.vector_store %arg14[%swap3A_275], %swap3A_278 {strides = array<i32>} : memref<128xi32, #tpu.memory_space<vmem>>, vector<16xi32>,
    %get3A_279 = arith.constant 16 : index
    %get3A_280 = tpu.vector_load %arg12[%get3A_279] {strides = array<i32>} : memref<128xi32, #tpu.memory_space<vmem>>, vector<16xi32>,
    %get3A_281 = vector.shape_cast %get3A_280 : vector<16xi32> to vector<16xi32>
    %swap3A_282 = arith.constant 16 : index
    %swap3A_283 = tpu.vector_load %arg16[%swap3A_282] {strides = array<i32>} : memref<128xi32, #tpu.memory_space<vmem>>, vector<16xi32>,
    %swap3A_284 = vector.shape_cast %swap3A_283 : vector<16xi32> to vector<16xi32>
    %swap3A_285 = vector.shape_cast %get3A_281 : vector<16xi32> to vector<16xi32>
    tpu.vector_store %arg16[%swap3A_282], %swap3A_285 {strides = array<i32>} : memref<128xi32, #tpu.memory_space<vmem>>, vector<16xi32>,
    %get3A_286 = arith.constant 32 : index
    %get3A_287 = tpu.vector_load %arg10[%get3A_286] {strides = array<i32>} : memref<128xi32, #tpu.memory_space<vmem>>, vector<16xi32>,
    %get3A_288 = vector.shape_cast %get3A_287 : vector<16xi32> to vector<16xi32>
    %mul3A_289 = arith.constant 10000 : i32
    %mul3A_290 = vector.broadcast %mul3A_289 : i32 to vector<16xi32>
    %mul3A_291 = arith.muli %get3A_288, %mul3A_290 : vector<16xi32>
    %get3A_292 = arith.constant 32 : index
    %get3A_293 = tpu.vector_load %arg8[%get3A_292] {strides = array<i32>} : memref<128xi32, #tpu.memory_space<vmem>>, vector<16xi32>,
    %get3A_294 = vector.shape_cast %get3A_293 : vector<16xi32> to vector<16xi32>
    %add3A_295 = arith.addi %mul3A_291, %get3A_294 : vector<16xi32>
    %swap3A_296 = arith.constant 32 : index
    %swap3A_297 = tpu.vector_load %arg14[%swap3A_296] {strides = array<i32>} : memref<128xi32, #tpu.memory_space<vmem>>, vector<16xi32>,
    %swap3A_298 = vector.shape_cast %swap3A_297 : vector<16xi32> to vector<16xi32>
    %swap3A_299 = vector.shape_cast %add3A_295 : vector<16xi32> to vector<16xi32>
    tpu.vector_store %arg14[%swap3A_296], %swap3A_299 {strides = array<i32>} : memref<128xi32, #tpu.memory_space<vmem>>, vector<16xi32>,
    %get3A_300 = arith.constant 32 : index
    %get3A_301 = tpu.vector_load %arg12[%get3A_300] {strides = array<i32>} : memref<128xi32, #tpu.memory_space<vmem>>, vector<16xi32>,
    %get3A_302 = vector.shape_cast %get3A_301 : vector<16xi32> to vector<16xi32>
    %swap3A_303 = arith.constant 32 : index
    %swap3A_304 = tpu.vector_load %arg16[%swap3A_303] {strides = array<i32>} : memref<128xi32, #tpu.memory_space<vmem>>, vector<16xi32>,
    %swap3A_305 = vector.shape_cast %swap3A_304 : vector<16xi32> to vector<16xi32>
    %swap3A_306 = vector.shape_cast %get3A_302 : vector<16xi32> to vector<16xi32>
    tpu.vector_store %arg16[%swap3A_303], %swap3A_306 {strides = array<i32>} : memref<128xi32, #tpu.memory_space<vmem>>, vector<16xi32>,
    %get3A_307 = arith.constant 48 : index
    %get3A_308 = tpu.vector_load %arg10[%get3A_307] {strides = array<i32>} : memref<128xi32, #tpu.memory_space<vmem>>, vector<16xi32>,
    %get3A_309 = vector.shape_cast %get3A_308 : vector<16xi32> to vector<16xi32>
    %mul3A_310 = arith.constant 10000 : i32
    %mul3A_311 = vector.broadcast %mul3A_310 : i32 to vector<16xi32>
    %mul3A_312 = arith.muli %get3A_309, %mul3A_311 : vector<16xi32>
    %get3A_313 = arith.constant 48 : index
    %get3A_314 = tpu.vector_load %arg8[%get3A_313] {strides = array<i32>} : memref<128xi32, #tpu.memory_space<vmem>>, vector<16xi32>,
    %get3A_315 = vector.shape_cast %get3A_314 : vector<16xi32> to vector<16xi32>
    %add3A_316 = arith.addi %mul3A_312, %get3A_315 : vector<16xi32>
    %swap3A_317 = arith.constant 48 : index
    %swap3A_318 = tpu.vector_load %arg14[%swap3A_317] {strides = array<i32>} : memref<128xi32, #tpu.memory_space<vmem>>, vector<16xi32>,
    %swap3A_319 = vector.shape_cast %swap3A_318 : vector<16xi32> to vector<16xi32>
    %swap3A_320 = vector.shape_cast %add3A_316 : vector<16xi32> to vector<16xi32>
    tpu.vector_store %arg14[%swap3A_317], %swap3A_320 {strides = array<i32>} : memref<128xi32, #tpu.memory_space<vmem>>, vector<16xi32>,
    %get3A_321 = arith.constant 48 : index
    %get3A_322 = tpu.vector_load %arg12[%get3A_321] {strides = array<i32>} : memref<128xi32, #tpu.memory_space<vmem>>, vector<16xi32>,
    %get3A_323 = vector.shape_cast %get3A_322 : vector<16xi32> to vector<16xi32>
    %swap3A_324 = arith.constant 48 : index
    %swap3A_325 = tpu.vector_load %arg16[%swap3A_324] {strides = array<i32>} : memref<128xi32, #tpu.memory_space<vmem>>, vector<16xi32>,
    %swap3A_326 = vector.shape_cast %swap3A_325 : vector<16xi32> to vector<16xi32>
    %swap3A_327 = vector.shape_cast %get3A_323 : vector<16xi32> to vector<16xi32>
    tpu.vector_store %arg16[%swap3A_324], %swap3A_327 {strides = array<i32>} : memref<128xi32, #tpu.memory_space<vmem>>, vector<16xi32>,
    %get3A_328 = arith.constant 64 : index
    %get3A_329 = tpu.vector_load %arg10[%get3A_328] {strides = array<i32>} : memref<128xi32, #tpu.memory_space<vmem>>, vector<16xi32>,
    %get3A_330 = vector.shape_cast %get3A_329 : vector<16xi32> to vector<16xi32>
    %mul3A_331 = arith.constant 10000 : i32
    %mul3A_332 = vector.broadcast %mul3A_331 : i32 to vector<16xi32>
    %mul3A_333 = arith.muli %get3A_330, %mul3A_332 : vector<16xi32>
    %get3A_334 = arith.constant 64 : index
    %get3A_335 = tpu.vector_load %arg8[%get3A_334] {strides = array<i32>} : memref<128xi32, #tpu.memory_space<vmem>>, vector<16xi32>,
    %get3A_336 = vector.shape_cast %get3A_335 : vector<16xi32> to vector<16xi32>
    %add3A_337 = arith.addi %mul3A_333, %get3A_336 : vector<16xi32>
    %swap3A_338 = arith.constant 64 : index
    %swap3A_339 = tpu.vector_load %arg14[%swap3A_338] {strides = array<i32>} : memref<128xi32, #tpu.memory_space<vmem>>, vector<16xi32>,
    %swap3A_340 = vector.shape_cast %swap3A_339 : vector<16xi32> to vector<16xi32>
    %swap3A_341 = vector.shape_cast %add3A_337 : vector<16xi32> to vector<16xi32>
    tpu.vector_store %arg14[%swap3A_338], %swap3A_341 {strides = array<i32>} : memref<128xi32, #tpu.memory_space<vmem>>, vector<16xi32>,
    %get3A_342 = arith.constant 64 : index
    %get3A_343 = tpu.vector_load %arg12[%get3A_342] {strides = array<i32>} : memref<128xi32, #tpu.memory_space<vmem>>, vector<16xi32>,
    %get3A_344 = vector.shape_cast %get3A_343 : vector<16xi32> to vector<16xi32>
    %swap3A_345 = arith.constant 64 : index
    %swap3A_346 = tpu.vector_load %arg16[%swap3A_345] {strides = array<i32>} : memref<128xi32, #tpu.memory_space<vmem>>, vector<16xi32>,
    %swap3A_347 = vector.shape_cast %swap3A_346 : vector<16xi32> to vector<16xi32>
    %swap3A_348 = vector.shape_cast %get3A_344 : vector<16xi32> to vector<16xi32>
    tpu.vector_store %arg16[%swap3A_345], %swap3A_348 {strides = array<i32>} : memref<128xi32, #tpu.memory_space<vmem>>, vector<16xi32>,
    %get3A_349 = arith.constant 80 : index
    %get3A_350 = tpu.vector_load %arg10[%get3A_349] {strides = array<i32>} : memref<128xi32, #tpu.memory_space<vmem>>, vector<16xi32>,
    %get3A_351 = vector.shape_cast %get3A_350 : vector<16xi32> to vector<16xi32>
    %mul3A_352 = arith.constant 10000 : i32
    %mul3A_353 = vector.broadcast %mul3A_352 : i32 to vector<16xi32>
    %mul3A_354 = arith.muli %get3A_351, %mul3A_353 : vector<16xi32>
    %get3A_355 = arith.constant 80 : index
    %get3A_356 = tpu.vector_load %arg8[%get3A_355] {strides = array<i32>} : memref<128xi32, #tpu.memory_space<vmem>>, vector<16xi32>,
    %get3A_357 = vector.shape_cast %get3A_356 : vector<16xi32> to vector<16xi32>
    %add3A_358 = arith.addi %mul3A_354, %get3A_357 : vector<16xi32>
    %swap3A_359 = arith.constant 80 : index
    %swap3A_360 = tpu.vector_load %arg14[%swap3A_359] {strides = array<i32>} : memref<128xi32, #tpu.memory_space<vmem>>, vector<16xi32>,
    %swap3A_361 = vector.shape_cast %swap3A_360 : vector<16xi32> to vector<16xi32>
    %swap3A_362 = vector.shape_cast %add3A_358 : vector<16xi32> to vector<16xi32>
    tpu.vector_store %arg14[%swap3A_359], %swap3A_362 {strides = array<i32>} : memref<128xi32, #tpu.memory_space<vmem>>, vector<16xi32>,
    %get3A_363 = arith.constant 80 : index
    %get3A_364 = tpu.vector_load %arg12[%get3A_363] {strides = array<i32>} : memref<128xi32, #tpu.memory_space<vmem>>, vector<16xi32>,
    %get3A_365 = vector.shape_cast %get3A_364 : vector<16xi32> to vector<16xi32>
    %swap3A_366 = arith.constant 80 : index
    %swap3A_367 = tpu.vector_load %arg16[%swap3A_366] {strides = array<i32>} : memref<128xi32, #tpu.memory_space<vmem>>, vector<16xi32>,
    %swap3A_368 = vector.shape_cast %swap3A_367 : vector<16xi32> to vector<16xi32>
    %swap3A_369 = vector.shape_cast %get3A_365 : vector<16xi32> to vector<16xi32>
    tpu.vector_store %arg16[%swap3A_366], %swap3A_369 {strides = array<i32>} : memref<128xi32, #tpu.memory_space<vmem>>, vector<16xi32>,
    %get3A_370 = arith.constant 96 : index
    %get3A_371 = tpu.vector_load %arg10[%get3A_370] {strides = array<i32>} : memref<128xi32, #tpu.memory_space<vmem>>, vector<16xi32>,
    %get3A_372 = vector.shape_cast %get3A_371 : vector<16xi32> to vector<16xi32>
    %mul3A_373 = arith.constant 10000 : i32
    %mul3A_374 = vector.broadcast %mul3A_373 : i32 to vector<16xi32>
    %mul3A_375 = arith.muli %get3A_372, %mul3A_374 : vector<16xi32>
    %get3A_376 = arith.constant 96 : index
    %get3A_377 = tpu.vector_load %arg8[%get3A_376] {strides = array<i32>} : memref<128xi32, #tpu.memory_space<vmem>>, vector<16xi32>,
    %get3A_378 = vector.shape_cast %get3A_377 : vector<16xi32> to vector<16xi32>
    %add3A_379 = arith.addi %mul3A_375, %get3A_378 : vector<16xi32>
    %swap3A_380 = arith.constant 96 : index
    %swap3A_381 = tpu.vector_load %arg14[%swap3A_380] {strides = array<i32>} : memref<128xi32, #tpu.memory_space<vmem>>, vector<16xi32>,
    %swap3A_382 = vector.shape_cast %swap3A_381 : vector<16xi32> to vector<16xi32>
    %swap3A_383 = vector.shape_cast %add3A_379 : vector<16xi32> to vector<16xi32>
    tpu.vector_store %arg14[%swap3A_380], %swap3A_383 {strides = array<i32>} : memref<128xi32, #tpu.memory_space<vmem>>, vector<16xi32>,
    %get3A_384 = arith.constant 96 : index
    %get3A_385 = tpu.vector_load %arg12[%get3A_384] {strides = array<i32>} : memref<128xi32, #tpu.memory_space<vmem>>, vector<16xi32>,
    %get3A_386 = vector.shape_cast %get3A_385 : vector<16xi32> to vector<16xi32>
    %swap3A_387 = arith.constant 96 : index
    %swap3A_388 = tpu.vector_load %arg16[%swap3A_387] {strides = array<i32>} : memref<128xi32, #tpu.memory_space<vmem>>, vector<16xi32>,
    %swap3A_389 = vector.shape_cast %swap3A_388 : vector<16xi32> to vector<16xi32>
    %swap3A_390 = vector.shape_cast %get3A_386 : vector<16xi32> to vector<16xi32>
    tpu.vector_store %arg16[%swap3A_387], %swap3A_390 {strides = array<i32>} : memref<128xi32, #tpu.memory_space<vmem>>, vector<16xi32>,
    %get3A_391 = arith.constant 112 : index
    %get3A_392 = tpu.vector_load %arg10[%get3A_391] {strides = array<i32>} : memref<128xi32, #tpu.memory_space<vmem>>, vector<16xi32>,
    %get3A_393 = vector.shape_cast %get3A_392 : vector<16xi32> to vector<16xi32>
    %mul3A_394 = arith.constant 10000 : i32
    %mul3A_395 = vector.broadcast %mul3A_394 : i32 to vector<16xi32>
    %mul3A_396 = arith.muli %get3A_393, %mul3A_395 : vector<16xi32>
    %get3A_397 = arith.constant 112 : index
    %get3A_398 = tpu.vector_load %arg8[%get3A_397] {strides = array<i32>} : memref<128xi32, #tpu.memory_space<vmem>>, vector<16xi32>,
    %get3A_399 = vector.shape_cast %get3A_398 : vector<16xi32> to vector<16xi32>
    %add3A_400 = arith.addi %mul3A_396, %get3A_399 : vector<16xi32>
    %swap3A_401 = arith.constant 112 : index
    %swap3A_402 = tpu.vector_load %arg14[%swap3A_401] {strides = array<i32>} : memref<128xi32, #tpu.memory_space<vmem>>, vector<16xi32>,
    %swap3A_403 = vector.shape_cast %swap3A_402 : vector<16xi32> to vector<16xi32>
    %swap3A_404 = vector.shape_cast %add3A_400 : vector<16xi32> to vector<16xi32>
    tpu.vector_store %arg14[%swap3A_401], %swap3A_404 {strides = array<i32>} : memref<128xi32, #tpu.memory_space<vmem>>, vector<16xi32>,
    %get3A_405 = arith.constant 112 : index
    %get3A_406 = tpu.vector_load %arg12[%get3A_405] {strides = array<i32>} : memref<128xi32, #tpu.memory_space<vmem>>, vector<16xi32>,
    %get3A_407 = vector.shape_cast %get3A_406 : vector<16xi32> to vector<16xi32>
    %swap3A_408 = arith.constant 112 : index
    %swap3A_409 = tpu.vector_load %arg16[%swap3A_408] {strides = array<i32>} : memref<128xi32, #tpu.memory_space<vmem>>, vector<16xi32>,
    %swap3A_410 = vector.shape_cast %swap3A_409 : vector<16xi32> to vector<16xi32>
    %swap3A_411 = vector.shape_cast %get3A_407 : vector<16xi32> to vector<16xi32>
    tpu.vector_store %arg16[%swap3A_408], %swap3A_411 {strides = array<i32>} : memref<128xi32, #tpu.memory_space<vmem>>, vector<16xi32>,
    %dma_start3A_412 = arith.constant 0 : i32
    %dma_start3A_413 = arith.constant 0 : i32
    %dma_start3A_414 = tpu.memref_slice %arg2[%dma_start3A_412, %dma_start3A_413] : memref<160000x128xf32, #tpu.memory_space<hbm>> -> memref<160000x128xf32, #tpu.memory_space<hbm>>
    tpu.enqueue_indirect_dma source(%dma_start3A_414 : memref<160000x128xf32, #tpu.memory_space<hbm>>) target(%arg18 : memref<128x128xf32, #tpu.memory_space<vmem>>) offsets(%arg14 : memref<128xi32, #tpu.memory_space<vmem>>) semaphore(%arg28 : memref<!tpu.dma_semaphore, #tpu.memory_space<semaphore_mem>>)
    %add3A_415 = arith.constant 384 : i32
    %add3A_416 = arith.addi %mul3A_2, %add3A_415 : i32
    %dma_start3A_417 = tpu.memref_slice %arg3[%add3A_416] : memref<320000xi32, #tpu.memory_space<hbm>> -> memref<128xi32, #tpu.memory_space<hbm>>
    %dma_start3A_418 = tpu.memref_slice %arg3[%add3A_416] : memref<320000xi32, #tpu.memory_space<hbm>> -> memref<128xi32, #tpu.memory_space<hbm>>
    tpu.enqueue_dma source(%dma_start3A_418 : memref<128xi32, #tpu.memory_space<hbm>>) target(%arg8 : memref<128xi32, #tpu.memory_space<vmem>>) target_semaphore(%arg26 : memref<!tpu.dma_semaphore, #tpu.memory_space<semaphore_mem>>)
    %dma_start3A_419 = tpu.memref_slice %arg4[%add3A_416] : memref<320000xi32, #tpu.memory_space<hbm>> -> memref<128xi32, #tpu.memory_space<hbm>>
    %dma_start3A_420 = tpu.memref_slice %arg4[%add3A_416] : memref<320000xi32, #tpu.memory_space<hbm>> -> memref<128xi32, #tpu.memory_space<hbm>>
    tpu.enqueue_dma source(%dma_start3A_420 : memref<128xi32, #tpu.memory_space<hbm>>) target(%arg10 : memref<128xi32, #tpu.memory_space<vmem>>) target_semaphore(%arg26 : memref<!tpu.dma_semaphore, #tpu.memory_space<semaphore_mem>>)
    %dma_start3A_421 = tpu.memref_slice %arg5[%add3A_416] : memref<320000xi32, #tpu.memory_space<hbm>> -> memref<128xi32, #tpu.memory_space<hbm>>
    %dma_start3A_422 = tpu.memref_slice %arg5[%add3A_416] : memref<320000xi32, #tpu.memory_space<hbm>> -> memref<128xi32, #tpu.memory_space<hbm>>
    tpu.enqueue_dma source(%dma_start3A_422 : memref<128xi32, #tpu.memory_space<hbm>>) target(%arg12 : memref<128xi32, #tpu.memory_space<vmem>>) target_semaphore(%arg26 : memref<!tpu.dma_semaphore, #tpu.memory_space<semaphore_mem>>)
    %dma_wait3A_423 = arith.constant 0 : i32
    %dma_wait3A_424 = arith.constant 0 : i32
    %dma_wait3A_425 = tpu.memref_slice %arg2[%dma_wait3A_423, %dma_wait3A_424] : memref<160000x128xf32, #tpu.memory_space<hbm>> -> memref<160000x128xf32, #tpu.memory_space<hbm>>
    tpu.wait_indirect_dma semaphore(%arg27 : memref<!tpu.dma_semaphore, #tpu.memory_space<semaphore_mem>>) src(%dma_wait3A_425 : memref<160000x128xf32, #tpu.memory_space<hbm>>) dst(%arg17 : memref<128x128xf32, #tpu.memory_space<vmem>>)
    %dma_start3A_426 = arith.constant 0 : i32
    %dma_start3A_427 = arith.constant 0 : i32
    %dma_start3A_428 = tpu.memref_slice %arg24[%dma_start3A_426, %dma_start3A_427] : memref<10240x128xf32, #tpu.memory_space<vmem_shared>> -> memref<10240x128xf32, #tpu.memory_space<vmem_shared>>
    tpu.enqueue_indirect_dma source(%arg17 : memref<128x128xf32, #tpu.memory_space<vmem>>) target(%dma_start3A_428 : memref<10240x128xf32, #tpu.memory_space<vmem_shared>>) offsets(%arg15 : memref<128xi32, #tpu.memory_space<vmem>>) semaphore(%arg29 : memref<!tpu.dma_semaphore, #tpu.memory_space<semaphore_mem>>) {add = true}
    %dma_wait3A_429 = arith.constant 0 : i32
    %dma_wait3A_430 = arith.constant 0 : i32
    %dma_wait3A_431 = tpu.memref_slice %arg2[%dma_wait3A_429, %dma_wait3A_430] : memref<160000x128xf32, #tpu.memory_space<hbm>> -> memref<160000x128xf32, #tpu.memory_space<hbm>>
    tpu.wait_indirect_dma semaphore(%arg28 : memref<!tpu.dma_semaphore, #tpu.memory_space<semaphore_mem>>) src(%dma_wait3A_431 : memref<160000x128xf32, #tpu.memory_space<hbm>>) dst(%arg18 : memref<128x128xf32, #tpu.memory_space<vmem>>)
    %dma_start3A_432 = arith.constant 0 : i32
    %dma_start3A_433 = arith.constant 0 : i32
    %dma_start3A_434 = tpu.memref_slice %arg24[%dma_start3A_432, %dma_start3A_433] : memref<10240x128xf32, #tpu.memory_space<vmem_shared>> -> memref<10240x128xf32, #tpu.memory_space<vmem_shared>>
    tpu.enqueue_indirect_dma source(%arg18 : memref<128x128xf32, #tpu.memory_space<vmem>>) target(%dma_start3A_434 : memref<10240x128xf32, #tpu.memory_space<vmem_shared>>) offsets(%arg16 : memref<128xi32, #tpu.memory_space<vmem>>) semaphore(%arg30 : memref<!tpu.dma_semaphore, #tpu.memory_space<semaphore_mem>>) {add = true}
    %scan3A_435 = arith.constant 0 : i32
    %scan3A_436 = arith.constant 0 : i32
    %scan3A_437 = arith.constant 37 : i32
    %scan3A_438 = arith.addi %scan3A_436, %scan3A_437 : i32
    %scan3A_439 = arith.constant 1 : i32
    scf.for %scan3A_861 = %scan3A_436 to %scan3A_438 step %scan3A_439  : i32 {
      %dma_wait3A_862 = arith.constant 0 : i32
      %dma_wait3A_863 = arith.constant 0 : i32
      %dma_wait3A_864 = tpu.memref_slice %arg24[%dma_wait3A_862, %dma_wait3A_863] : memref<10240x128xf32, #tpu.memory_space<vmem_shared>> -> memref<10240x128xf32, #tpu.memory_space<vmem_shared>>
      tpu.wait_indirect_dma semaphore(%arg29 : memref<!tpu.dma_semaphore, #tpu.memory_space<semaphore_mem>>) src(%arg17 : memref<128x128xf32, #tpu.memory_space<vmem>>) dst(%dma_wait3A_864 : memref<10240x128xf32, #tpu.memory_space<vmem_shared>>)
      %dma_wait3A_865 = arith.constant 0 : i32
      %dma_wait3A_866 = tpu.memref_slice %arg3[%dma_wait3A_865] : memref<320000xi32, #tpu.memory_space<hbm>> -> memref<128xi32, #tpu.memory_space<hbm>>
      %dma_wait3A_867 = arith.constant 0 : i32
      %dma_wait3A_868 = tpu.memref_slice %arg3[%dma_wait3A_867] : memref<320000xi32, #tpu.memory_space<hbm>> -> memref<128xi32, #tpu.memory_space<hbm>>
      tpu.wait_dma2 semaphore(%arg25 : memref<!tpu.dma_semaphore, #tpu.memory_space<semaphore_mem>>) src(%dma_wait3A_868 : memref<128xi32, #tpu.memory_space<hbm>>) dst(%arg7 : memref<128xi32, #tpu.memory_space<vmem>>)
      %dma_wait3A_869 = arith.constant 0 : i32
      %dma_wait3A_870 = tpu.memref_slice %arg4[%dma_wait3A_869] : memref<320000xi32, #tpu.memory_space<hbm>> -> memref<128xi32, #tpu.memory_space<hbm>>
      %dma_wait3A_871 = arith.constant 0 : i32
      %dma_wait3A_872 = tpu.memref_slice %arg4[%dma_wait3A_871] : memref<320000xi32, #tpu.memory_space<hbm>> -> memref<128xi32, #tpu.memory_space<hbm>>
      tpu.wait_dma2 semaphore(%arg25 : memref<!tpu.dma_semaphore, #tpu.memory_space<semaphore_mem>>) src(%dma_wait3A_872 : memref<128xi32, #tpu.memory_space<hbm>>) dst(%arg9 : memref<128xi32, #tpu.memory_space<vmem>>)
      %dma_wait3A_873 = arith.constant 0 : i32
      %dma_wait3A_874 = tpu.memref_slice %arg5[%dma_wait3A_873] : memref<320000xi32, #tpu.memory_space<hbm>> -> memref<128xi32, #tpu.memory_space<hbm>>
      %dma_wait3A_875 = arith.constant 0 : i32
      %dma_wait3A_876 = tpu.memref_slice %arg5[%dma_wait3A_875] : memref<320000xi32, #tpu.memory_space<hbm>> -> memref<128xi32, #tpu.memory_space<hbm>>
      tpu.wait_dma2 semaphore(%arg25 : memref<!tpu.dma_semaphore, #tpu.memory_space<semaphore_mem>>) src(%dma_wait3A_876 : memref<128xi32, #tpu.memory_space<hbm>>) dst(%arg11 : memref<128xi32, #tpu.memory_space<vmem>>)
      %get3A_877 = arith.constant 0 : index
      %get3A_878 = tpu.vector_load %arg9[%get3A_877] {strides = array<i32>} : memref<128xi32, #tpu.memory_space<vmem>>, vector<16xi32>,
      %get3A_879 = vector.shape_cast %get3A_878 : vector<16xi32> to vector<16xi32>
      %mul3A_880 = arith.constant 10000 : i32
      %mul3A_881 = vector.broadcast %mul3A_880 : i32 to vector<16xi32>
      %mul3A_882 = arith.muli %get3A_879, %mul3A_881 : vector<16xi32>
      %get3A_883 = arith.constant 0 : index
      %get3A_884 = tpu.vector_load %arg7[%get3A_883] {strides = array<i32>} : memref<128xi32, #tpu.memory_space<vmem>>, vector<16xi32>,
      %get3A_885 = vector.shape_cast %get3A_884 : vector<16xi32> to vector<16xi32>
      %add3A_886 = arith.addi %mul3A_882, %get3A_885 : vector<16xi32>
      %swap3A_887 = arith.constant 0 : index
      %swap3A_888 = tpu.vector_load %arg13[%swap3A_887] {strides = array<i32>} : memref<128xi32, #tpu.memory_space<vmem>>, vector<16xi32>,
      %swap3A_889 = vector.shape_cast %swap3A_888 : vector<16xi32> to vector<16xi32>
      %swap3A_890 = vector.shape_cast %add3A_886 : vector<16xi32> to vector<16xi32>
      tpu.vector_store %arg13[%swap3A_887], %swap3A_890 {strides = array<i32>} : memref<128xi32, #tpu.memory_space<vmem>>, vector<16xi32>,
      %get3A_891 = arith.constant 0 : index
      %get3A_892 = tpu.vector_load %arg11[%get3A_891] {strides = array<i32>} : memref<128xi32, #tpu.memory_space<vmem>>, vector<16xi32>,
      %get3A_893 = vector.shape_cast %get3A_892 : vector<16xi32> to vector<16xi32>
      %swap3A_894 = arith.constant 0 : index
      %swap3A_895 = tpu.vector_load %arg15[%swap3A_894] {strides = array<i32>} : memref<128xi32, #tpu.memory_space<vmem>>, vector<16xi32>,
      %swap3A_896 = vector.shape_cast %swap3A_895 : vector<16xi32> to vector<16xi32>
      %swap3A_897 = vector.shape_cast %get3A_893 : vector<16xi32> to vector<16xi32>
      tpu.vector_store %arg15[%swap3A_894], %swap3A_897 {strides = array<i32>} : memref<128xi32, #tpu.memory_space<vmem>>, vector<16xi32>,
      %get3A_898 = arith.constant 16 : index
      %get3A_899 = tpu.vector_load %arg9[%get3A_898] {strides = array<i32>} : memref<128xi32, #tpu.memory_space<vmem>>, vector<16xi32>,
      %get3A_900 = vector.shape_cast %get3A_899 : vector<16xi32> to vector<16xi32>
      %mul3A_901 = arith.constant 10000 : i32
      %mul3A_902 = vector.broadcast %mul3A_901 : i32 to vector<16xi32>
      %mul3A_903 = arith.muli %get3A_900, %mul3A_902 : vector<16xi32>
      %get3A_904 = arith.constant 16 : index
      %get3A_905 = tpu.vector_load %arg7[%get3A_904] {strides = array<i32>} : memref<128xi32, #tpu.memory_space<vmem>>, vector<16xi32>,
      %get3A_906 = vector.shape_cast %get3A_905 : vector<16xi32> to vector<16xi32>
      %add3A_907 = arith.addi %mul3A_903, %get3A_906 : vector<16xi32>
      %swap3A_908 = arith.constant 16 : index
      %swap3A_909 = tpu.vector_load %arg13[%swap3A_908] {strides = array<i32>} : memref<128xi32, #tpu.memory_space<vmem>>, vector<16xi32>,
      %swap3A_910 = vector.shape_cast %swap3A_909 : vector<16xi32> to vector<16xi32>
      %swap3A_911 = vector.shape_cast %add3A_907 : vector<16xi32> to vector<16xi32>
      tpu.vector_store %arg13[%swap3A_908], %swap3A_911 {strides = array<i32>} : memref<128xi32, #tpu.memory_space<vmem>>, vector<16xi32>,
      %get3A_912 = arith.constant 16 : index
      %get3A_913 = tpu.vector_load %arg11[%get3A_912] {strides = array<i32>} : memref<128xi32, #tpu.memory_space<vmem>>, vector<16xi32>,
      %get3A_914 = vector.shape_cast %get3A_913 : vector<16xi32> to vector<16xi32>
      %swap3A_915 = arith.constant 16 : index
      %swap3A_916 = tpu.vector_load %arg15[%swap3A_915] {strides = array<i32>} : memref<128xi32, #tpu.memory_space<vmem>>, vector<16xi32>,
      %swap3A_917 = vector.shape_cast %swap3A_916 : vector<16xi32> to vector<16xi32>
      %swap3A_918 = vector.shape_cast %get3A_914 : vector<16xi32> to vector<16xi32>
      tpu.vector_store %arg15[%swap3A_915], %swap3A_918 {strides = array<i32>} : memref<128xi32, #tpu.memory_space<vmem>>, vector<16xi32>,
      %get3A_919 = arith.constant 32 : index
      %get3A_920 = tpu.vector_load %arg9[%get3A_919] {strides = array<i32>} : memref<128xi32, #tpu.memory_space<vmem>>, vector<16xi32>,
      %get3A_921 = vector.shape_cast %get3A_920 : vector<16xi32> to vector<16xi32>
      %mul3A_922 = arith.constant 10000 : i32
      %mul3A_923 = vector.broadcast %mul3A_922 : i32 to vector<16xi32>
      %mul3A_924 = arith.muli %get3A_921, %mul3A_923 : vector<16xi32>
      %get3A_925 = arith.constant 32 : index
      %get3A_926 = tpu.vector_load %arg7[%get3A_925] {strides = array<i32>} : memref<128xi32, #tpu.memory_space<vmem>>, vector<16xi32>,
      %get3A_927 = vector.shape_cast %get3A_926 : vector<16xi32> to vector<16xi32>
      %add3A_928 = arith.addi %mul3A_924, %get3A_927 : vector<16xi32>
      %swap3A_929 = arith.constant 32 : index
      %swap3A_930 = tpu.vector_load %arg13[%swap3A_929] {strides = array<i32>} : memref<128xi32, #tpu.memory_space<vmem>>, vector<16xi32>,
      %swap3A_931 = vector.shape_cast %swap3A_930 : vector<16xi32> to vector<16xi32>
      %swap3A_932 = vector.shape_cast %add3A_928 : vector<16xi32> to vector<16xi32>
      tpu.vector_store %arg13[%swap3A_929], %swap3A_932 {strides = array<i32>} : memref<128xi32, #tpu.memory_space<vmem>>, vector<16xi32>,
      %get3A_933 = arith.constant 32 : index
      %get3A_934 = tpu.vector_load %arg11[%get3A_933] {strides = array<i32>} : memref<128xi32, #tpu.memory_space<vmem>>, vector<16xi32>,
      %get3A_935 = vector.shape_cast %get3A_934 : vector<16xi32> to vector<16xi32>
      %swap3A_936 = arith.constant 32 : index
      %swap3A_937 = tpu.vector_load %arg15[%swap3A_936] {strides = array<i32>} : memref<128xi32, #tpu.memory_space<vmem>>, vector<16xi32>,
      %swap3A_938 = vector.shape_cast %swap3A_937 : vector<16xi32> to vector<16xi32>
      %swap3A_939 = vector.shape_cast %get3A_935 : vector<16xi32> to vector<16xi32>
      tpu.vector_store %arg15[%swap3A_936], %swap3A_939 {strides = array<i32>} : memref<128xi32, #tpu.memory_space<vmem>>, vector<16xi32>,
      %get3A_940 = arith.constant 48 : index
      %get3A_941 = tpu.vector_load %arg9[%get3A_940] {strides = array<i32>} : memref<128xi32, #tpu.memory_space<vmem>>, vector<16xi32>,
      %get3A_942 = vector.shape_cast %get3A_941 : vector<16xi32> to vector<16xi32>
      %mul3A_943 = arith.constant 10000 : i32
      %mul3A_944 = vector.broadcast %mul3A_943 : i32 to vector<16xi32>
      %mul3A_945 = arith.muli %get3A_942, %mul3A_944 : vector<16xi32>
      %get3A_946 = arith.constant 48 : index
      %get3A_947 = tpu.vector_load %arg7[%get3A_946] {strides = array<i32>} : memref<128xi32, #tpu.memory_space<vmem>>, vector<16xi32>,
      %get3A_948 = vector.shape_cast %get3A_947 : vector<16xi32> to vector<16xi32>
      %add3A_949 = arith.addi %mul3A_945, %get3A_948 : vector<16xi32>
      %swap3A_950 = arith.constant 48 : index
      %swap3A_951 = tpu.vector_load %arg13[%swap3A_950] {strides = array<i32>} : memref<128xi32, #tpu.memory_space<vmem>>, vector<16xi32>,
      %swap3A_952 = vector.shape_cast %swap3A_951 : vector<16xi32> to vector<16xi32>
      %swap3A_953 = vector.shape_cast %add3A_949 : vector<16xi32> to vector<16xi32>
      tpu.vector_store %arg13[%swap3A_950], %swap3A_953 {strides = array<i32>} : memref<128xi32, #tpu.memory_space<vmem>>, vector<16xi32>,
      %get3A_954 = arith.constant 48 : index
      %get3A_955 = tpu.vector_load %arg11[%get3A_954] {strides = array<i32>} : memref<128xi32, #tpu.memory_space<vmem>>, vector<16xi32>,
      %get3A_956 = vector.shape_cast %get3A_955 : vector<16xi32> to vector<16xi32>
      %swap3A_957 = arith.constant 48 : index
      %swap3A_958 = tpu.vector_load %arg15[%swap3A_957] {strides = array<i32>} : memref<128xi32, #tpu.memory_space<vmem>>, vector<16xi32>,
      %swap3A_959 = vector.shape_cast %swap3A_958 : vector<16xi32> to vector<16xi32>
      %swap3A_960 = vector.shape_cast %get3A_956 : vector<16xi32> to vector<16xi32>
      tpu.vector_store %arg15[%swap3A_957], %swap3A_960 {strides = array<i32>} : memref<128xi32, #tpu.memory_space<vmem>>, vector<16xi32>,
      %get3A_961 = arith.constant 64 : index
      %get3A_962 = tpu.vector_load %arg9[%get3A_961] {strides = array<i32>} : memref<128xi32, #tpu.memory_space<vmem>>, vector<16xi32>,
      %get3A_963 = vector.shape_cast %get3A_962 : vector<16xi32> to vector<16xi32>
      %mul3A_964 = arith.constant 10000 : i32
      %mul3A_965 = vector.broadcast %mul3A_964 : i32 to vector<16xi32>
      %mul3A_966 = arith.muli %get3A_963, %mul3A_965 : vector<16xi32>
      %get3A_967 = arith.constant 64 : index
      %get3A_968 = tpu.vector_load %arg7[%get3A_967] {strides = array<i32>} : memref<128xi32, #tpu.memory_space<vmem>>, vector<16xi32>,
      %get3A_969 = vector.shape_cast %get3A_968 : vector<16xi32> to vector<16xi32>
      %add3A_970 = arith.addi %mul3A_966, %get3A_969 : vector<16xi32>
      %swap3A_971 = arith.constant 64 : index
      %swap3A_972 = tpu.vector_load %arg13[%swap3A_971] {strides = array<i32>} : memref<128xi32, #tpu.memory_space<vmem>>, vector<16xi32>,
      %swap3A_973 = vector.shape_cast %swap3A_972 : vector<16xi32> to vector<16xi32>
      %swap3A_974 = vector.shape_cast %add3A_970 : vector<16xi32> to vector<16xi32>
      tpu.vector_store %arg13[%swap3A_971], %swap3A_974 {strides = array<i32>} : memref<128xi32, #tpu.memory_space<vmem>>, vector<16xi32>,
      %get3A_975 = arith.constant 64 : index
      %get3A_976 = tpu.vector_load %arg11[%get3A_975] {strides = array<i32>} : memref<128xi32, #tpu.memory_space<vmem>>, vector<16xi32>,
      %get3A_977 = vector.shape_cast %get3A_976 : vector<16xi32> to vector<16xi32>
      %swap3A_978 = arith.constant 64 : index
      %swap3A_979 = tpu.vector_load %arg15[%swap3A_978] {strides = array<i32>} : memref<128xi32, #tpu.memory_space<vmem>>, vector<16xi32>,
      %swap3A_980 = vector.shape_cast %swap3A_979 : vector<16xi32> to vector<16xi32>
      %swap3A_981 = vector.shape_cast %get3A_977 : vector<16xi32> to vector<16xi32>
      tpu.vector_store %arg15[%swap3A_978], %swap3A_981 {strides = array<i32>} : memref<128xi32, #tpu.memory_space<vmem>>, vector<16xi32>,
      %get3A_982 = arith.constant 80 : index
      %get3A_983 = tpu.vector_load %arg9[%get3A_982] {strides = array<i32>} : memref<128xi32, #tpu.memory_space<vmem>>, vector<16xi32>,
      %get3A_984 = vector.shape_cast %get3A_983 : vector<16xi32> to vector<16xi32>
      %mul3A_985 = arith.constant 10000 : i32
      %mul3A_986 = vector.broadcast %mul3A_985 : i32 to vector<16xi32>
      %mul3A_987 = arith.muli %get3A_984, %mul3A_986 : vector<16xi32>
      %get3A_988 = arith.constant 80 : index
      %get3A_989 = tpu.vector_load %arg7[%get3A_988] {strides = array<i32>} : memref<128xi32, #tpu.memory_space<vmem>>, vector<16xi32>,
      %get3A_990 = vector.shape_cast %get3A_989 : vector<16xi32> to vector<16xi32>
      %add3A_991 = arith.addi %mul3A_987, %get3A_990 : vector<16xi32>
      %swap3A_992 = arith.constant 80 : index
      %swap3A_993 = tpu.vector_load %arg13[%swap3A_992] {strides = array<i32>} : memref<128xi32, #tpu.memory_space<vmem>>, vector<16xi32>,
      %swap3A_994 = vector.shape_cast %swap3A_993 : vector<16xi32> to vector<16xi32>
      %swap3A_995 = vector.shape_cast %add3A_991 : vector<16xi32> to vector<16xi32>
      tpu.vector_store %arg13[%swap3A_992], %swap3A_995 {strides = array<i32>} : memref<128xi32, #tpu.memory_space<vmem>>, vector<16xi32>,
      %get3A_996 = arith.constant 80 : index
      %get3A_997 = tpu.vector_load %arg11[%get3A_996] {strides = array<i32>} : memref<128xi32, #tpu.memory_space<vmem>>, vector<16xi32>,
      %get3A_998 = vector.shape_cast %get3A_997 : vector<16xi32> to vector<16xi32>
      %swap3A_999 = arith.constant 80 : index
      %swap3A_1000 = tpu.vector_load %arg15[%swap3A_999] {strides = array<i32>} : memref<128xi32, #tpu.memory_space<vmem>>, vector<16xi32>,
      %swap3A_1001 = vector.shape_cast %swap3A_1000 : vector<16xi32> to vector<16xi32>
      %swap3A_1002 = vector.shape_cast %get3A_998 : vector<16xi32> to vector<16xi32>
      tpu.vector_store %arg15[%swap3A_999], %swap3A_1002 {strides = array<i32>} : memref<128xi32, #tpu.memory_space<vmem>>, vector<16xi32>,
      %get3A_1003 = arith.constant 96 : index
      %get3A_1004 = tpu.vector_load %arg9[%get3A_1003] {strides = array<i32>} : memref<128xi32, #tpu.memory_space<vmem>>, vector<16xi32>,
      %get3A_1005 = vector.shape_cast %get3A_1004 : vector<16xi32> to vector<16xi32>
      %mul3A_1006 = arith.constant 10000 : i32
      %mul3A_1007 = vector.broadcast %mul3A_1006 : i32 to vector<16xi32>
      %mul3A_1008 = arith.muli %get3A_1005, %mul3A_1007 : vector<16xi32>
      %get3A_1009 = arith.constant 96 : index
      %get3A_1010 = tpu.vector_load %arg7[%get3A_1009] {strides = array<i32>} : memref<128xi32, #tpu.memory_space<vmem>>, vector<16xi32>,
      %get3A_1011 = vector.shape_cast %get3A_1010 : vector<16xi32> to vector<16xi32>
      %add3A_1012 = arith.addi %mul3A_1008, %get3A_1011 : vector<16xi32>
      %swap3A_1013 = arith.constant 96 : index
      %swap3A_1014 = tpu.vector_load %arg13[%swap3A_1013] {strides = array<i32>} : memref<128xi32, #tpu.memory_space<vmem>>, vector<16xi32>,
      %swap3A_1015 = vector.shape_cast %swap3A_1014 : vector<16xi32> to vector<16xi32>
      %swap3A_1016 = vector.shape_cast %add3A_1012 : vector<16xi32> to vector<16xi32>
      tpu.vector_store %arg13[%swap3A_1013], %swap3A_1016 {strides = array<i32>} : memref<128xi32, #tpu.memory_space<vmem>>, vector<16xi32>,
      %get3A_1017 = arith.constant 96 : index
      %get3A_1018 = tpu.vector_load %arg11[%get3A_1017] {strides = array<i32>} : memref<128xi32, #tpu.memory_space<vmem>>, vector<16xi32>,
      %get3A_1019 = vector.shape_cast %get3A_1018 : vector<16xi32> to vector<16xi32>
      %swap3A_1020 = arith.constant 96 : index
      %swap3A_1021 = tpu.vector_load %arg15[%swap3A_1020] {strides = array<i32>} : memref<128xi32, #tpu.memory_space<vmem>>, vector<16xi32>,
      %swap3A_1022 = vector.shape_cast %swap3A_1021 : vector<16xi32> to vector<16xi32>
      %swap3A_1023 = vector.shape_cast %get3A_1019 : vector<16xi32> to vector<16xi32>
      tpu.vector_store %arg15[%swap3A_1020], %swap3A_1023 {strides = array<i32>} : memref<128xi32, #tpu.memory_space<vmem>>, vector<16xi32>,
      %get3A_1024 = arith.constant 112 : index
      %get3A_1025 = tpu.vector_load %arg9[%get3A_1024] {strides = array<i32>} : memref<128xi32, #tpu.memory_space<vmem>>, vector<16xi32>,
      %get3A_1026 = vector.shape_cast %get3A_1025 : vector<16xi32> to vector<16xi32>
      %mul3A_1027 = arith.constant 10000 : i32
      %mul3A_1028 = vector.broadcast %mul3A_1027 : i32 to vector<16xi32>
      %mul3A_1029 = arith.muli %get3A_1026, %mul3A_1028 : vector<16xi32>
      %get3A_1030 = arith.constant 112 : index
      %get3A_1031 = tpu.vector_load %arg7[%get3A_1030] {strides = array<i32>} : memref<128xi32, #tpu.memory_space<vmem>>, vector<16xi32>,
      %get3A_1032 = vector.shape_cast %get3A_1031 : vector<16xi32> to vector<16xi32>
      %add3A_1033 = arith.addi %mul3A_1029, %get3A_1032 : vector<16xi32>
      %swap3A_1034 = arith.constant 112 : index
      %swap3A_1035 = tpu.vector_load %arg13[%swap3A_1034] {strides = array<i32>} : memref<128xi32, #tpu.memory_space<vmem>>, vector<16xi32>,
      %swap3A_1036 = vector.shape_cast %swap3A_1035 : vector<16xi32> to vector<16xi32>
      %swap3A_1037 = vector.shape_cast %add3A_1033 : vector<16xi32> to vector<16xi32>
      tpu.vector_store %arg13[%swap3A_1034], %swap3A_1037 {strides = array<i32>} : memref<128xi32, #tpu.memory_space<vmem>>, vector<16xi32>,
      %get3A_1038 = arith.constant 112 : index
      %get3A_1039 = tpu.vector_load %arg11[%get3A_1038] {strides = array<i32>} : memref<128xi32, #tpu.memory_space<vmem>>, vector<16xi32>,
      %get3A_1040 = vector.shape_cast %get3A_1039 : vector<16xi32> to vector<16xi32>
      %swap3A_1041 = arith.constant 112 : index
      %swap3A_1042 = tpu.vector_load %arg15[%swap3A_1041] {strides = array<i32>} : memref<128xi32, #tpu.memory_space<vmem>>, vector<16xi32>,
      %swap3A_1043 = vector.shape_cast %swap3A_1042 : vector<16xi32> to vector<16xi32>
      %swap3A_1044 = vector.shape_cast %get3A_1040 : vector<16xi32> to vector<16xi32>
      tpu.vector_store %arg15[%swap3A_1041], %swap3A_1044 {strides = array<i32>} : memref<128xi32, #tpu.memory_space<vmem>>, vector<16xi32>,
      %dma_start3A_1045 = arith.constant 0 : i32
      %dma_start3A_1046 = arith.constant 0 : i32
      %dma_start3A_1047 = tpu.memref_slice %arg2[%dma_start3A_1045, %dma_start3A_1046] : memref<160000x128xf32, #tpu.memory_space<hbm>> -> memref<160000x128xf32, #tpu.memory_space<hbm>>
      tpu.enqueue_indirect_dma source(%dma_start3A_1047 : memref<160000x128xf32, #tpu.memory_space<hbm>>) target(%arg17 : memref<128x128xf32, #tpu.memory_space<vmem>>) offsets(%arg13 : memref<128xi32, #tpu.memory_space<vmem>>) semaphore(%arg27 : memref<!tpu.dma_semaphore, #tpu.memory_space<semaphore_mem>>)
      %mul3A_1048 = arith.constant 2 : i32
      %mul3A_1049 = arith.muli %mul3A_1048, %scan3A_861 : i32
      %add3A_1050 = arith.constant 4 : i32
      %add3A_1051 = arith.addi %mul3A_1049, %add3A_1050 : i32
      %mul3A_1052 = arith.constant 128 : i32
      %mul3A_1053 = arith.muli %add3A_1051, %mul3A_1052 : i32
      %add3A_1054 = arith.addi %mul3A_2, %mul3A_1053 : i32
      %dma_start3A_1055 = tpu.memref_slice %arg3[%add3A_1054] : memref<320000xi32, #tpu.memory_space<hbm>> -> memref<128xi32, #tpu.memory_space<hbm>>
      %dma_start3A_1056 = tpu.memref_slice %arg3[%add3A_1054] : memref<320000xi32, #tpu.memory_space<hbm>> -> memref<128xi32, #tpu.memory_space<hbm>>
      tpu.enqueue_dma source(%dma_start3A_1056 : memref<128xi32, #tpu.memory_space<hbm>>) target(%arg7 : memref<128xi32, #tpu.memory_space<vmem>>) target_semaphore(%arg25 : memref<!tpu.dma_semaphore, #tpu.memory_space<semaphore_mem>>)
      %dma_start3A_1057 = tpu.memref_slice %arg4[%add3A_1054] : memref<320000xi32, #tpu.memory_space<hbm>> -> memref<128xi32, #tpu.memory_space<hbm>>
      %dma_start3A_1058 = tpu.memref_slice %arg4[%add3A_1054] : memref<320000xi32, #tpu.memory_space<hbm>> -> memref<128xi32, #tpu.memory_space<hbm>>
      tpu.enqueue_dma source(%dma_start3A_1058 : memref<128xi32, #tpu.memory_space<hbm>>) target(%arg9 : memref<128xi32, #tpu.memory_space<vmem>>) target_semaphore(%arg25 : memref<!tpu.dma_semaphore, #tpu.memory_space<semaphore_mem>>)
      %dma_start3A_1059 = tpu.memref_slice %arg5[%add3A_1054] : memref<320000xi32, #tpu.memory_space<hbm>> -> memref<128xi32, #tpu.memory_space<hbm>>
      %dma_start3A_1060 = tpu.memref_slice %arg5[%add3A_1054] : memref<320000xi32, #tpu.memory_space<hbm>> -> memref<128xi32, #tpu.memory_space<hbm>>
      tpu.enqueue_dma source(%dma_start3A_1060 : memref<128xi32, #tpu.memory_space<hbm>>) target(%arg11 : memref<128xi32, #tpu.memory_space<vmem>>) target_semaphore(%arg25 : memref<!tpu.dma_semaphore, #tpu.memory_space<semaphore_mem>>)
      %dma_wait3A_1061 = arith.constant 0 : i32
      %dma_wait3A_1062 = arith.constant 0 : i32
      %dma_wait3A_1063 = tpu.memref_slice %arg24[%dma_wait3A_1061, %dma_wait3A_1062] : memref<10240x128xf32, #tpu.memory_space<vmem_shared>> -> memref<10240x128xf32, #tpu.memory_space<vmem_shared>>
      tpu.wait_indirect_dma semaphore(%arg30 : memref<!tpu.dma_semaphore, #tpu.memory_space<semaphore_mem>>) src(%arg18 : memref<128x128xf32, #tpu.memory_space<vmem>>) dst(%dma_wait3A_1063 : memref<10240x128xf32, #tpu.memory_space<vmem_shared>>)
      %dma_wait3A_1064 = arith.constant 0 : i32
      %dma_wait3A_1065 = tpu.memref_slice %arg3[%dma_wait3A_1064] : memref<320000xi32, #tpu.memory_space<hbm>> -> memref<128xi32, #tpu.memory_space<hbm>>
      %dma_wait3A_1066 = arith.constant 0 : i32
      %dma_wait3A_1067 = tpu.memref_slice %arg3[%dma_wait3A_1066] : memref<320000xi32, #tpu.memory_space<hbm>> -> memref<128xi32, #tpu.memory_space<hbm>>
      tpu.wait_dma2 semaphore(%arg26 : memref<!tpu.dma_semaphore, #tpu.memory_space<semaphore_mem>>) src(%dma_wait3A_1067 : memref<128xi32, #tpu.memory_space<hbm>>) dst(%arg8 : memref<128xi32, #tpu.memory_space<vmem>>)
      %dma_wait3A_1068 = arith.constant 0 : i32
      %dma_wait3A_1069 = tpu.memref_slice %arg4[%dma_wait3A_1068] : memref<320000xi32, #tpu.memory_space<hbm>> -> memref<128xi32, #tpu.memory_space<hbm>>
      %dma_wait3A_1070 = arith.constant 0 : i32
      %dma_wait3A_1071 = tpu.memref_slice %arg4[%dma_wait3A_1070] : memref<320000xi32, #tpu.memory_space<hbm>> -> memref<128xi32, #tpu.memory_space<hbm>>
      tpu.wait_dma2 semaphore(%arg26 : memref<!tpu.dma_semaphore, #tpu.memory_space<semaphore_mem>>) src(%dma_wait3A_1071 : memref<128xi32, #tpu.memory_space<hbm>>) dst(%arg10 : memref<128xi32, #tpu.memory_space<vmem>>)
      %dma_wait3A_1072 = arith.constant 0 : i32
      %dma_wait3A_1073 = tpu.memref_slice %arg5[%dma_wait3A_1072] : memref<320000xi32, #tpu.memory_space<hbm>> -> memref<128xi32, #tpu.memory_space<hbm>>
      %dma_wait3A_1074 = arith.constant 0 : i32
      %dma_wait3A_1075 = tpu.memref_slice %arg5[%dma_wait3A_1074] : memref<320000xi32, #tpu.memory_space<hbm>> -> memref<128xi32, #tpu.memory_space<hbm>>
      tpu.wait_dma2 semaphore(%arg26 : memref<!tpu.dma_semaphore, #tpu.memory_space<semaphore_mem>>) src(%dma_wait3A_1075 : memref<128xi32, #tpu.memory_space<hbm>>) dst(%arg12 : memref<128xi32, #tpu.memory_space<vmem>>)
      %get3A_1076 = arith.constant 0 : index
      %get3A_1077 = tpu.vector_load %arg10[%get3A_1076] {strides = array<i32>} : memref<128xi32, #tpu.memory_space<vmem>>, vector<16xi32>,
      %get3A_1078 = vector.shape_cast %get3A_1077 : vector<16xi32> to vector<16xi32>
      %mul3A_1079 = arith.constant 10000 : i32
      %mul3A_1080 = vector.broadcast %mul3A_1079 : i32 to vector<16xi32>
      %mul3A_1081 = arith.muli %get3A_1078, %mul3A_1080 : vector<16xi32>
      %get3A_1082 = arith.constant 0 : index
      %get3A_1083 = tpu.vector_load %arg8[%get3A_1082] {strides = array<i32>} : memref<128xi32, #tpu.memory_space<vmem>>, vector<16xi32>,
      %get3A_1084 = vector.shape_cast %get3A_1083 : vector<16xi32> to vector<16xi32>
      %add3A_1085 = arith.addi %mul3A_1081, %get3A_1084 : vector<16xi32>
      %swap3A_1086 = arith.constant 0 : index
      %swap3A_1087 = tpu.vector_load %arg14[%swap3A_1086] {strides = array<i32>} : memref<128xi32, #tpu.memory_space<vmem>>, vector<16xi32>,
      %swap3A_1088 = vector.shape_cast %swap3A_1087 : vector<16xi32> to vector<16xi32>
      %swap3A_1089 = vector.shape_cast %add3A_1085 : vector<16xi32> to vector<16xi32>
      tpu.vector_store %arg14[%swap3A_1086], %swap3A_1089 {strides = array<i32>} : memref<128xi32, #tpu.memory_space<vmem>>, vector<16xi32>,
      %get3A_1090 = arith.constant 0 : index
      %get3A_1091 = tpu.vector_load %arg12[%get3A_1090] {strides = array<i32>} : memref<128xi32, #tpu.memory_space<vmem>>, vector<16xi32>,
      %get3A_1092 = vector.shape_cast %get3A_1091 : vector<16xi32> to vector<16xi32>
      %swap3A_1093 = arith.constant 0 : index
      %swap3A_1094 = tpu.vector_load %arg16[%swap3A_1093] {strides = array<i32>} : memref<128xi32, #tpu.memory_space<vmem>>, vector<16xi32>,
      %swap3A_1095 = vector.shape_cast %swap3A_1094 : vector<16xi32> to vector<16xi32>
      %swap3A_1096 = vector.shape_cast %get3A_1092 : vector<16xi32> to vector<16xi32>
      tpu.vector_store %arg16[%swap3A_1093], %swap3A_1096 {strides = array<i32>} : memref<128xi32, #tpu.memory_space<vmem>>, vector<16xi32>,
      %get3A_1097 = arith.constant 16 : index
      %get3A_1098 = tpu.vector_load %arg10[%get3A_1097] {strides = array<i32>} : memref<128xi32, #tpu.memory_space<vmem>>, vector<16xi32>,
      %get3A_1099 = vector.shape_cast %get3A_1098 : vector<16xi32> to vector<16xi32>
      %mul3A_1100 = arith.constant 10000 : i32
      %mul3A_1101 = vector.broadcast %mul3A_1100 : i32 to vector<16xi32>
      %mul3A_1102 = arith.muli %get3A_1099, %mul3A_1101 : vector<16xi32>
      %get3A_1103 = arith.constant 16 : index
      %get3A_1104 = tpu.vector_load %arg8[%get3A_1103] {strides = array<i32>} : memref<128xi32, #tpu.memory_space<vmem>>, vector<16xi32>,
      %get3A_1105 = vector.shape_cast %get3A_1104 : vector<16xi32> to vector<16xi32>
      %add3A_1106 = arith.addi %mul3A_1102, %get3A_1105 : vector<16xi32>
      %swap3A_1107 = arith.constant 16 : index
      %swap3A_1108 = tpu.vector_load %arg14[%swap3A_1107] {strides = array<i32>} : memref<128xi32, #tpu.memory_space<vmem>>, vector<16xi32>,
      %swap3A_1109 = vector.shape_cast %swap3A_1108 : vector<16xi32> to vector<16xi32>
      %swap3A_1110 = vector.shape_cast %add3A_1106 : vector<16xi32> to vector<16xi32>
      tpu.vector_store %arg14[%swap3A_1107], %swap3A_1110 {strides = array<i32>} : memref<128xi32, #tpu.memory_space<vmem>>, vector<16xi32>,
      %get3A_1111 = arith.constant 16 : index
      %get3A_1112 = tpu.vector_load %arg12[%get3A_1111] {strides = array<i32>} : memref<128xi32, #tpu.memory_space<vmem>>, vector<16xi32>,
      %get3A_1113 = vector.shape_cast %get3A_1112 : vector<16xi32> to vector<16xi32>
      %swap3A_1114 = arith.constant 16 : index
      %swap3A_1115 = tpu.vector_load %arg16[%swap3A_1114] {strides = array<i32>} : memref<128xi32, #tpu.memory_space<vmem>>, vector<16xi32>,
      %swap3A_1116 = vector.shape_cast %swap3A_1115 : vector<16xi32> to vector<16xi32>
      %swap3A_1117 = vector.shape_cast %get3A_1113 : vector<16xi32> to vector<16xi32>
      tpu.vector_store %arg16[%swap3A_1114], %swap3A_1117 {strides = array<i32>} : memref<128xi32, #tpu.memory_space<vmem>>, vector<16xi32>,
      %get3A_1118 = arith.constant 32 : index
      %get3A_1119 = tpu.vector_load %arg10[%get3A_1118] {strides = array<i32>} : memref<128xi32, #tpu.memory_space<vmem>>, vector<16xi32>,
      %get3A_1120 = vector.shape_cast %get3A_1119 : vector<16xi32> to vector<16xi32>
      %mul3A_1121 = arith.constant 10000 : i32
      %mul3A_1122 = vector.broadcast %mul3A_1121 : i32 to vector<16xi32>
      %mul3A_1123 = arith.muli %get3A_1120, %mul3A_1122 : vector<16xi32>
      %get3A_1124 = arith.constant 32 : index
      %get3A_1125 = tpu.vector_load %arg8[%get3A_1124] {strides = array<i32>} : memref<128xi32, #tpu.memory_space<vmem>>, vector<16xi32>,
      %get3A_1126 = vector.shape_cast %get3A_1125 : vector<16xi32> to vector<16xi32>
      %add3A_1127 = arith.addi %mul3A_1123, %get3A_1126 : vector<16xi32>
      %swap3A_1128 = arith.constant 32 : index
      %swap3A_1129 = tpu.vector_load %arg14[%swap3A_1128] {strides = array<i32>} : memref<128xi32, #tpu.memory_space<vmem>>, vector<16xi32>,
      %swap3A_1130 = vector.shape_cast %swap3A_1129 : vector<16xi32> to vector<16xi32>
      %swap3A_1131 = vector.shape_cast %add3A_1127 : vector<16xi32> to vector<16xi32>
      tpu.vector_store %arg14[%swap3A_1128], %swap3A_1131 {strides = array<i32>} : memref<128xi32, #tpu.memory_space<vmem>>, vector<16xi32>,
      %get3A_1132 = arith.constant 32 : index
      %get3A_1133 = tpu.vector_load %arg12[%get3A_1132] {strides = array<i32>} : memref<128xi32, #tpu.memory_space<vmem>>, vector<16xi32>,
      %get3A_1134 = vector.shape_cast %get3A_1133 : vector<16xi32> to vector<16xi32>
      %swap3A_1135 = arith.constant 32 : index
      %swap3A_1136 = tpu.vector_load %arg16[%swap3A_1135] {strides = array<i32>} : memref<128xi32, #tpu.memory_space<vmem>>, vector<16xi32>,
      %swap3A_1137 = vector.shape_cast %swap3A_1136 : vector<16xi32> to vector<16xi32>
      %swap3A_1138 = vector.shape_cast %get3A_1134 : vector<16xi32> to vector<16xi32>
      tpu.vector_store %arg16[%swap3A_1135], %swap3A_1138 {strides = array<i32>} : memref<128xi32, #tpu.memory_space<vmem>>, vector<16xi32>,
      %get3A_1139 = arith.constant 48 : index
      %get3A_1140 = tpu.vector_load %arg10[%get3A_1139] {strides = array<i32>} : memref<128xi32, #tpu.memory_space<vmem>>, vector<16xi32>,
      %get3A_1141 = vector.shape_cast %get3A_1140 : vector<16xi32> to vector<16xi32>
      %mul3A_1142 = arith.constant 10000 : i32
      %mul3A_1143 = vector.broadcast %mul3A_1142 : i32 to vector<16xi32>
      %mul3A_1144 = arith.muli %get3A_1141, %mul3A_1143 : vector<16xi32>
      %get3A_1145 = arith.constant 48 : index
      %get3A_1146 = tpu.vector_load %arg8[%get3A_1145] {strides = array<i32>} : memref<128xi32, #tpu.memory_space<vmem>>, vector<16xi32>,
      %get3A_1147 = vector.shape_cast %get3A_1146 : vector<16xi32> to vector<16xi32>
      %add3A_1148 = arith.addi %mul3A_1144, %get3A_1147 : vector<16xi32>
      %swap3A_1149 = arith.constant 48 : index
      %swap3A_1150 = tpu.vector_load %arg14[%swap3A_1149] {strides = array<i32>} : memref<128xi32, #tpu.memory_space<vmem>>, vector<16xi32>,
      %swap3A_1151 = vector.shape_cast %swap3A_1150 : vector<16xi32> to vector<16xi32>
      %swap3A_1152 = vector.shape_cast %add3A_1148 : vector<16xi32> to vector<16xi32>
      tpu.vector_store %arg14[%swap3A_1149], %swap3A_1152 {strides = array<i32>} : memref<128xi32, #tpu.memory_space<vmem>>, vector<16xi32>,
      %get3A_1153 = arith.constant 48 : index
      %get3A_1154 = tpu.vector_load %arg12[%get3A_1153] {strides = array<i32>} : memref<128xi32, #tpu.memory_space<vmem>>, vector<16xi32>,
      %get3A_1155 = vector.shape_cast %get3A_1154 : vector<16xi32> to vector<16xi32>
      %swap3A_1156 = arith.constant 48 : index
      %swap3A_1157 = tpu.vector_load %arg16[%swap3A_1156] {strides = array<i32>} : memref<128xi32, #tpu.memory_space<vmem>>, vector<16xi32>,
      %swap3A_1158 = vector.shape_cast %swap3A_1157 : vector<16xi32> to vector<16xi32>
      %swap3A_1159 = vector.shape_cast %get3A_1155 : vector<16xi32> to vector<16xi32>
      tpu.vector_store %arg16[%swap3A_1156], %swap3A_1159 {strides = array<i32>} : memref<128xi32, #tpu.memory_space<vmem>>, vector<16xi32>,
      %get3A_1160 = arith.constant 64 : index
      %get3A_1161 = tpu.vector_load %arg10[%get3A_1160] {strides = array<i32>} : memref<128xi32, #tpu.memory_space<vmem>>, vector<16xi32>,
      %get3A_1162 = vector.shape_cast %get3A_1161 : vector<16xi32> to vector<16xi32>
      %mul3A_1163 = arith.constant 10000 : i32
      %mul3A_1164 = vector.broadcast %mul3A_1163 : i32 to vector<16xi32>
      %mul3A_1165 = arith.muli %get3A_1162, %mul3A_1164 : vector<16xi32>
      %get3A_1166 = arith.constant 64 : index
      %get3A_1167 = tpu.vector_load %arg8[%get3A_1166] {strides = array<i32>} : memref<128xi32, #tpu.memory_space<vmem>>, vector<16xi32>,
      %get3A_1168 = vector.shape_cast %get3A_1167 : vector<16xi32> to vector<16xi32>
      %add3A_1169 = arith.addi %mul3A_1165, %get3A_1168 : vector<16xi32>
      %swap3A_1170 = arith.constant 64 : index
      %swap3A_1171 = tpu.vector_load %arg14[%swap3A_1170] {strides = array<i32>} : memref<128xi32, #tpu.memory_space<vmem>>, vector<16xi32>,
      %swap3A_1172 = vector.shape_cast %swap3A_1171 : vector<16xi32> to vector<16xi32>
      %swap3A_1173 = vector.shape_cast %add3A_1169 : vector<16xi32> to vector<16xi32>
      tpu.vector_store %arg14[%swap3A_1170], %swap3A_1173 {strides = array<i32>} : memref<128xi32, #tpu.memory_space<vmem>>, vector<16xi32>,
      %get3A_1174 = arith.constant 64 : index
      %get3A_1175 = tpu.vector_load %arg12[%get3A_1174] {strides = array<i32>} : memref<128xi32, #tpu.memory_space<vmem>>, vector<16xi32>,
      %get3A_1176 = vector.shape_cast %get3A_1175 : vector<16xi32> to vector<16xi32>
      %swap3A_1177 = arith.constant 64 : index
      %swap3A_1178 = tpu.vector_load %arg16[%swap3A_1177] {strides = array<i32>} : memref<128xi32, #tpu.memory_space<vmem>>, vector<16xi32>,
      %swap3A_1179 = vector.shape_cast %swap3A_1178 : vector<16xi32> to vector<16xi32>
      %swap3A_1180 = vector.shape_cast %get3A_1176 : vector<16xi32> to vector<16xi32>
      tpu.vector_store %arg16[%swap3A_1177], %swap3A_1180 {strides = array<i32>} : memref<128xi32, #tpu.memory_space<vmem>>, vector<16xi32>,
      %get3A_1181 = arith.constant 80 : index
      %get3A_1182 = tpu.vector_load %arg10[%get3A_1181] {strides = array<i32>} : memref<128xi32, #tpu.memory_space<vmem>>, vector<16xi32>,
      %get3A_1183 = vector.shape_cast %get3A_1182 : vector<16xi32> to vector<16xi32>
      %mul3A_1184 = arith.constant 10000 : i32
      %mul3A_1185 = vector.broadcast %mul3A_1184 : i32 to vector<16xi32>
      %mul3A_1186 = arith.muli %get3A_1183, %mul3A_1185 : vector<16xi32>
      %get3A_1187 = arith.constant 80 : index
      %get3A_1188 = tpu.vector_load %arg8[%get3A_1187] {strides = array<i32>} : memref<128xi32, #tpu.memory_space<vmem>>, vector<16xi32>,
      %get3A_1189 = vector.shape_cast %get3A_1188 : vector<16xi32> to vector<16xi32>
      %add3A_1190 = arith.addi %mul3A_1186, %get3A_1189 : vector<16xi32>
      %swap3A_1191 = arith.constant 80 : index
      %swap3A_1192 = tpu.vector_load %arg14[%swap3A_1191] {strides = array<i32>} : memref<128xi32, #tpu.memory_space<vmem>>, vector<16xi32>,
      %swap3A_1193 = vector.shape_cast %swap3A_1192 : vector<16xi32> to vector<16xi32>
      %swap3A_1194 = vector.shape_cast %add3A_1190 : vector<16xi32> to vector<16xi32>
      tpu.vector_store %arg14[%swap3A_1191], %swap3A_1194 {strides = array<i32>} : memref<128xi32, #tpu.memory_space<vmem>>, vector<16xi32>,
      %get3A_1195 = arith.constant 80 : index
      %get3A_1196 = tpu.vector_load %arg12[%get3A_1195] {strides = array<i32>} : memref<128xi32, #tpu.memory_space<vmem>>, vector<16xi32>,
      %get3A_1197 = vector.shape_cast %get3A_1196 : vector<16xi32> to vector<16xi32>
      %swap3A_1198 = arith.constant 80 : index
      %swap3A_1199 = tpu.vector_load %arg16[%swap3A_1198] {strides = array<i32>} : memref<128xi32, #tpu.memory_space<vmem>>, vector<16xi32>,
      %swap3A_1200 = vector.shape_cast %swap3A_1199 : vector<16xi32> to vector<16xi32>
      %swap3A_1201 = vector.shape_cast %get3A_1197 : vector<16xi32> to vector<16xi32>
      tpu.vector_store %arg16[%swap3A_1198], %swap3A_1201 {strides = array<i32>} : memref<128xi32, #tpu.memory_space<vmem>>, vector<16xi32>,
      %get3A_1202 = arith.constant 96 : index
      %get3A_1203 = tpu.vector_load %arg10[%get3A_1202] {strides = array<i32>} : memref<128xi32, #tpu.memory_space<vmem>>, vector<16xi32>,
      %get3A_1204 = vector.shape_cast %get3A_1203 : vector<16xi32> to vector<16xi32>
      %mul3A_1205 = arith.constant 10000 : i32
      %mul3A_1206 = vector.broadcast %mul3A_1205 : i32 to vector<16xi32>
      %mul3A_1207 = arith.muli %get3A_1204, %mul3A_1206 : vector<16xi32>
      %get3A_1208 = arith.constant 96 : index
      %get3A_1209 = tpu.vector_load %arg8[%get3A_1208] {strides = array<i32>} : memref<128xi32, #tpu.memory_space<vmem>>, vector<16xi32>,
      %get3A_1210 = vector.shape_cast %get3A_1209 : vector<16xi32> to vector<16xi32>
      %add3A_1211 = arith.addi %mul3A_1207, %get3A_1210 : vector<16xi32>
      %swap3A_1212 = arith.constant 96 : index
      %swap3A_1213 = tpu.vector_load %arg14[%swap3A_1212] {strides = array<i32>} : memref<128xi32, #tpu.memory_space<vmem>>, vector<16xi32>,
      %swap3A_1214 = vector.shape_cast %swap3A_1213 : vector<16xi32> to vector<16xi32>
      %swap3A_1215 = vector.shape_cast %add3A_1211 : vector<16xi32> to vector<16xi32>
      tpu.vector_store %arg14[%swap3A_1212], %swap3A_1215 {strides = array<i32>} : memref<128xi32, #tpu.memory_space<vmem>>, vector<16xi32>,
      %get3A_1216 = arith.constant 96 : index
      %get3A_1217 = tpu.vector_load %arg12[%get3A_1216] {strides = array<i32>} : memref<128xi32, #tpu.memory_space<vmem>>, vector<16xi32>,
      %get3A_1218 = vector.shape_cast %get3A_1217 : vector<16xi32> to vector<16xi32>
      %swap3A_1219 = arith.constant 96 : index
      %swap3A_1220 = tpu.vector_load %arg16[%swap3A_1219] {strides = array<i32>} : memref<128xi32, #tpu.memory_space<vmem>>, vector<16xi32>,
      %swap3A_1221 = vector.shape_cast %swap3A_1220 : vector<16xi32> to vector<16xi32>
      %swap3A_1222 = vector.shape_cast %get3A_1218 : vector<16xi32> to vector<16xi32>
      tpu.vector_store %arg16[%swap3A_1219], %swap3A_1222 {strides = array<i32>} : memref<128xi32, #tpu.memory_space<vmem>>, vector<16xi32>,
      %get3A_1223 = arith.constant 112 : index
      %get3A_1224 = tpu.vector_load %arg10[%get3A_1223] {strides = array<i32>} : memref<128xi32, #tpu.memory_space<vmem>>, vector<16xi32>,
      %get3A_1225 = vector.shape_cast %get3A_1224 : vector<16xi32> to vector<16xi32>
      %mul3A_1226 = arith.constant 10000 : i32
      %mul3A_1227 = vector.broadcast %mul3A_1226 : i32 to vector<16xi32>
      %mul3A_1228 = arith.muli %get3A_1225, %mul3A_1227 : vector<16xi32>
      %get3A_1229 = arith.constant 112 : index
      %get3A_1230 = tpu.vector_load %arg8[%get3A_1229] {strides = array<i32>} : memref<128xi32, #tpu.memory_space<vmem>>, vector<16xi32>,
      %get3A_1231 = vector.shape_cast %get3A_1230 : vector<16xi32> to vector<16xi32>
      %add3A_1232 = arith.addi %mul3A_1228, %get3A_1231 : vector<16xi32>
      %swap3A_1233 = arith.constant 112 : index
      %swap3A_1234 = tpu.vector_load %arg14[%swap3A_1233] {strides = array<i32>} : memref<128xi32, #tpu.memory_space<vmem>>, vector<16xi32>,
      %swap3A_1235 = vector.shape_cast %swap3A_1234 : vector<16xi32> to vector<16xi32>
      %swap3A_1236 = vector.shape_cast %add3A_1232 : vector<16xi32> to vector<16xi32>
      tpu.vector_store %arg14[%swap3A_1233], %swap3A_1236 {strides = array<i32>} : memref<128xi32, #tpu.memory_space<vmem>>, vector<16xi32>,
      %get3A_1237 = arith.constant 112 : index
      %get3A_1238 = tpu.vector_load %arg12[%get3A_1237] {strides = array<i32>} : memref<128xi32, #tpu.memory_space<vmem>>, vector<16xi32>,
      %get3A_1239 = vector.shape_cast %get3A_1238 : vector<16xi32> to vector<16xi32>
      %swap3A_1240 = arith.constant 112 : index
      %swap3A_1241 = tpu.vector_load %arg16[%swap3A_1240] {strides = array<i32>} : memref<128xi32, #tpu.memory_space<vmem>>, vector<16xi32>,
      %swap3A_1242 = vector.shape_cast %swap3A_1241 : vector<16xi32> to vector<16xi32>
      %swap3A_1243 = vector.shape_cast %get3A_1239 : vector<16xi32> to vector<16xi32>
      tpu.vector_store %arg16[%swap3A_1240], %swap3A_1243 {strides = array<i32>} : memref<128xi32, #tpu.memory_space<vmem>>, vector<16xi32>,
      %dma_start3A_1244 = arith.constant 0 : i32
      %dma_start3A_1245 = arith.constant 0 : i32
      %dma_start3A_1246 = tpu.memref_slice %arg2[%dma_start3A_1244, %dma_start3A_1245] : memref<160000x128xf32, #tpu.memory_space<hbm>> -> memref<160000x128xf32, #tpu.memory_space<hbm>>
      tpu.enqueue_indirect_dma source(%dma_start3A_1246 : memref<160000x128xf32, #tpu.memory_space<hbm>>) target(%arg18 : memref<128x128xf32, #tpu.memory_space<vmem>>) offsets(%arg14 : memref<128xi32, #tpu.memory_space<vmem>>) semaphore(%arg28 : memref<!tpu.dma_semaphore, #tpu.memory_space<semaphore_mem>>)
      %mul3A_1247 = arith.constant 2 : i32
      %mul3A_1248 = arith.muli %mul3A_1247, %scan3A_861 : i32
      %add3A_1249 = arith.constant 5 : i32
      %add3A_1250 = arith.addi %mul3A_1248, %add3A_1249 : i32
      %mul3A_1251 = arith.constant 128 : i32
      %mul3A_1252 = arith.muli %add3A_1250, %mul3A_1251 : i32
      %add3A_1253 = arith.addi %mul3A_2, %mul3A_1252 : i32
      %dma_start3A_1254 = tpu.memref_slice %arg3[%add3A_1253] : memref<320000xi32, #tpu.memory_space<hbm>> -> memref<128xi32, #tpu.memory_space<hbm>>
      %dma_start3A_1255 = tpu.memref_slice %arg3[%add3A_1253] : memref<320000xi32, #tpu.memory_space<hbm>> -> memref<128xi32, #tpu.memory_space<hbm>>
      tpu.enqueue_dma source(%dma_start3A_1255 : memref<128xi32, #tpu.memory_space<hbm>>) target(%arg8 : memref<128xi32, #tpu.memory_space<vmem>>) target_semaphore(%arg26 : memref<!tpu.dma_semaphore, #tpu.memory_space<semaphore_mem>>)
      %dma_start3A_1256 = tpu.memref_slice %arg4[%add3A_1253] : memref<320000xi32, #tpu.memory_space<hbm>> -> memref<128xi32, #tpu.memory_space<hbm>>
      %dma_start3A_1257 = tpu.memref_slice %arg4[%add3A_1253] : memref<320000xi32, #tpu.memory_space<hbm>> -> memref<128xi32, #tpu.memory_space<hbm>>
      tpu.enqueue_dma source(%dma_start3A_1257 : memref<128xi32, #tpu.memory_space<hbm>>) target(%arg10 : memref<128xi32, #tpu.memory_space<vmem>>) target_semaphore(%arg26 : memref<!tpu.dma_semaphore, #tpu.memory_space<semaphore_mem>>)
      %dma_start3A_1258 = tpu.memref_slice %arg5[%add3A_1253] : memref<320000xi32, #tpu.memory_space<hbm>> -> memref<128xi32, #tpu.memory_space<hbm>>
      %dma_start3A_1259 = tpu.memref_slice %arg5[%add3A_1253] : memref<320000xi32, #tpu.memory_space<hbm>> -> memref<128xi32, #tpu.memory_space<hbm>>
      tpu.enqueue_dma source(%dma_start3A_1259 : memref<128xi32, #tpu.memory_space<hbm>>) target(%arg12 : memref<128xi32, #tpu.memory_space<vmem>>) target_semaphore(%arg26 : memref<!tpu.dma_semaphore, #tpu.memory_space<semaphore_mem>>)
      %dma_wait3A_1260 = arith.constant 0 : i32
      %dma_wait3A_1261 = arith.constant 0 : i32
      %dma_wait3A_1262 = tpu.memref_slice %arg2[%dma_wait3A_1260, %dma_wait3A_1261] : memref<160000x128xf32, #tpu.memory_space<hbm>> -> memref<160000x128xf32, #tpu.memory_space<hbm>>
      tpu.wait_indirect_dma semaphore(%arg27 : memref<!tpu.dma_semaphore, #tpu.memory_space<semaphore_mem>>) src(%dma_wait3A_1262 : memref<160000x128xf32, #tpu.memory_space<hbm>>) dst(%arg17 : memref<128x128xf32, #tpu.memory_space<vmem>>)
      %dma_start3A_1263 = arith.constant 0 : i32
      %dma_start3A_1264 = arith.constant 0 : i32
      %dma_start3A_1265 = tpu.memref_slice %arg24[%dma_start3A_1263, %dma_start3A_1264] : memref<10240x128xf32, #tpu.memory_space<vmem_shared>> -> memref<10240x128xf32, #tpu.memory_space<vmem_shared>>
      tpu.enqueue_indirect_dma source(%arg17 : memref<128x128xf32, #tpu.memory_space<vmem>>) target(%dma_start3A_1265 : memref<10240x128xf32, #tpu.memory_space<vmem_shared>>) offsets(%arg15 : memref<128xi32, #tpu.memory_space<vmem>>) semaphore(%arg29 : memref<!tpu.dma_semaphore, #tpu.memory_space<semaphore_mem>>) {add = true}
      %dma_wait3A_1266 = arith.constant 0 : i32
      %dma_wait3A_1267 = arith.constant 0 : i32
      %dma_wait3A_1268 = tpu.memref_slice %arg2[%dma_wait3A_1266, %dma_wait3A_1267] : memref<160000x128xf32, #tpu.memory_space<hbm>> -> memref<160000x128xf32, #tpu.memory_space<hbm>>
      tpu.wait_indirect_dma semaphore(%arg28 : memref<!tpu.dma_semaphore, #tpu.memory_space<semaphore_mem>>) src(%dma_wait3A_1268 : memref<160000x128xf32, #tpu.memory_space<hbm>>) dst(%arg18 : memref<128x128xf32, #tpu.memory_space<vmem>>)
      %dma_start3A_1269 = arith.constant 0 : i32
      %dma_start3A_1270 = arith.constant 0 : i32
      %dma_start3A_1271 = tpu.memref_slice %arg24[%dma_start3A_1269, %dma_start3A_1270] : memref<10240x128xf32, #tpu.memory_space<vmem_shared>> -> memref<10240x128xf32, #tpu.memory_space<vmem_shared>>
      tpu.enqueue_indirect_dma source(%arg18 : memref<128x128xf32, #tpu.memory_space<vmem>>) target(%dma_start3A_1271 : memref<10240x128xf32, #tpu.memory_space<vmem_shared>>) offsets(%arg16 : memref<128xi32, #tpu.memory_space<vmem>>) semaphore(%arg30 : memref<!tpu.dma_semaphore, #tpu.memory_space<semaphore_mem>>) {add = true}
    }
    %scan3A_440 = arith.constant 37 : i32
    %dma_wait3A_441 = arith.constant 0 : i32
    %dma_wait3A_442 = arith.constant 0 : i32
    %dma_wait3A_443 = tpu.memref_slice %arg24[%dma_wait3A_441, %dma_wait3A_442] : memref<10240x128xf32, #tpu.memory_space<vmem_shared>> -> memref<10240x128xf32, #tpu.memory_space<vmem_shared>>
    tpu.wait_indirect_dma semaphore(%arg29 : memref<!tpu.dma_semaphore, #tpu.memory_space<semaphore_mem>>) src(%arg17 : memref<128x128xf32, #tpu.memory_space<vmem>>) dst(%dma_wait3A_443 : memref<10240x128xf32, #tpu.memory_space<vmem_shared>>)
    %dma_wait3A_444 = arith.constant 0 : i32
    %dma_wait3A_445 = tpu.memref_slice %arg3[%dma_wait3A_444] : memref<320000xi32, #tpu.memory_space<hbm>> -> memref<128xi32, #tpu.memory_space<hbm>>
    %dma_wait3A_446 = arith.constant 0 : i32
    %dma_wait3A_447 = tpu.memref_slice %arg3[%dma_wait3A_446] : memref<320000xi32, #tpu.memory_space<hbm>> -> memref<128xi32, #tpu.memory_space<hbm>>
    tpu.wait_dma2 semaphore(%arg25 : memref<!tpu.dma_semaphore, #tpu.memory_space<semaphore_mem>>) src(%dma_wait3A_447 : memref<128xi32, #tpu.memory_space<hbm>>) dst(%arg7 : memref<128xi32, #tpu.memory_space<vmem>>)
    %dma_wait3A_448 = arith.constant 0 : i32
    %dma_wait3A_449 = tpu.memref_slice %arg4[%dma_wait3A_448] : memref<320000xi32, #tpu.memory_space<hbm>> -> memref<128xi32, #tpu.memory_space<hbm>>
    %dma_wait3A_450 = arith.constant 0 : i32
    %dma_wait3A_451 = tpu.memref_slice %arg4[%dma_wait3A_450] : memref<320000xi32, #tpu.memory_space<hbm>> -> memref<128xi32, #tpu.memory_space<hbm>>
    tpu.wait_dma2 semaphore(%arg25 : memref<!tpu.dma_semaphore, #tpu.memory_space<semaphore_mem>>) src(%dma_wait3A_451 : memref<128xi32, #tpu.memory_space<hbm>>) dst(%arg9 : memref<128xi32, #tpu.memory_space<vmem>>)
    %dma_wait3A_452 = arith.constant 0 : i32
    %dma_wait3A_453 = tpu.memref_slice %arg5[%dma_wait3A_452] : memref<320000xi32, #tpu.memory_space<hbm>> -> memref<128xi32, #tpu.memory_space<hbm>>
    %dma_wait3A_454 = arith.constant 0 : i32
    %dma_wait3A_455 = tpu.memref_slice %arg5[%dma_wait3A_454] : memref<320000xi32, #tpu.memory_space<hbm>> -> memref<128xi32, #tpu.memory_space<hbm>>
    tpu.wait_dma2 semaphore(%arg25 : memref<!tpu.dma_semaphore, #tpu.memory_space<semaphore_mem>>) src(%dma_wait3A_455 : memref<128xi32, #tpu.memory_space<hbm>>) dst(%arg11 : memref<128xi32, #tpu.memory_space<vmem>>)
    %get3A_456 = arith.constant 0 : index
    %get3A_457 = tpu.vector_load %arg9[%get3A_456] {strides = array<i32>} : memref<128xi32, #tpu.memory_space<vmem>>, vector<16xi32>,
    %get3A_458 = vector.shape_cast %get3A_457 : vector<16xi32> to vector<16xi32>
    %mul3A_459 = arith.constant 10000 : i32
    %mul3A_460 = vector.broadcast %mul3A_459 : i32 to vector<16xi32>
    %mul3A_461 = arith.muli %get3A_458, %mul3A_460 : vector<16xi32>
    %get3A_462 = arith.constant 0 : index
    %get3A_463 = tpu.vector_load %arg7[%get3A_462] {strides = array<i32>} : memref<128xi32, #tpu.memory_space<vmem>>, vector<16xi32>,
    %get3A_464 = vector.shape_cast %get3A_463 : vector<16xi32> to vector<16xi32>
    %add3A_465 = arith.addi %mul3A_461, %get3A_464 : vector<16xi32>
    %swap3A_466 = arith.constant 0 : index
    %swap3A_467 = tpu.vector_load %arg13[%swap3A_466] {strides = array<i32>} : memref<128xi32, #tpu.memory_space<vmem>>, vector<16xi32>,
    %swap3A_468 = vector.shape_cast %swap3A_467 : vector<16xi32> to vector<16xi32>
    %swap3A_469 = vector.shape_cast %add3A_465 : vector<16xi32> to vector<16xi32>
    tpu.vector_store %arg13[%swap3A_466], %swap3A_469 {strides = array<i32>} : memref<128xi32, #tpu.memory_space<vmem>>, vector<16xi32>,
    %get3A_470 = arith.constant 0 : index
    %get3A_471 = tpu.vector_load %arg11[%get3A_470] {strides = array<i32>} : memref<128xi32, #tpu.memory_space<vmem>>, vector<16xi32>,
    %get3A_472 = vector.shape_cast %get3A_471 : vector<16xi32> to vector<16xi32>
    %swap3A_473 = arith.constant 0 : index
    %swap3A_474 = tpu.vector_load %arg15[%swap3A_473] {strides = array<i32>} : memref<128xi32, #tpu.memory_space<vmem>>, vector<16xi32>,
    %swap3A_475 = vector.shape_cast %swap3A_474 : vector<16xi32> to vector<16xi32>
    %swap3A_476 = vector.shape_cast %get3A_472 : vector<16xi32> to vector<16xi32>
    tpu.vector_store %arg15[%swap3A_473], %swap3A_476 {strides = array<i32>} : memref<128xi32, #tpu.memory_space<vmem>>, vector<16xi32>,
    %get3A_477 = arith.constant 16 : index
    %get3A_478 = tpu.vector_load %arg9[%get3A_477] {strides = array<i32>} : memref<128xi32, #tpu.memory_space<vmem>>, vector<16xi32>,
    %get3A_479 = vector.shape_cast %get3A_478 : vector<16xi32> to vector<16xi32>
    %mul3A_480 = arith.constant 10000 : i32
    %mul3A_481 = vector.broadcast %mul3A_480 : i32 to vector<16xi32>
    %mul3A_482 = arith.muli %get3A_479, %mul3A_481 : vector<16xi32>
    %get3A_483 = arith.constant 16 : index
    %get3A_484 = tpu.vector_load %arg7[%get3A_483] {strides = array<i32>} : memref<128xi32, #tpu.memory_space<vmem>>, vector<16xi32>,
    %get3A_485 = vector.shape_cast %get3A_484 : vector<16xi32> to vector<16xi32>
    %add3A_486 = arith.addi %mul3A_482, %get3A_485 : vector<16xi32>
    %swap3A_487 = arith.constant 16 : index
    %swap3A_488 = tpu.vector_load %arg13[%swap3A_487] {strides = array<i32>} : memref<128xi32, #tpu.memory_space<vmem>>, vector<16xi32>,
    %swap3A_489 = vector.shape_cast %swap3A_488 : vector<16xi32> to vector<16xi32>
    %swap3A_490 = vector.shape_cast %add3A_486 : vector<16xi32> to vector<16xi32>
    tpu.vector_store %arg13[%swap3A_487], %swap3A_490 {strides = array<i32>} : memref<128xi32, #tpu.memory_space<vmem>>, vector<16xi32>,
    %get3A_491 = arith.constant 16 : index
    %get3A_492 = tpu.vector_load %arg11[%get3A_491] {strides = array<i32>} : memref<128xi32, #tpu.memory_space<vmem>>, vector<16xi32>,
    %get3A_493 = vector.shape_cast %get3A_492 : vector<16xi32> to vector<16xi32>
    %swap3A_494 = arith.constant 16 : index
    %swap3A_495 = tpu.vector_load %arg15[%swap3A_494] {strides = array<i32>} : memref<128xi32, #tpu.memory_space<vmem>>, vector<16xi32>,
    %swap3A_496 = vector.shape_cast %swap3A_495 : vector<16xi32> to vector<16xi32>
    %swap3A_497 = vector.shape_cast %get3A_493 : vector<16xi32> to vector<16xi32>
    tpu.vector_store %arg15[%swap3A_494], %swap3A_497 {strides = array<i32>} : memref<128xi32, #tpu.memory_space<vmem>>, vector<16xi32>,
    %get3A_498 = arith.constant 32 : index
    %get3A_499 = tpu.vector_load %arg9[%get3A_498] {strides = array<i32>} : memref<128xi32, #tpu.memory_space<vmem>>, vector<16xi32>,
    %get3A_500 = vector.shape_cast %get3A_499 : vector<16xi32> to vector<16xi32>
    %mul3A_501 = arith.constant 10000 : i32
    %mul3A_502 = vector.broadcast %mul3A_501 : i32 to vector<16xi32>
    %mul3A_503 = arith.muli %get3A_500, %mul3A_502 : vector<16xi32>
    %get3A_504 = arith.constant 32 : index
    %get3A_505 = tpu.vector_load %arg7[%get3A_504] {strides = array<i32>} : memref<128xi32, #tpu.memory_space<vmem>>, vector<16xi32>,
    %get3A_506 = vector.shape_cast %get3A_505 : vector<16xi32> to vector<16xi32>
    %add3A_507 = arith.addi %mul3A_503, %get3A_506 : vector<16xi32>
    %swap3A_508 = arith.constant 32 : index
    %swap3A_509 = tpu.vector_load %arg13[%swap3A_508] {strides = array<i32>} : memref<128xi32, #tpu.memory_space<vmem>>, vector<16xi32>,
    %swap3A_510 = vector.shape_cast %swap3A_509 : vector<16xi32> to vector<16xi32>
    %swap3A_511 = vector.shape_cast %add3A_507 : vector<16xi32> to vector<16xi32>
    tpu.vector_store %arg13[%swap3A_508], %swap3A_511 {strides = array<i32>} : memref<128xi32, #tpu.memory_space<vmem>>, vector<16xi32>,
    %get3A_512 = arith.constant 32 : index
    %get3A_513 = tpu.vector_load %arg11[%get3A_512] {strides = array<i32>} : memref<128xi32, #tpu.memory_space<vmem>>, vector<16xi32>,
    %get3A_514 = vector.shape_cast %get3A_513 : vector<16xi32> to vector<16xi32>
    %swap3A_515 = arith.constant 32 : index
    %swap3A_516 = tpu.vector_load %arg15[%swap3A_515] {strides = array<i32>} : memref<128xi32, #tpu.memory_space<vmem>>, vector<16xi32>,
    %swap3A_517 = vector.shape_cast %swap3A_516 : vector<16xi32> to vector<16xi32>
    %swap3A_518 = vector.shape_cast %get3A_514 : vector<16xi32> to vector<16xi32>
    tpu.vector_store %arg15[%swap3A_515], %swap3A_518 {strides = array<i32>} : memref<128xi32, #tpu.memory_space<vmem>>, vector<16xi32>,
    %get3A_519 = arith.constant 48 : index
    %get3A_520 = tpu.vector_load %arg9[%get3A_519] {strides = array<i32>} : memref<128xi32, #tpu.memory_space<vmem>>, vector<16xi32>,
    %get3A_521 = vector.shape_cast %get3A_520 : vector<16xi32> to vector<16xi32>
    %mul3A_522 = arith.constant 10000 : i32
    %mul3A_523 = vector.broadcast %mul3A_522 : i32 to vector<16xi32>
    %mul3A_524 = arith.muli %get3A_521, %mul3A_523 : vector<16xi32>
    %get3A_525 = arith.constant 48 : index
    %get3A_526 = tpu.vector_load %arg7[%get3A_525] {strides = array<i32>} : memref<128xi32, #tpu.memory_space<vmem>>, vector<16xi32>,
    %get3A_527 = vector.shape_cast %get3A_526 : vector<16xi32> to vector<16xi32>
    %add3A_528 = arith.addi %mul3A_524, %get3A_527 : vector<16xi32>
    %swap3A_529 = arith.constant 48 : index
    %swap3A_530 = tpu.vector_load %arg13[%swap3A_529] {strides = array<i32>} : memref<128xi32, #tpu.memory_space<vmem>>, vector<16xi32>,
    %swap3A_531 = vector.shape_cast %swap3A_530 : vector<16xi32> to vector<16xi32>
    %swap3A_532 = vector.shape_cast %add3A_528 : vector<16xi32> to vector<16xi32>
    tpu.vector_store %arg13[%swap3A_529], %swap3A_532 {strides = array<i32>} : memref<128xi32, #tpu.memory_space<vmem>>, vector<16xi32>,
    %get3A_533 = arith.constant 48 : index
    %get3A_534 = tpu.vector_load %arg11[%get3A_533] {strides = array<i32>} : memref<128xi32, #tpu.memory_space<vmem>>, vector<16xi32>,
    %get3A_535 = vector.shape_cast %get3A_534 : vector<16xi32> to vector<16xi32>
    %swap3A_536 = arith.constant 48 : index
    %swap3A_537 = tpu.vector_load %arg15[%swap3A_536] {strides = array<i32>} : memref<128xi32, #tpu.memory_space<vmem>>, vector<16xi32>,
    %swap3A_538 = vector.shape_cast %swap3A_537 : vector<16xi32> to vector<16xi32>
    %swap3A_539 = vector.shape_cast %get3A_535 : vector<16xi32> to vector<16xi32>
    tpu.vector_store %arg15[%swap3A_536], %swap3A_539 {strides = array<i32>} : memref<128xi32, #tpu.memory_space<vmem>>, vector<16xi32>,
    %get3A_540 = arith.constant 64 : index
    %get3A_541 = tpu.vector_load %arg9[%get3A_540] {strides = array<i32>} : memref<128xi32, #tpu.memory_space<vmem>>, vector<16xi32>,
    %get3A_542 = vector.shape_cast %get3A_541 : vector<16xi32> to vector<16xi32>
    %mul3A_543 = arith.constant 10000 : i32
    %mul3A_544 = vector.broadcast %mul3A_543 : i32 to vector<16xi32>
    %mul3A_545 = arith.muli %get3A_542, %mul3A_544 : vector<16xi32>
    %get3A_546 = arith.constant 64 : index
    %get3A_547 = tpu.vector_load %arg7[%get3A_546] {strides = array<i32>} : memref<128xi32, #tpu.memory_space<vmem>>, vector<16xi32>,
    %get3A_548 = vector.shape_cast %get3A_547 : vector<16xi32> to vector<16xi32>
    %add3A_549 = arith.addi %mul3A_545, %get3A_548 : vector<16xi32>
    %swap3A_550 = arith.constant 64 : index
    %swap3A_551 = tpu.vector_load %arg13[%swap3A_550] {strides = array<i32>} : memref<128xi32, #tpu.memory_space<vmem>>, vector<16xi32>,
    %swap3A_552 = vector.shape_cast %swap3A_551 : vector<16xi32> to vector<16xi32>
    %swap3A_553 = vector.shape_cast %add3A_549 : vector<16xi32> to vector<16xi32>
    tpu.vector_store %arg13[%swap3A_550], %swap3A_553 {strides = array<i32>} : memref<128xi32, #tpu.memory_space<vmem>>, vector<16xi32>,
    %get3A_554 = arith.constant 64 : index
    %get3A_555 = tpu.vector_load %arg11[%get3A_554] {strides = array<i32>} : memref<128xi32, #tpu.memory_space<vmem>>, vector<16xi32>,
    %get3A_556 = vector.shape_cast %get3A_555 : vector<16xi32> to vector<16xi32>
    %swap3A_557 = arith.constant 64 : index
    %swap3A_558 = tpu.vector_load %arg15[%swap3A_557] {strides = array<i32>} : memref<128xi32, #tpu.memory_space<vmem>>, vector<16xi32>,
    %swap3A_559 = vector.shape_cast %swap3A_558 : vector<16xi32> to vector<16xi32>
    %swap3A_560 = vector.shape_cast %get3A_556 : vector<16xi32> to vector<16xi32>
    tpu.vector_store %arg15[%swap3A_557], %swap3A_560 {strides = array<i32>} : memref<128xi32, #tpu.memory_space<vmem>>, vector<16xi32>,
    %get3A_561 = arith.constant 80 : index
    %get3A_562 = tpu.vector_load %arg9[%get3A_561] {strides = array<i32>} : memref<128xi32, #tpu.memory_space<vmem>>, vector<16xi32>,
    %get3A_563 = vector.shape_cast %get3A_562 : vector<16xi32> to vector<16xi32>
    %mul3A_564 = arith.constant 10000 : i32
    %mul3A_565 = vector.broadcast %mul3A_564 : i32 to vector<16xi32>
    %mul3A_566 = arith.muli %get3A_563, %mul3A_565 : vector<16xi32>
    %get3A_567 = arith.constant 80 : index
    %get3A_568 = tpu.vector_load %arg7[%get3A_567] {strides = array<i32>} : memref<128xi32, #tpu.memory_space<vmem>>, vector<16xi32>,
    %get3A_569 = vector.shape_cast %get3A_568 : vector<16xi32> to vector<16xi32>
    %add3A_570 = arith.addi %mul3A_566, %get3A_569 : vector<16xi32>
    %swap3A_571 = arith.constant 80 : index
    %swap3A_572 = tpu.vector_load %arg13[%swap3A_571] {strides = array<i32>} : memref<128xi32, #tpu.memory_space<vmem>>, vector<16xi32>,
    %swap3A_573 = vector.shape_cast %swap3A_572 : vector<16xi32> to vector<16xi32>
    %swap3A_574 = vector.shape_cast %add3A_570 : vector<16xi32> to vector<16xi32>
    tpu.vector_store %arg13[%swap3A_571], %swap3A_574 {strides = array<i32>} : memref<128xi32, #tpu.memory_space<vmem>>, vector<16xi32>,
    %get3A_575 = arith.constant 80 : index
    %get3A_576 = tpu.vector_load %arg11[%get3A_575] {strides = array<i32>} : memref<128xi32, #tpu.memory_space<vmem>>, vector<16xi32>,
    %get3A_577 = vector.shape_cast %get3A_576 : vector<16xi32> to vector<16xi32>
    %swap3A_578 = arith.constant 80 : index
    %swap3A_579 = tpu.vector_load %arg15[%swap3A_578] {strides = array<i32>} : memref<128xi32, #tpu.memory_space<vmem>>, vector<16xi32>,
    %swap3A_580 = vector.shape_cast %swap3A_579 : vector<16xi32> to vector<16xi32>
    %swap3A_581 = vector.shape_cast %get3A_577 : vector<16xi32> to vector<16xi32>
    tpu.vector_store %arg15[%swap3A_578], %swap3A_581 {strides = array<i32>} : memref<128xi32, #tpu.memory_space<vmem>>, vector<16xi32>,
    %get3A_582 = arith.constant 96 : index
    %get3A_583 = tpu.vector_load %arg9[%get3A_582] {strides = array<i32>} : memref<128xi32, #tpu.memory_space<vmem>>, vector<16xi32>,
    %get3A_584 = vector.shape_cast %get3A_583 : vector<16xi32> to vector<16xi32>
    %mul3A_585 = arith.constant 10000 : i32
    %mul3A_586 = vector.broadcast %mul3A_585 : i32 to vector<16xi32>
    %mul3A_587 = arith.muli %get3A_584, %mul3A_586 : vector<16xi32>
    %get3A_588 = arith.constant 96 : index
    %get3A_589 = tpu.vector_load %arg7[%get3A_588] {strides = array<i32>} : memref<128xi32, #tpu.memory_space<vmem>>, vector<16xi32>,
    %get3A_590 = vector.shape_cast %get3A_589 : vector<16xi32> to vector<16xi32>
    %add3A_591 = arith.addi %mul3A_587, %get3A_590 : vector<16xi32>
    %swap3A_592 = arith.constant 96 : index
    %swap3A_593 = tpu.vector_load %arg13[%swap3A_592] {strides = array<i32>} : memref<128xi32, #tpu.memory_space<vmem>>, vector<16xi32>,
    %swap3A_594 = vector.shape_cast %swap3A_593 : vector<16xi32> to vector<16xi32>
    %swap3A_595 = vector.shape_cast %add3A_591 : vector<16xi32> to vector<16xi32>
    tpu.vector_store %arg13[%swap3A_592], %swap3A_595 {strides = array<i32>} : memref<128xi32, #tpu.memory_space<vmem>>, vector<16xi32>,
    %get3A_596 = arith.constant 96 : index
    %get3A_597 = tpu.vector_load %arg11[%get3A_596] {strides = array<i32>} : memref<128xi32, #tpu.memory_space<vmem>>, vector<16xi32>,
    %get3A_598 = vector.shape_cast %get3A_597 : vector<16xi32> to vector<16xi32>
    %swap3A_599 = arith.constant 96 : index
    %swap3A_600 = tpu.vector_load %arg15[%swap3A_599] {strides = array<i32>} : memref<128xi32, #tpu.memory_space<vmem>>, vector<16xi32>,
    %swap3A_601 = vector.shape_cast %swap3A_600 : vector<16xi32> to vector<16xi32>
    %swap3A_602 = vector.shape_cast %get3A_598 : vector<16xi32> to vector<16xi32>
    tpu.vector_store %arg15[%swap3A_599], %swap3A_602 {strides = array<i32>} : memref<128xi32, #tpu.memory_space<vmem>>, vector<16xi32>,
    %get3A_603 = arith.constant 112 : index
    %get3A_604 = tpu.vector_load %arg9[%get3A_603] {strides = array<i32>} : memref<128xi32, #tpu.memory_space<vmem>>, vector<16xi32>,
    %get3A_605 = vector.shape_cast %get3A_604 : vector<16xi32> to vector<16xi32>
    %mul3A_606 = arith.constant 10000 : i32
    %mul3A_607 = vector.broadcast %mul3A_606 : i32 to vector<16xi32>
    %mul3A_608 = arith.muli %get3A_605, %mul3A_607 : vector<16xi32>
    %get3A_609 = arith.constant 112 : index
    %get3A_610 = tpu.vector_load %arg7[%get3A_609] {strides = array<i32>} : memref<128xi32, #tpu.memory_space<vmem>>, vector<16xi32>,
    %get3A_611 = vector.shape_cast %get3A_610 : vector<16xi32> to vector<16xi32>
    %add3A_612 = arith.addi %mul3A_608, %get3A_611 : vector<16xi32>
    %swap3A_613 = arith.constant 112 : index
    %swap3A_614 = tpu.vector_load %arg13[%swap3A_613] {strides = array<i32>} : memref<128xi32, #tpu.memory_space<vmem>>, vector<16xi32>,
    %swap3A_615 = vector.shape_cast %swap3A_614 : vector<16xi32> to vector<16xi32>
    %swap3A_616 = vector.shape_cast %add3A_612 : vector<16xi32> to vector<16xi32>
    tpu.vector_store %arg13[%swap3A_613], %swap3A_616 {strides = array<i32>} : memref<128xi32, #tpu.memory_space<vmem>>, vector<16xi32>,
    %get3A_617 = arith.constant 112 : index
    %get3A_618 = tpu.vector_load %arg11[%get3A_617] {strides = array<i32>} : memref<128xi32, #tpu.memory_space<vmem>>, vector<16xi32>,
    %get3A_619 = vector.shape_cast %get3A_618 : vector<16xi32> to vector<16xi32>
    %swap3A_620 = arith.constant 112 : index
    %swap3A_621 = tpu.vector_load %arg15[%swap3A_620] {strides = array<i32>} : memref<128xi32, #tpu.memory_space<vmem>>, vector<16xi32>,
    %swap3A_622 = vector.shape_cast %swap3A_621 : vector<16xi32> to vector<16xi32>
    %swap3A_623 = vector.shape_cast %get3A_619 : vector<16xi32> to vector<16xi32>
    tpu.vector_store %arg15[%swap3A_620], %swap3A_623 {strides = array<i32>} : memref<128xi32, #tpu.memory_space<vmem>>, vector<16xi32>,
    %dma_start3A_624 = arith.constant 0 : i32
    %dma_start3A_625 = arith.constant 0 : i32
    %dma_start3A_626 = tpu.memref_slice %arg2[%dma_start3A_624, %dma_start3A_625] : memref<160000x128xf32, #tpu.memory_space<hbm>> -> memref<160000x128xf32, #tpu.memory_space<hbm>>
    tpu.enqueue_indirect_dma source(%dma_start3A_626 : memref<160000x128xf32, #tpu.memory_space<hbm>>) target(%arg17 : memref<128x128xf32, #tpu.memory_space<vmem>>) offsets(%arg13 : memref<128xi32, #tpu.memory_space<vmem>>) semaphore(%arg27 : memref<!tpu.dma_semaphore, #tpu.memory_space<semaphore_mem>>)
    %dma_wait3A_627 = arith.constant 0 : i32
    %dma_wait3A_628 = arith.constant 0 : i32
    %dma_wait3A_629 = tpu.memref_slice %arg24[%dma_wait3A_627, %dma_wait3A_628] : memref<10240x128xf32, #tpu.memory_space<vmem_shared>> -> memref<10240x128xf32, #tpu.memory_space<vmem_shared>>
    tpu.wait_indirect_dma semaphore(%arg30 : memref<!tpu.dma_semaphore, #tpu.memory_space<semaphore_mem>>) src(%arg18 : memref<128x128xf32, #tpu.memory_space<vmem>>) dst(%dma_wait3A_629 : memref<10240x128xf32, #tpu.memory_space<vmem_shared>>)
    %dma_wait3A_630 = arith.constant 0 : i32
    %dma_wait3A_631 = tpu.memref_slice %arg3[%dma_wait3A_630] : memref<320000xi32, #tpu.memory_space<hbm>> -> memref<128xi32, #tpu.memory_space<hbm>>
    %dma_wait3A_632 = arith.constant 0 : i32
    %dma_wait3A_633 = tpu.memref_slice %arg3[%dma_wait3A_632] : memref<320000xi32, #tpu.memory_space<hbm>> -> memref<128xi32, #tpu.memory_space<hbm>>
    tpu.wait_dma2 semaphore(%arg26 : memref<!tpu.dma_semaphore, #tpu.memory_space<semaphore_mem>>) src(%dma_wait3A_633 : memref<128xi32, #tpu.memory_space<hbm>>) dst(%arg8 : memref<128xi32, #tpu.memory_space<vmem>>)
    %dma_wait3A_634 = arith.constant 0 : i32
    %dma_wait3A_635 = tpu.memref_slice %arg4[%dma_wait3A_634] : memref<320000xi32, #tpu.memory_space<hbm>> -> memref<128xi32, #tpu.memory_space<hbm>>
    %dma_wait3A_636 = arith.constant 0 : i32
    %dma_wait3A_637 = tpu.memref_slice %arg4[%dma_wait3A_636] : memref<320000xi32, #tpu.memory_space<hbm>> -> memref<128xi32, #tpu.memory_space<hbm>>
    tpu.wait_dma2 semaphore(%arg26 : memref<!tpu.dma_semaphore, #tpu.memory_space<semaphore_mem>>) src(%dma_wait3A_637 : memref<128xi32, #tpu.memory_space<hbm>>) dst(%arg10 : memref<128xi32, #tpu.memory_space<vmem>>)
    %dma_wait3A_638 = arith.constant 0 : i32
    %dma_wait3A_639 = tpu.memref_slice %arg5[%dma_wait3A_638] : memref<320000xi32, #tpu.memory_space<hbm>> -> memref<128xi32, #tpu.memory_space<hbm>>
    %dma_wait3A_640 = arith.constant 0 : i32
    %dma_wait3A_641 = tpu.memref_slice %arg5[%dma_wait3A_640] : memref<320000xi32, #tpu.memory_space<hbm>> -> memref<128xi32, #tpu.memory_space<hbm>>
    tpu.wait_dma2 semaphore(%arg26 : memref<!tpu.dma_semaphore, #tpu.memory_space<semaphore_mem>>) src(%dma_wait3A_641 : memref<128xi32, #tpu.memory_space<hbm>>) dst(%arg12 : memref<128xi32, #tpu.memory_space<vmem>>)
    %get3A_642 = arith.constant 0 : index
    %get3A_643 = tpu.vector_load %arg10[%get3A_642] {strides = array<i32>} : memref<128xi32, #tpu.memory_space<vmem>>, vector<16xi32>,
    %get3A_644 = vector.shape_cast %get3A_643 : vector<16xi32> to vector<16xi32>
    %mul3A_645 = arith.constant 10000 : i32
    %mul3A_646 = vector.broadcast %mul3A_645 : i32 to vector<16xi32>
    %mul3A_647 = arith.muli %get3A_644, %mul3A_646 : vector<16xi32>
    %get3A_648 = arith.constant 0 : index
    %get3A_649 = tpu.vector_load %arg8[%get3A_648] {strides = array<i32>} : memref<128xi32, #tpu.memory_space<vmem>>, vector<16xi32>,
    %get3A_650 = vector.shape_cast %get3A_649 : vector<16xi32> to vector<16xi32>
    %add3A_651 = arith.addi %mul3A_647, %get3A_650 : vector<16xi32>
    %swap3A_652 = arith.constant 0 : index
    %swap3A_653 = tpu.vector_load %arg14[%swap3A_652] {strides = array<i32>} : memref<128xi32, #tpu.memory_space<vmem>>, vector<16xi32>,
    %swap3A_654 = vector.shape_cast %swap3A_653 : vector<16xi32> to vector<16xi32>
    %swap3A_655 = vector.shape_cast %add3A_651 : vector<16xi32> to vector<16xi32>
    tpu.vector_store %arg14[%swap3A_652], %swap3A_655 {strides = array<i32>} : memref<128xi32, #tpu.memory_space<vmem>>, vector<16xi32>,
    %get3A_656 = arith.constant 0 : index
    %get3A_657 = tpu.vector_load %arg12[%get3A_656] {strides = array<i32>} : memref<128xi32, #tpu.memory_space<vmem>>, vector<16xi32>,
    %get3A_658 = vector.shape_cast %get3A_657 : vector<16xi32> to vector<16xi32>
    %swap3A_659 = arith.constant 0 : index
    %swap3A_660 = tpu.vector_load %arg16[%swap3A_659] {strides = array<i32>} : memref<128xi32, #tpu.memory_space<vmem>>, vector<16xi32>,
    %swap3A_661 = vector.shape_cast %swap3A_660 : vector<16xi32> to vector<16xi32>
    %swap3A_662 = vector.shape_cast %get3A_658 : vector<16xi32> to vector<16xi32>
    tpu.vector_store %arg16[%swap3A_659], %swap3A_662 {strides = array<i32>} : memref<128xi32, #tpu.memory_space<vmem>>, vector<16xi32>,
    %get3A_663 = arith.constant 16 : index
    %get3A_664 = tpu.vector_load %arg10[%get3A_663] {strides = array<i32>} : memref<128xi32, #tpu.memory_space<vmem>>, vector<16xi32>,
    %get3A_665 = vector.shape_cast %get3A_664 : vector<16xi32> to vector<16xi32>
    %mul3A_666 = arith.constant 10000 : i32
    %mul3A_667 = vector.broadcast %mul3A_666 : i32 to vector<16xi32>
    %mul3A_668 = arith.muli %get3A_665, %mul3A_667 : vector<16xi32>
    %get3A_669 = arith.constant 16 : index
    %get3A_670 = tpu.vector_load %arg8[%get3A_669] {strides = array<i32>} : memref<128xi32, #tpu.memory_space<vmem>>, vector<16xi32>,
    %get3A_671 = vector.shape_cast %get3A_670 : vector<16xi32> to vector<16xi32>
    %add3A_672 = arith.addi %mul3A_668, %get3A_671 : vector<16xi32>
    %swap3A_673 = arith.constant 16 : index
    %swap3A_674 = tpu.vector_load %arg14[%swap3A_673] {strides = array<i32>} : memref<128xi32, #tpu.memory_space<vmem>>, vector<16xi32>,
    %swap3A_675 = vector.shape_cast %swap3A_674 : vector<16xi32> to vector<16xi32>
    %swap3A_676 = vector.shape_cast %add3A_672 : vector<16xi32> to vector<16xi32>
    tpu.vector_store %arg14[%swap3A_673], %swap3A_676 {strides = array<i32>} : memref<128xi32, #tpu.memory_space<vmem>>, vector<16xi32>,
    %get3A_677 = arith.constant 16 : index
    %get3A_678 = tpu.vector_load %arg12[%get3A_677] {strides = array<i32>} : memref<128xi32, #tpu.memory_space<vmem>>, vector<16xi32>,
    %get3A_679 = vector.shape_cast %get3A_678 : vector<16xi32> to vector<16xi32>
    %swap3A_680 = arith.constant 16 : index
    %swap3A_681 = tpu.vector_load %arg16[%swap3A_680] {strides = array<i32>} : memref<128xi32, #tpu.memory_space<vmem>>, vector<16xi32>,
    %swap3A_682 = vector.shape_cast %swap3A_681 : vector<16xi32> to vector<16xi32>
    %swap3A_683 = vector.shape_cast %get3A_679 : vector<16xi32> to vector<16xi32>
    tpu.vector_store %arg16[%swap3A_680], %swap3A_683 {strides = array<i32>} : memref<128xi32, #tpu.memory_space<vmem>>, vector<16xi32>,
    %get3A_684 = arith.constant 32 : index
    %get3A_685 = tpu.vector_load %arg10[%get3A_684] {strides = array<i32>} : memref<128xi32, #tpu.memory_space<vmem>>, vector<16xi32>,
    %get3A_686 = vector.shape_cast %get3A_685 : vector<16xi32> to vector<16xi32>
    %mul3A_687 = arith.constant 10000 : i32
    %mul3A_688 = vector.broadcast %mul3A_687 : i32 to vector<16xi32>
    %mul3A_689 = arith.muli %get3A_686, %mul3A_688 : vector<16xi32>
    %get3A_690 = arith.constant 32 : index
    %get3A_691 = tpu.vector_load %arg8[%get3A_690] {strides = array<i32>} : memref<128xi32, #tpu.memory_space<vmem>>, vector<16xi32>,
    %get3A_692 = vector.shape_cast %get3A_691 : vector<16xi32> to vector<16xi32>
    %add3A_693 = arith.addi %mul3A_689, %get3A_692 : vector<16xi32>
    %swap3A_694 = arith.constant 32 : index
    %swap3A_695 = tpu.vector_load %arg14[%swap3A_694] {strides = array<i32>} : memref<128xi32, #tpu.memory_space<vmem>>, vector<16xi32>,
    %swap3A_696 = vector.shape_cast %swap3A_695 : vector<16xi32> to vector<16xi32>
    %swap3A_697 = vector.shape_cast %add3A_693 : vector<16xi32> to vector<16xi32>
    tpu.vector_store %arg14[%swap3A_694], %swap3A_697 {strides = array<i32>} : memref<128xi32, #tpu.memory_space<vmem>>, vector<16xi32>,
    %get3A_698 = arith.constant 32 : index
    %get3A_699 = tpu.vector_load %arg12[%get3A_698] {strides = array<i32>} : memref<128xi32, #tpu.memory_space<vmem>>, vector<16xi32>,
    %get3A_700 = vector.shape_cast %get3A_699 : vector<16xi32> to vector<16xi32>
    %swap3A_701 = arith.constant 32 : index
    %swap3A_702 = tpu.vector_load %arg16[%swap3A_701] {strides = array<i32>} : memref<128xi32, #tpu.memory_space<vmem>>, vector<16xi32>,
    %swap3A_703 = vector.shape_cast %swap3A_702 : vector<16xi32> to vector<16xi32>
    %swap3A_704 = vector.shape_cast %get3A_700 : vector<16xi32> to vector<16xi32>
    tpu.vector_store %arg16[%swap3A_701], %swap3A_704 {strides = array<i32>} : memref<128xi32, #tpu.memory_space<vmem>>, vector<16xi32>,
    %get3A_705 = arith.constant 48 : index
    %get3A_706 = tpu.vector_load %arg10[%get3A_705] {strides = array<i32>} : memref<128xi32, #tpu.memory_space<vmem>>, vector<16xi32>,
    %get3A_707 = vector.shape_cast %get3A_706 : vector<16xi32> to vector<16xi32>
    %mul3A_708 = arith.constant 10000 : i32
    %mul3A_709 = vector.broadcast %mul3A_708 : i32 to vector<16xi32>
    %mul3A_710 = arith.muli %get3A_707, %mul3A_709 : vector<16xi32>
    %get3A_711 = arith.constant 48 : index
    %get3A_712 = tpu.vector_load %arg8[%get3A_711] {strides = array<i32>} : memref<128xi32, #tpu.memory_space<vmem>>, vector<16xi32>,
    %get3A_713 = vector.shape_cast %get3A_712 : vector<16xi32> to vector<16xi32>
    %add3A_714 = arith.addi %mul3A_710, %get3A_713 : vector<16xi32>
    %swap3A_715 = arith.constant 48 : index
    %swap3A_716 = tpu.vector_load %arg14[%swap3A_715] {strides = array<i32>} : memref<128xi32, #tpu.memory_space<vmem>>, vector<16xi32>,
    %swap3A_717 = vector.shape_cast %swap3A_716 : vector<16xi32> to vector<16xi32>
    %swap3A_718 = vector.shape_cast %add3A_714 : vector<16xi32> to vector<16xi32>
    tpu.vector_store %arg14[%swap3A_715], %swap3A_718 {strides = array<i32>} : memref<128xi32, #tpu.memory_space<vmem>>, vector<16xi32>,
    %get3A_719 = arith.constant 48 : index
    %get3A_720 = tpu.vector_load %arg12[%get3A_719] {strides = array<i32>} : memref<128xi32, #tpu.memory_space<vmem>>, vector<16xi32>,
    %get3A_721 = vector.shape_cast %get3A_720 : vector<16xi32> to vector<16xi32>
    %swap3A_722 = arith.constant 48 : index
    %swap3A_723 = tpu.vector_load %arg16[%swap3A_722] {strides = array<i32>} : memref<128xi32, #tpu.memory_space<vmem>>, vector<16xi32>,
    %swap3A_724 = vector.shape_cast %swap3A_723 : vector<16xi32> to vector<16xi32>
    %swap3A_725 = vector.shape_cast %get3A_721 : vector<16xi32> to vector<16xi32>
    tpu.vector_store %arg16[%swap3A_722], %swap3A_725 {strides = array<i32>} : memref<128xi32, #tpu.memory_space<vmem>>, vector<16xi32>,
    %get3A_726 = arith.constant 64 : index
    %get3A_727 = tpu.vector_load %arg10[%get3A_726] {strides = array<i32>} : memref<128xi32, #tpu.memory_space<vmem>>, vector<16xi32>,
    %get3A_728 = vector.shape_cast %get3A_727 : vector<16xi32> to vector<16xi32>
    %mul3A_729 = arith.constant 10000 : i32
    %mul3A_730 = vector.broadcast %mul3A_729 : i32 to vector<16xi32>
    %mul3A_731 = arith.muli %get3A_728, %mul3A_730 : vector<16xi32>
    %get3A_732 = arith.constant 64 : index
    %get3A_733 = tpu.vector_load %arg8[%get3A_732] {strides = array<i32>} : memref<128xi32, #tpu.memory_space<vmem>>, vector<16xi32>,
    %get3A_734 = vector.shape_cast %get3A_733 : vector<16xi32> to vector<16xi32>
    %add3A_735 = arith.addi %mul3A_731, %get3A_734 : vector<16xi32>
    %swap3A_736 = arith.constant 64 : index
    %swap3A_737 = tpu.vector_load %arg14[%swap3A_736] {strides = array<i32>} : memref<128xi32, #tpu.memory_space<vmem>>, vector<16xi32>,
    %swap3A_738 = vector.shape_cast %swap3A_737 : vector<16xi32> to vector<16xi32>
    %swap3A_739 = vector.shape_cast %add3A_735 : vector<16xi32> to vector<16xi32>
    tpu.vector_store %arg14[%swap3A_736], %swap3A_739 {strides = array<i32>} : memref<128xi32, #tpu.memory_space<vmem>>, vector<16xi32>,
    %get3A_740 = arith.constant 64 : index
    %get3A_741 = tpu.vector_load %arg12[%get3A_740] {strides = array<i32>} : memref<128xi32, #tpu.memory_space<vmem>>, vector<16xi32>,
    %get3A_742 = vector.shape_cast %get3A_741 : vector<16xi32> to vector<16xi32>
    %swap3A_743 = arith.constant 64 : index
    %swap3A_744 = tpu.vector_load %arg16[%swap3A_743] {strides = array<i32>} : memref<128xi32, #tpu.memory_space<vmem>>, vector<16xi32>,
    %swap3A_745 = vector.shape_cast %swap3A_744 : vector<16xi32> to vector<16xi32>
    %swap3A_746 = vector.shape_cast %get3A_742 : vector<16xi32> to vector<16xi32>
    tpu.vector_store %arg16[%swap3A_743], %swap3A_746 {strides = array<i32>} : memref<128xi32, #tpu.memory_space<vmem>>, vector<16xi32>,
    %get3A_747 = arith.constant 80 : index
    %get3A_748 = tpu.vector_load %arg10[%get3A_747] {strides = array<i32>} : memref<128xi32, #tpu.memory_space<vmem>>, vector<16xi32>,
    %get3A_749 = vector.shape_cast %get3A_748 : vector<16xi32> to vector<16xi32>
    %mul3A_750 = arith.constant 10000 : i32
    %mul3A_751 = vector.broadcast %mul3A_750 : i32 to vector<16xi32>
    %mul3A_752 = arith.muli %get3A_749, %mul3A_751 : vector<16xi32>
    %get3A_753 = arith.constant 80 : index
    %get3A_754 = tpu.vector_load %arg8[%get3A_753] {strides = array<i32>} : memref<128xi32, #tpu.memory_space<vmem>>, vector<16xi32>,
    %get3A_755 = vector.shape_cast %get3A_754 : vector<16xi32> to vector<16xi32>
    %add3A_756 = arith.addi %mul3A_752, %get3A_755 : vector<16xi32>
    %swap3A_757 = arith.constant 80 : index
    %swap3A_758 = tpu.vector_load %arg14[%swap3A_757] {strides = array<i32>} : memref<128xi32, #tpu.memory_space<vmem>>, vector<16xi32>,
    %swap3A_759 = vector.shape_cast %swap3A_758 : vector<16xi32> to vector<16xi32>
    %swap3A_760 = vector.shape_cast %add3A_756 : vector<16xi32> to vector<16xi32>
    tpu.vector_store %arg14[%swap3A_757], %swap3A_760 {strides = array<i32>} : memref<128xi32, #tpu.memory_space<vmem>>, vector<16xi32>,
    %get3A_761 = arith.constant 80 : index
    %get3A_762 = tpu.vector_load %arg12[%get3A_761] {strides = array<i32>} : memref<128xi32, #tpu.memory_space<vmem>>, vector<16xi32>,
    %get3A_763 = vector.shape_cast %get3A_762 : vector<16xi32> to vector<16xi32>
    %swap3A_764 = arith.constant 80 : index
    %swap3A_765 = tpu.vector_load %arg16[%swap3A_764] {strides = array<i32>} : memref<128xi32, #tpu.memory_space<vmem>>, vector<16xi32>,
    %swap3A_766 = vector.shape_cast %swap3A_765 : vector<16xi32> to vector<16xi32>
    %swap3A_767 = vector.shape_cast %get3A_763 : vector<16xi32> to vector<16xi32>
    tpu.vector_store %arg16[%swap3A_764], %swap3A_767 {strides = array<i32>} : memref<128xi32, #tpu.memory_space<vmem>>, vector<16xi32>,
    %get3A_768 = arith.constant 96 : index
    %get3A_769 = tpu.vector_load %arg10[%get3A_768] {strides = array<i32>} : memref<128xi32, #tpu.memory_space<vmem>>, vector<16xi32>,
    %get3A_770 = vector.shape_cast %get3A_769 : vector<16xi32> to vector<16xi32>
    %mul3A_771 = arith.constant 10000 : i32
    %mul3A_772 = vector.broadcast %mul3A_771 : i32 to vector<16xi32>
    %mul3A_773 = arith.muli %get3A_770, %mul3A_772 : vector<16xi32>
    %get3A_774 = arith.constant 96 : index
    %get3A_775 = tpu.vector_load %arg8[%get3A_774] {strides = array<i32>} : memref<128xi32, #tpu.memory_space<vmem>>, vector<16xi32>,
    %get3A_776 = vector.shape_cast %get3A_775 : vector<16xi32> to vector<16xi32>
    %add3A_777 = arith.addi %mul3A_773, %get3A_776 : vector<16xi32>
    %swap3A_778 = arith.constant 96 : index
    %swap3A_779 = tpu.vector_load %arg14[%swap3A_778] {strides = array<i32>} : memref<128xi32, #tpu.memory_space<vmem>>, vector<16xi32>,
    %swap3A_780 = vector.shape_cast %swap3A_779 : vector<16xi32> to vector<16xi32>
    %swap3A_781 = vector.shape_cast %add3A_777 : vector<16xi32> to vector<16xi32>
    tpu.vector_store %arg14[%swap3A_778], %swap3A_781 {strides = array<i32>} : memref<128xi32, #tpu.memory_space<vmem>>, vector<16xi32>,
    %get3A_782 = arith.constant 96 : index
    %get3A_783 = tpu.vector_load %arg12[%get3A_782] {strides = array<i32>} : memref<128xi32, #tpu.memory_space<vmem>>, vector<16xi32>,
    %get3A_784 = vector.shape_cast %get3A_783 : vector<16xi32> to vector<16xi32>
    %swap3A_785 = arith.constant 96 : index
    %swap3A_786 = tpu.vector_load %arg16[%swap3A_785] {strides = array<i32>} : memref<128xi32, #tpu.memory_space<vmem>>, vector<16xi32>,
    %swap3A_787 = vector.shape_cast %swap3A_786 : vector<16xi32> to vector<16xi32>
    %swap3A_788 = vector.shape_cast %get3A_784 : vector<16xi32> to vector<16xi32>
    tpu.vector_store %arg16[%swap3A_785], %swap3A_788 {strides = array<i32>} : memref<128xi32, #tpu.memory_space<vmem>>, vector<16xi32>,
    %get3A_789 = arith.constant 112 : index
    %get3A_790 = tpu.vector_load %arg10[%get3A_789] {strides = array<i32>} : memref<128xi32, #tpu.memory_space<vmem>>, vector<16xi32>,
    %get3A_791 = vector.shape_cast %get3A_790 : vector<16xi32> to vector<16xi32>
    %mul3A_792 = arith.constant 10000 : i32
    %mul3A_793 = vector.broadcast %mul3A_792 : i32 to vector<16xi32>
    %mul3A_794 = arith.muli %get3A_791, %mul3A_793 : vector<16xi32>
    %get3A_795 = arith.constant 112 : index
    %get3A_796 = tpu.vector_load %arg8[%get3A_795] {strides = array<i32>} : memref<128xi32, #tpu.memory_space<vmem>>, vector<16xi32>,
    %get3A_797 = vector.shape_cast %get3A_796 : vector<16xi32> to vector<16xi32>
    %add3A_798 = arith.addi %mul3A_794, %get3A_797 : vector<16xi32>
    %swap3A_799 = arith.constant 112 : index
    %swap3A_800 = tpu.vector_load %arg14[%swap3A_799] {strides = array<i32>} : memref<128xi32, #tpu.memory_space<vmem>>, vector<16xi32>,
    %swap3A_801 = vector.shape_cast %swap3A_800 : vector<16xi32> to vector<16xi32>
    %swap3A_802 = vector.shape_cast %add3A_798 : vector<16xi32> to vector<16xi32>
    tpu.vector_store %arg14[%swap3A_799], %swap3A_802 {strides = array<i32>} : memref<128xi32, #tpu.memory_space<vmem>>, vector<16xi32>,
    %get3A_803 = arith.constant 112 : index
    %get3A_804 = tpu.vector_load %arg12[%get3A_803] {strides = array<i32>} : memref<128xi32, #tpu.memory_space<vmem>>, vector<16xi32>,
    %get3A_805 = vector.shape_cast %get3A_804 : vector<16xi32> to vector<16xi32>
    %swap3A_806 = arith.constant 112 : index
    %swap3A_807 = tpu.vector_load %arg16[%swap3A_806] {strides = array<i32>} : memref<128xi32, #tpu.memory_space<vmem>>, vector<16xi32>,
    %swap3A_808 = vector.shape_cast %swap3A_807 : vector<16xi32> to vector<16xi32>
    %swap3A_809 = vector.shape_cast %get3A_805 : vector<16xi32> to vector<16xi32>
    tpu.vector_store %arg16[%swap3A_806], %swap3A_809 {strides = array<i32>} : memref<128xi32, #tpu.memory_space<vmem>>, vector<16xi32>,
    %dma_start3A_810 = arith.constant 0 : i32
    %dma_start3A_811 = arith.constant 0 : i32
    %dma_start3A_812 = tpu.memref_slice %arg2[%dma_start3A_810, %dma_start3A_811] : memref<160000x128xf32, #tpu.memory_space<hbm>> -> memref<160000x128xf32, #tpu.memory_space<hbm>>
    tpu.enqueue_indirect_dma source(%dma_start3A_812 : memref<160000x128xf32, #tpu.memory_space<hbm>>) target(%arg18 : memref<128x128xf32, #tpu.memory_space<vmem>>) offsets(%arg14 : memref<128xi32, #tpu.memory_space<vmem>>) semaphore(%arg28 : memref<!tpu.dma_semaphore, #tpu.memory_space<semaphore_mem>>)
    %dma_wait3A_813 = arith.constant 0 : i32
    %dma_wait3A_814 = arith.constant 0 : i32
    %dma_wait3A_815 = tpu.memref_slice %arg2[%dma_wait3A_813, %dma_wait3A_814] : memref<160000x128xf32, #tpu.memory_space<hbm>> -> memref<160000x128xf32, #tpu.memory_space<hbm>>
    tpu.wait_indirect_dma semaphore(%arg27 : memref<!tpu.dma_semaphore, #tpu.memory_space<semaphore_mem>>) src(%dma_wait3A_815 : memref<160000x128xf32, #tpu.memory_space<hbm>>) dst(%arg17 : memref<128x128xf32, #tpu.memory_space<vmem>>)
    %dma_start3A_816 = arith.constant 0 : i32
    %dma_start3A_817 = arith.constant 0 : i32
    %dma_start3A_818 = tpu.memref_slice %arg24[%dma_start3A_816, %dma_start3A_817] : memref<10240x128xf32, #tpu.memory_space<vmem_shared>> -> memref<10240x128xf32, #tpu.memory_space<vmem_shared>>
    tpu.enqueue_indirect_dma source(%arg17 : memref<128x128xf32, #tpu.memory_space<vmem>>) target(%dma_start3A_818 : memref<10240x128xf32, #tpu.memory_space<vmem_shared>>) offsets(%arg15 : memref<128xi32, #tpu.memory_space<vmem>>) semaphore(%arg29 : memref<!tpu.dma_semaphore, #tpu.memory_space<semaphore_mem>>) {add = true}
    %dma_wait3A_819 = arith.constant 0 : i32
    %dma_wait3A_820 = arith.constant 0 : i32
    %dma_wait3A_821 = tpu.memref_slice %arg2[%dma_wait3A_819, %dma_wait3A_820] : memref<160000x128xf32, #tpu.memory_space<hbm>> -> memref<160000x128xf32, #tpu.memory_space<hbm>>
    tpu.wait_indirect_dma semaphore(%arg28 : memref<!tpu.dma_semaphore, #tpu.memory_space<semaphore_mem>>) src(%dma_wait3A_821 : memref<160000x128xf32, #tpu.memory_space<hbm>>) dst(%arg18 : memref<128x128xf32, #tpu.memory_space<vmem>>)
    %dma_start3A_822 = arith.constant 0 : i32
    %dma_start3A_823 = arith.constant 0 : i32
    %dma_start3A_824 = tpu.memref_slice %arg24[%dma_start3A_822, %dma_start3A_823] : memref<10240x128xf32, #tpu.memory_space<vmem_shared>> -> memref<10240x128xf32, #tpu.memory_space<vmem_shared>>
    tpu.enqueue_indirect_dma source(%arg18 : memref<128x128xf32, #tpu.memory_space<vmem>>) target(%dma_start3A_824 : memref<10240x128xf32, #tpu.memory_space<vmem_shared>>) offsets(%arg16 : memref<128xi32, #tpu.memory_space<vmem>>) semaphore(%arg30 : memref<!tpu.dma_semaphore, #tpu.memory_space<semaphore_mem>>) {add = true}
    %add3A_825 = arith.constant 9984 : i32
    %add3A_826 = arith.addi %mul3A_2, %add3A_825 : i32
    "tpu.region"() ({
      %run_scoped3A = tpu.sem_alloc : memref<!tpu.dma_semaphore, #tpu.memory_space<semaphore_mem>>
      %dma_start3A_861 = tpu.memref_slice %arg3[%add3A_826] : memref<320000xi32, #tpu.memory_space<hbm>> -> memref<16xi32, #tpu.memory_space<hbm>>
      %dma_start3A_862 = tpu.memref_slice %arg3[%add3A_826] : memref<320000xi32, #tpu.memory_space<hbm>> -> memref<16xi32, #tpu.memory_space<hbm>>
      tpu.enqueue_dma source(%dma_start3A_862 : memref<16xi32, #tpu.memory_space<hbm>>) target(%arg19 : memref<16xi32, #tpu.memory_space<vmem>>) target_semaphore(%run_scoped3A : memref<!tpu.dma_semaphore, #tpu.memory_space<semaphore_mem>>)
      %dma_wait3A_863 = tpu.memref_slice %arg3[%add3A_826] : memref<320000xi32, #tpu.memory_space<hbm>> -> memref<16xi32, #tpu.memory_space<hbm>>
      %dma_wait3A_864 = tpu.memref_slice %arg3[%add3A_826] : memref<320000xi32, #tpu.memory_space<hbm>> -> memref<16xi32, #tpu.memory_space<hbm>>
      tpu.wait_dma2 semaphore(%run_scoped3A : memref<!tpu.dma_semaphore, #tpu.memory_space<semaphore_mem>>) src(%dma_wait3A_864 : memref<16xi32, #tpu.memory_space<hbm>>) dst(%arg19 : memref<16xi32, #tpu.memory_space<vmem>>)
      tpu.yield
    }) : () -> ()
    "tpu.region"() ({
      %run_scoped3A = tpu.sem_alloc : memref<!tpu.dma_semaphore, #tpu.memory_space<semaphore_mem>>
      %dma_start3A_861 = tpu.memref_slice %arg4[%add3A_826] : memref<320000xi32, #tpu.memory_space<hbm>> -> memref<16xi32, #tpu.memory_space<hbm>>
      %dma_start3A_862 = tpu.memref_slice %arg4[%add3A_826] : memref<320000xi32, #tpu.memory_space<hbm>> -> memref<16xi32, #tpu.memory_space<hbm>>
      tpu.enqueue_dma source(%dma_start3A_862 : memref<16xi32, #tpu.memory_space<hbm>>) target(%arg20 : memref<16xi32, #tpu.memory_space<vmem>>) target_semaphore(%run_scoped3A : memref<!tpu.dma_semaphore, #tpu.memory_space<semaphore_mem>>)
      %dma_wait3A_863 = tpu.memref_slice %arg4[%add3A_826] : memref<320000xi32, #tpu.memory_space<hbm>> -> memref<16xi32, #tpu.memory_space<hbm>>
      %dma_wait3A_864 = tpu.memref_slice %arg4[%add3A_826] : memref<320000xi32, #tpu.memory_space<hbm>> -> memref<16xi32, #tpu.memory_space<hbm>>
      tpu.wait_dma2 semaphore(%run_scoped3A : memref<!tpu.dma_semaphore, #tpu.memory_space<semaphore_mem>>) src(%dma_wait3A_864 : memref<16xi32, #tpu.memory_space<hbm>>) dst(%arg20 : memref<16xi32, #tpu.memory_space<vmem>>)
      tpu.yield
    }) : () -> ()
    "tpu.region"() ({
      %run_scoped3A = tpu.sem_alloc : memref<!tpu.dma_semaphore, #tpu.memory_space<semaphore_mem>>
      %dma_start3A_861 = tpu.memref_slice %arg5[%add3A_826] : memref<320000xi32, #tpu.memory_space<hbm>> -> memref<16xi32, #tpu.memory_space<hbm>>
      %dma_start3A_862 = tpu.memref_slice %arg5[%add3A_826] : memref<320000xi32, #tpu.memory_space<hbm>> -> memref<16xi32, #tpu.memory_space<hbm>>
      tpu.enqueue_dma source(%dma_start3A_862 : memref<16xi32, #tpu.memory_space<hbm>>) target(%arg21 : memref<16xi32, #tpu.memory_space<vmem>>) target_semaphore(%run_scoped3A : memref<!tpu.dma_semaphore, #tpu.memory_space<semaphore_mem>>)
      %dma_wait3A_863 = tpu.memref_slice %arg5[%add3A_826] : memref<320000xi32, #tpu.memory_space<hbm>> -> memref<16xi32, #tpu.memory_space<hbm>>
      %dma_wait3A_864 = tpu.memref_slice %arg5[%add3A_826] : memref<320000xi32, #tpu.memory_space<hbm>> -> memref<16xi32, #tpu.memory_space<hbm>>
      tpu.wait_dma2 semaphore(%run_scoped3A : memref<!tpu.dma_semaphore, #tpu.memory_space<semaphore_mem>>) src(%dma_wait3A_864 : memref<16xi32, #tpu.memory_space<hbm>>) dst(%arg21 : memref<16xi32, #tpu.memory_space<vmem>>)
      tpu.yield
    }) : () -> ()
    %get3A_827 = arith.constant 0 : index
    %get3A_828 = tpu.vector_load %arg20[%get3A_827] {strides = array<i32>} : memref<16xi32, #tpu.memory_space<vmem>>, vector<16xi32>,
    %get3A_829 = vector.shape_cast %get3A_828 : vector<16xi32> to vector<16xi32>
    %mul3A_830 = arith.constant 10000 : i32
    %mul3A_831 = vector.broadcast %mul3A_830 : i32 to vector<16xi32>
    %mul3A_832 = arith.muli %get3A_829, %mul3A_831 : vector<16xi32>
    %get3A_833 = arith.constant 0 : index
    %get3A_834 = tpu.vector_load %arg19[%get3A_833] {strides = array<i32>} : memref<16xi32, #tpu.memory_space<vmem>>, vector<16xi32>,
    %get3A_835 = vector.shape_cast %get3A_834 : vector<16xi32> to vector<16xi32>
    %add3A_836 = arith.addi %mul3A_832, %get3A_835 : vector<16xi32>
    %swap3A_837 = arith.constant 0 : index
    %swap3A_838 = tpu.vector_load %arg22[%swap3A_837] {strides = array<i32>} : memref<16xi32, #tpu.memory_space<vmem>>, vector<16xi32>,
    %swap3A_839 = vector.shape_cast %swap3A_838 : vector<16xi32> to vector<16xi32>
    %swap3A_840 = vector.shape_cast %add3A_836 : vector<16xi32> to vector<16xi32>
    tpu.vector_store %arg22[%swap3A_837], %swap3A_840 {strides = array<i32>} : memref<16xi32, #tpu.memory_space<vmem>>, vector<16xi32>,
    %dma_start3A_841 = arith.constant 0 : i32
    %dma_start3A_842 = arith.constant 0 : i32
    %dma_start3A_843 = tpu.memref_slice %arg2[%dma_start3A_841, %dma_start3A_842] : memref<160000x128xf32, #tpu.memory_space<hbm>> -> memref<160000x128xf32, #tpu.memory_space<hbm>>
    tpu.enqueue_indirect_dma source(%dma_start3A_843 : memref<160000x128xf32, #tpu.memory_space<hbm>>) target(%arg23 : memref<16x128xf32, #tpu.memory_space<vmem>>) offsets(%arg22 : memref<16xi32, #tpu.memory_space<vmem>>) semaphore(%arg27 : memref<!tpu.dma_semaphore, #tpu.memory_space<semaphore_mem>>)
    %dma_wait3A_844 = arith.constant 0 : i32
    %dma_wait3A_845 = arith.constant 0 : i32
    %dma_wait3A_846 = tpu.memref_slice %arg2[%dma_wait3A_844, %dma_wait3A_845] : memref<160000x128xf32, #tpu.memory_space<hbm>> -> memref<160000x128xf32, #tpu.memory_space<hbm>>
    tpu.wait_indirect_dma semaphore(%arg27 : memref<!tpu.dma_semaphore, #tpu.memory_space<semaphore_mem>>) src(%dma_wait3A_846 : memref<160000x128xf32, #tpu.memory_space<hbm>>) dst(%arg23 : memref<16x128xf32, #tpu.memory_space<vmem>>)
    "tpu.region"() ({
      %run_scoped3A = tpu.sem_alloc : memref<!tpu.dma_semaphore, #tpu.memory_space<semaphore_mem>>
      %dma_start3A_861 = arith.constant 0 : i32
      %dma_start3A_862 = arith.constant 0 : i32
      %dma_start3A_863 = tpu.memref_slice %arg24[%dma_start3A_861, %dma_start3A_862] : memref<10240x128xf32, #tpu.memory_space<vmem_shared>> -> memref<10240x128xf32, #tpu.memory_space<vmem_shared>>
      tpu.enqueue_indirect_dma source(%arg23 : memref<16x128xf32, #tpu.memory_space<vmem>>) target(%dma_start3A_863 : memref<10240x128xf32, #tpu.memory_space<vmem_shared>>) offsets(%arg21 : memref<16xi32, #tpu.memory_space<vmem>>) semaphore(%run_scoped3A : memref<!tpu.dma_semaphore, #tpu.memory_space<semaphore_mem>>) {add = true}
      %dma_wait3A_864 = arith.constant 0 : i32
      %dma_wait3A_865 = arith.constant 0 : i32
      %dma_wait3A_866 = tpu.memref_slice %arg24[%dma_wait3A_864, %dma_wait3A_865] : memref<10240x128xf32, #tpu.memory_space<vmem_shared>> -> memref<10240x128xf32, #tpu.memory_space<vmem_shared>>
      tpu.wait_indirect_dma semaphore(%run_scoped3A : memref<!tpu.dma_semaphore, #tpu.memory_space<semaphore_mem>>) src(%arg23 : memref<16x128xf32, #tpu.memory_space<vmem>>) dst(%dma_wait3A_866 : memref<10240x128xf32, #tpu.memory_space<vmem_shared>>)
      tpu.yield
    }) : () -> ()
    %dma_wait3A_847 = arith.constant 0 : i32
    %dma_wait3A_848 = arith.constant 0 : i32
    %dma_wait3A_849 = tpu.memref_slice %arg24[%dma_wait3A_847, %dma_wait3A_848] : memref<10240x128xf32, #tpu.memory_space<vmem_shared>> -> memref<10240x128xf32, #tpu.memory_space<vmem_shared>>
    tpu.wait_indirect_dma semaphore(%arg29 : memref<!tpu.dma_semaphore, #tpu.memory_space<semaphore_mem>>) src(%arg17 : memref<128x128xf32, #tpu.memory_space<vmem>>) dst(%dma_wait3A_849 : memref<10240x128xf32, #tpu.memory_space<vmem_shared>>)
    %dma_wait3A_850 = arith.constant 0 : i32
    %dma_wait3A_851 = arith.constant 0 : i32
    %dma_wait3A_852 = tpu.memref_slice %arg24[%dma_wait3A_850, %dma_wait3A_851] : memref<10240x128xf32, #tpu.memory_space<vmem_shared>> -> memref<10240x128xf32, #tpu.memory_space<vmem_shared>>
    tpu.wait_indirect_dma semaphore(%arg30 : memref<!tpu.dma_semaphore, #tpu.memory_space<semaphore_mem>>) src(%arg18 : memref<128x128xf32, #tpu.memory_space<vmem>>) dst(%dma_wait3A_852 : memref<10240x128xf32, #tpu.memory_space<vmem_shared>>)
    %barrier3A_853 = arith.constant 0 : index
    tpu.barrier barrier_id(%barrier3A_853)
    %mul3A_854 = arith.constant 640 : i32
    %mul3A_855 = arith.muli %arg1, %mul3A_854 : i32
    %mul3A_856 = arith.constant 10240 : i32
    %mul3A_857 = arith.muli %arg0, %mul3A_856 : i32
    %mul3A_858 = arith.constant 640 : i32
    %mul3A_859 = arith.muli %arg1, %mul3A_858 : i32
    %add3A_860 = arith.addi %mul3A_857, %mul3A_859 : i32
    "tpu.region"() ({
      %run_scoped3A = tpu.sem_alloc : memref<!tpu.dma_semaphore, #tpu.memory_space<semaphore_mem>>
      %dma_start3A_861 = arith.constant 0 : i32
      %dma_start3A_862 = tpu.memref_slice %arg6[%add3A_860, %dma_start3A_861] : memref<20480x128xf32, #tpu.memory_space<hbm>> -> memref<640x128xf32, #tpu.memory_space<hbm>>
      %dma_start3A_863 = arith.constant 0 : i32
      %dma_start3A_864 = tpu.memref_slice %arg24[%mul3A_855, %dma_start3A_863] : memref<10240x128xf32, #tpu.memory_space<vmem_shared>> -> memref<640x128xf32, #tpu.memory_space<vmem_shared>>
      tpu.enqueue_dma source(%dma_start3A_864 : memref<640x128xf32, #tpu.memory_space<vmem_shared>>) target(%dma_start3A_862 : memref<640x128xf32, #tpu.memory_space<hbm>>) target_semaphore(%run_scoped3A : memref<!tpu.dma_semaphore, #tpu.memory_space<semaphore_mem>>)
      %dma_wait3A_865 = arith.constant 0 : i32
      %dma_wait3A_866 = tpu.memref_slice %arg6[%add3A_860, %dma_wait3A_865] : memref<20480x128xf32, #tpu.memory_space<hbm>> -> memref<640x128xf32, #tpu.memory_space<hbm>>
      %dma_wait3A_867 = arith.constant 0 : i32
      %dma_wait3A_868 = tpu.memref_slice %arg24[%mul3A_855, %dma_wait3A_867] : memref<10240x128xf32, #tpu.memory_space<vmem_shared>> -> memref<640x128xf32, #tpu.memory_space<vmem_shared>>
      tpu.wait_dma2 semaphore(%run_scoped3A : memref<!tpu.dma_semaphore, #tpu.memory_space<semaphore_mem>>) src(%dma_wait3A_868 : memref<640x128xf32, #tpu.memory_space<vmem_shared>>) dst(%dma_wait3A_866 : memref<640x128xf32, #tpu.memory_space<hbm>>)
      tpu.yield
    }) : () -> ()
    return
  }
}

module attributes {stable_mosaic.version = 14 : i64} {
  func.func @_h_body(%arg0: i32, %arg1: i32, %arg2: memref<1x1x2000xi32, #tpu.memory_space<vmem>>, %arg3: memref<64x128xf32, #tpu.memory_space<vmem>>, %arg4: memref<1x128x128xf32, #tpu.memory_space<vmem>>, %arg5: memref<1x128x128xf32, #tpu.memory_space<vmem>>, %arg6: memref<1x2000x128xf32, #tpu.memory_space<vmem>>, %arg7: memref<2000x128xf32, #tpu.memory_space<vmem>>, %arg8: memref<16x128x128xf32, #tpu.memory_space<vmem>>) attributes {dimension_semantics = [#tpu.dimension_semantics<arbitrary>, #tpu.dimension_semantics<arbitrary>], iteration_bounds = array<i64: 5, 16>, scalar_prefetch = 0 : i64, scratch_operands = 2 : i64, tpu.core_type = #tpu.core_type<tc>, window_params = [{transform_indices = @transform_0, window_bounds = array<i64: 1, 1, 2000>}, {pipeline_mode = #tpu.pipeline_mode<synchronous>, transform_indices = @transform_1, window_bounds = array<i64: 64, 128>}, {transform_indices = @transform_2, window_bounds = array<i64: 1, 128, 128>}, {transform_indices = @transform_3, window_bounds = array<i64: 1, 128, 128>}, {transform_indices = @transform_4, window_bounds = array<i64: 1, 2000, 128>}]} {
    %eq3A = arith.constant 0 : i32
    %eq3A_0 = arith.cmpi eq, %arg0, %eq3A : i32
    %convert_element_type3A = arith.extui %eq3A_0 : i1 to i32
    %cond3A = arith.constant 0 : i32
    %cond3A_1 = arith.cmpi ne, %convert_element_type3A, %cond3A : i32
    scf.if %cond3A_1 {
      %get3A_20 = arith.constant 0 : index
      %get3A_21 = arith.constant 0 : index
      %get3A_22 = arith.constant 0 : index
      %get3A_23 = vector.load %arg4[%get3A_20, %get3A_21, %get3A_22] : memref<1x128x128xf32, #tpu.memory_space<vmem>>, vector<1x128x128xf32>
      %get3A_24 = vector.shape_cast %get3A_23 : vector<1x128x128xf32> to vector<128x128xf32>
      %iota3A = tpu.iota {dimensions = array<i32: 0>} : vector<128x128xi32>
      %iota3A_25 = tpu.iota {dimensions = array<i32: 1>} : vector<128x128xi32>
      %eq3A_26 = arith.cmpi eq, %iota3A, %iota3A_25 : vector<128x128xi32>
      %jit3A = arith.constant 1.000000e+00 : f32
      %jit3A_27 = arith.constant 0.000000e+00 : f32
      %broadcast_in_dim3A = vector.broadcast %jit3A : f32 to vector<128x128xf32>
      %broadcast_in_dim3A_28 = vector.broadcast %jit3A_27 : f32 to vector<128x128xf32>
      %select_n3A = arith.select %eq3A_26, %broadcast_in_dim3A, %broadcast_in_dim3A_28 : vector<128x128xi1>, vector<128x128xf32>
      %get3A_29 = arith.constant 0 : index
      %get3A_30 = arith.constant 0 : index
      %get3A_31 = arith.constant 0 : index
      %get3A_32 = vector.load %arg5[%get3A_29, %get3A_30, %get3A_31] : memref<1x128x128xf32, #tpu.memory_space<vmem>>, vector<1x128x128xf32>
      %get3A_33 = vector.shape_cast %get3A_32 : vector<1x128x128xf32> to vector<128x128xf32>
      %add3A = arith.addf %select_n3A, %get3A_33 : vector<128x128xf32>
      %dot_general3A_34 = arith.constant dense<0.000000e+00> : vector<128x128xf32>
      %dot_general3A_35 = tpu.matmul %add3A, %get3A_24, %dot_general3A_34 {dimension_numbers = #tpu.dot_dimension_numbers<[1], [0], [0], [1], [0, 0, 1, 1], [], []>, transpose_lhs_hint = false} : vector<128x128xf32>, vector<128x128xf32>, vector<128x128xf32> -> vector<128x128xf32>
      %dot_general3A_36 = arith.constant dense<0.000000e+00> : vector<128x128xf32>
      %dot_general3A_37 = tpu.matmul %get3A_24, %dot_general3A_35, %dot_general3A_36 {dimension_numbers = #tpu.dot_dimension_numbers<[0], [0], [1], [1], [0, 1, 1, 1], [], []>, transpose_lhs_hint = false} : vector<128x128xf32>, vector<128x128xf32>, vector<128x128xf32> -> vector<128x128xf32>
      %swap3A_38 = arith.index_cast %arg1 : i32 to index
      %swap3A_39 = arith.constant 0 : index
      %swap3A_40 = arith.constant 0 : index
      %swap3A_41 = vector.load %arg8[%swap3A_38, %swap3A_39, %swap3A_40] : memref<16x128x128xf32, #tpu.memory_space<vmem>>, vector<1x128x128xf32>
      %swap3A_42 = vector.shape_cast %swap3A_41 : vector<1x128x128xf32> to vector<128x128xf32>
      %swap3A_43 = vector.shape_cast %dot_general3A_37 : vector<128x128xf32> to vector<1x128x128xf32>
      tpu.vector_store %arg8[%swap3A_38, %swap3A_39, %swap3A_40], %swap3A_43 {strides = array<i32>} : memref<16x128x128xf32, #tpu.memory_space<vmem>>, vector<1x128x128xf32>,
    } else {
    }
    %eq3A_2 = arith.constant 0 : i32
    %eq3A_3 = arith.cmpi eq, %arg1, %eq3A_2 : i32
    %convert_element_type3A_4 = arith.extui %eq3A_3 : i1 to i32
    %cond3A_5 = arith.constant 0 : i32
    %cond3A_6 = arith.cmpi ne, %convert_element_type3A_4, %cond3A_5 : i32
    scf.if %cond3A_6 {
      %get3A_20 = arith.constant 0 : index
      %get3A_21 = arith.constant 0 : index
      %get3A_22 = arith.constant 0 : index
      %get3A_23 = vector.load %arg2[%get3A_20, %get3A_21, %get3A_22] : memref<1x1x2000xi32, #tpu.memory_space<vmem>>, vector<1x1x2000xi32>
      %get3A_24 = vector.shape_cast %get3A_23 : vector<1x1x2000xi32> to vector<2000xi32>
      %iota3A = tpu.iota {dimensions = array<i32: 1>} : vector<2000x64xi32>
      %broadcast_in_dim3A = vector.shape_cast %get3A_24 : vector<2000xi32> to vector<2000x1xi32>
      %eq3A_25 = vector.broadcast %broadcast_in_dim3A : vector<2000x1xi32> to vector<2000x64xi32>
      %eq3A_26 = arith.cmpi eq, %eq3A_25, %iota3A : vector<2000x64xi32>
      %broadcast_in_dim3A_27 = vector.shape_cast %get3A_24 : vector<2000xi32> to vector<2000x1xi32>
      %ge3A = arith.constant 0 : i32
      %ge3A_28 = vector.broadcast %ge3A : i32 to vector<2000x1xi32>
      %ge3A_29 = arith.cmpi sge, %broadcast_in_dim3A_27, %ge3A_28 : vector<2000x1xi32>
      %and3A = vector.broadcast %ge3A_29 : vector<2000x1xi1> to vector<2000x64xi1>
      %and3A_30 = arith.andi %eq3A_26, %and3A : vector<2000x64xi1>
      %jit3A = arith.constant 1.000000e+00 : f32
      %jit3A_31 = arith.constant 0.000000e+00 : f32
      %broadcast_in_dim3A_32 = vector.broadcast %jit3A : f32 to vector<2000x64xf32>
      %broadcast_in_dim3A_33 = vector.broadcast %jit3A_31 : f32 to vector<2000x64xf32>
      %select_n3A = arith.select %and3A_30, %broadcast_in_dim3A_32, %broadcast_in_dim3A_33 : vector<2000x64xi1>, vector<2000x64xf32>
      %get3A_34 = arith.constant 0 : index
      %get3A_35 = arith.constant 0 : index
      %get3A_36 = vector.load %arg3[%get3A_34, %get3A_35] : memref<64x128xf32, #tpu.memory_space<vmem>>, vector<64x128xf32>
      %dot_general3A_37 = arith.constant dense<0.000000e+00> : vector<2000x128xf32>
      %dot_general3A_38 = tpu.matmul %select_n3A, %get3A_36, %dot_general3A_37 {dimension_numbers = #tpu.dot_dimension_numbers<[1], [0], [0], [1], [0, 0, 1, 1], [], []>, transpose_lhs_hint = false} : vector<2000x64xf32>, vector<64x128xf32>, vector<2000x128xf32> -> vector<2000x128xf32>
      %swap3A_39 = arith.constant 0 : index
      %swap3A_40 = arith.constant 0 : index
      %swap3A_41 = vector.load %arg7[%swap3A_39, %swap3A_40] : memref<2000x128xf32, #tpu.memory_space<vmem>>, vector<2000x128xf32>
      tpu.vector_store %arg7[%swap3A_39, %swap3A_40], %dot_general3A_38 {strides = array<i32>} : memref<2000x128xf32, #tpu.memory_space<vmem>>, vector<2000x128xf32>,
    } else {
    }
    %get3A = arith.constant 0 : index
    %get3A_7 = arith.constant 0 : index
    %get3A_8 = vector.load %arg7[%get3A, %get3A_7] : memref<2000x128xf32, #tpu.memory_space<vmem>>, vector<2000x128xf32>
    %get3A_9 = arith.index_cast %arg1 : i32 to index
    %get3A_10 = arith.constant 0 : index
    %get3A_11 = arith.constant 0 : index
    %get3A_12 = vector.load %arg8[%get3A_9, %get3A_10, %get3A_11] : memref<16x128x128xf32, #tpu.memory_space<vmem>>, vector<1x128x128xf32>
    %get3A_13 = vector.shape_cast %get3A_12 : vector<1x128x128xf32> to vector<128x128xf32>
    %dot_general3A = arith.constant dense<0.000000e+00> : vector<2000x128xf32>
    %dot_general3A_14 = tpu.matmul %get3A_8, %get3A_13, %dot_general3A {dimension_numbers = #tpu.dot_dimension_numbers<[1], [1], [0], [0], [0, 0, 1, 0], [], []>, transpose_lhs_hint = false} : vector<2000x128xf32>, vector<128x128xf32>, vector<2000x128xf32> -> vector<2000x128xf32>
    %swap3A = arith.constant 0 : index
    %swap3A_15 = arith.constant 0 : index
    %swap3A_16 = arith.constant 0 : index
    %swap3A_17 = vector.load %arg6[%swap3A, %swap3A_15, %swap3A_16] : memref<1x2000x128xf32, #tpu.memory_space<vmem>>, vector<1x2000x128xf32>
    %swap3A_18 = vector.shape_cast %swap3A_17 : vector<1x2000x128xf32> to vector<2000x128xf32>
    %swap3A_19 = vector.shape_cast %dot_general3A_14 : vector<2000x128xf32> to vector<1x2000x128xf32>
    tpu.vector_store %arg6[%swap3A, %swap3A_15, %swap3A_16], %swap3A_19 {strides = array<i32>} : memref<1x2000x128xf32, #tpu.memory_space<vmem>>, vector<1x2000x128xf32>,
    return
  }
  func.func @transform_0(%arg0: i32, %arg1: i32) -> (i32, i32, i32) {
    %c0_i32 = arith.constant 0 : i32
    %c0_i32_0 = arith.constant 0 : i32
    %c0_i32_1 = arith.constant 0 : i32
    return %arg0, %c0_i32, %c0_i32_0 : i32, i32, i32
  }
  func.func @transform_1(%arg0: i32, %arg1: i32) -> (i32, i32) {
    %c0_i32 = arith.constant 0 : i32
    %c0_i32_0 = arith.constant 0 : i32
    %c0_i32_1 = arith.constant 0 : i32
    return %c0_i32, %c0_i32_0 : i32, i32
  }
  func.func @transform_2(%arg0: i32, %arg1: i32) -> (i32, i32, i32) {
    %c0_i32 = arith.constant 0 : i32
    %c0_i32_0 = arith.constant 0 : i32
    %c0_i32_1 = arith.constant 0 : i32
    return %arg1, %c0_i32, %c0_i32_0 : i32, i32, i32
  }
  func.func @transform_3(%arg0: i32, %arg1: i32) -> (i32, i32, i32) {
    %c0_i32 = arith.constant 0 : i32
    %c0_i32_0 = arith.constant 0 : i32
    %c0_i32_1 = arith.constant 0 : i32
    return %arg1, %c0_i32, %c0_i32_0 : i32, i32, i32
  }
  func.func @transform_4(%arg0: i32, %arg1: i32) -> (i32, i32, i32) {
    %c0_i32 = arith.constant 0 : i32
    %c0_i32_0 = arith.constant 0 : i32
    return %arg1, %arg0, %c0_i32 : i32, i32, i32
  }
}

module attributes {stable_mosaic.version = 14 : i64} {
  func.func @_add_body(%arg0: i32, %arg1: memref<2x2000x128xf32, #tpu.memory_space<vmem>>, %arg2: memref<2000x128xf32, #tpu.memory_space<vmem>>) attributes {dimension_semantics = [#tpu.dimension_semantics<arbitrary>], iteration_bounds = array<i64: 5>, scalar_prefetch = 0 : i64, scratch_operands = 0 : i64, tpu.core_type = #tpu.core_type<tc>, window_params = [{transform_indices = @transform_0, window_bounds = array<i64: 2, 2000, 128>}, {transform_indices = @transform_1, window_bounds = array<i64: 2000, 128>}]} {
    %get3A = arith.constant 0 : index
    %get3A_0 = arith.constant 0 : index
    %get3A_1 = arith.constant 0 : index
    %get3A_2 = vector.load %arg1[%get3A, %get3A_0, %get3A_1] : memref<2x2000x128xf32, #tpu.memory_space<vmem>>, vector<1x2000x128xf32>
    %get3A_3 = vector.shape_cast %get3A_2 : vector<1x2000x128xf32> to vector<2000x128xf32>
    %get3A_4 = arith.constant 1 : index
    %get3A_5 = arith.constant 0 : index
    %get3A_6 = arith.constant 0 : index
    %get3A_7 = vector.load %arg1[%get3A_4, %get3A_5, %get3A_6] : memref<2x2000x128xf32, #tpu.memory_space<vmem>>, vector<1x2000x128xf32>
    %get3A_8 = vector.shape_cast %get3A_7 : vector<1x2000x128xf32> to vector<2000x128xf32>
    %add3A = arith.addf %get3A_3, %get3A_8 : vector<2000x128xf32>
    %swap3A = arith.constant 0 : index
    %swap3A_9 = arith.constant 0 : index
    %swap3A_10 = vector.load %arg2[%swap3A, %swap3A_9] : memref<2000x128xf32, #tpu.memory_space<vmem>>, vector<2000x128xf32>
    tpu.vector_store %arg2[%swap3A, %swap3A_9], %add3A {strides = array<i32>} : memref<2000x128xf32, #tpu.memory_space<vmem>>, vector<2000x128xf32>,
    return
  }
  func.func @transform_0(%arg0: i32) -> (i32, i32, i32) {
    %c0_i32 = arith.constant 0 : i32
    %c0_i32_0 = arith.constant 0 : i32
    %c0_i32_1 = arith.constant 0 : i32
    return %c0_i32, %arg0, %c0_i32_0 : i32, i32, i32
  }
  func.func @transform_1(%arg0: i32) -> (i32, i32) {
    %c0_i32 = arith.constant 0 : i32
    %c0_i32_0 = arith.constant 0 : i32
    return %arg0, %c0_i32 : i32, i32
  }
}

</mosaic_0001>

<sc_bundles>
// kernel: kernel.5.cloned.1.call-start
scs
__scs_entry_jumppad:
0x0: {  	(pc) =	sbr.rel $0x88, $3  }
0x1: {  	(tag) =	ssettag $0x0;
	lr =	simm.s32 $0x1  }
0x2: {  	[smem:$0x3F9A] =	sst lr;
	_ =	strace $0xD0000000  }
0x3: {  	_ = 	snop  }
0x4: {  	_ = 	snop  }
0x5: {  	_ = 	snop  }
0x6: {  	_ = 	snop  }
0x7: {  	_ = 	snop  }
__scs_overlays_trampoline_lowered:
0x8: {  	[smem:$0x3FA9] =	sst s0  }
0x9: {  	[smem:$0x3FAA] =	sst s1  }
0xa: {  	[smem:$0x3FAB] =	sst s2  }
0xb: {  	[smem:$0x3FAC] =	sst s3  }
0xc: {  	[smem:$0x3FAD] =	sst s4  }
0xd: {  	[smem:$0x3FAE] =	sst s5  }
0xe: {  	[smem:$0x3FAF] =	sst s6  }
0xf: {  	[smem:$0x3FB0] =	sst s7  }
0x10: {  	[smem:$0x3FB1] =	sst s8  }
0x11: {  	[smem:$0x3FB2] =	sst s9;
	s0 =	simm.s32 @!p0 $0x0  }
0x12: {  	s1 =	sld [smem:$0x3F98];
	s0 =	simm.s32 @p0 $0x1  }
0x13: {  	[smem:$0x3FB3] =	sst s0;
	s0 =	simm.s32 @!p1 $0x0  }
0x14: {  	s2 =	sld [smem:$0x3F97];
	s0 =	simm.s32 @p1 $0x1  }
0x15: {  	[smem:$0x3FB4] =	sst s0;
	s0 =	simm.s32 @!p2 $0x0  }
0x16: {  	s3 =	sld [smem:$0x3FDB];
	s0 =	simm.s32 @p2 $0x1  }
0x17: {  	s4 =	simm.s32 $0x1BF5;
	[smem:$0x3FB6] =	sst s0  }
0x18: {  	s0 =	sld [smem:$0x3F99];
	_ =	swait.ge [sflag:s4], $0x0  }
0x19: {  	s7 =	sld [smem:$0x3F9A]  }
0x1a: {  	s8 =	sadd.s32 $0xFFFFE003, lr  }
0x1b: {  	s9 =	sadd.s32 $0xFFFFFEF7, lr;
	s5 =	simm.s32 $0xFFFFFFFF;
	p2 =	slt.u32 s8, $0xFFFFF086  }
0x1c: {  	p1 =	slt.u32 s9, $0xF7A;
	s5 =	simm.s32 @!p2 $0x0  }
0x1d: {  	s5 =	simm.s32 @p1 $0x1;
	p0 =	seq.s32 s7, s2  }
0x1e: {  	s7 =	smul.u32 @!p0 $0xF7A, s2;
	p2 =	seq.s32 @!p0 s5, $0x0  }
0x1f: {  	s9 =	smul.u32 $0xF7A, s1;
	s8 =	simm.s32 @!p0 $0x1BF5;
	p2 =	por !p2, p0  }
0x20: {  	[sflag:s8] =	ssyncset.s32 @!p0 $0xFFFFF086;
	s6 =	sadd.s32 @!p0 s3, s7;
	s7 =	simm.s32 @!p0 $0x108  }
0x21: {  	s3 =	sadd.s32 s3, s9;
	s6 =	sadd.s32 @!p0 $0x88, s6;
	s7 =	simm.s32 @p2 $0x1082  }
0x22: {  	[simem:s7], [sflag:s8] =	dma.local @!p0 [hbm:s6], $0xF7A  }
0x23: {  	s9 =	sor.u32 $0xD0000000, s2;
	s6 =	simm.s32 $0x108;
	_ =	swait.ge @!p0 [sflag:s8], $0x0  }
0x24: {  	s3 =	sadd.s32 $0x88, s3;
	s6 =	simm.s32 @!p1 $0x1082;
	[sflag:s4] =	ssyncset.s32 $0xFFFFF086  }
0x25: {  	[simem:s6], [sflag:s4] =	dma.local [hbm:s3], $0xF7A  }
0x26: {  	[smem:$0x3F9A] =	sst s1;
	(tag) =	ssettag s2;
	_ =	strace s9  }
0x27: {  	s1 =	sld [smem:$0x3FAA]  }
0x28: {  	s2 =	sld [smem:$0x3FAB]  }
0x29: {  	s4 =	sld [smem:$0x3FAD]  }
0x2a: {  	p0 =	seq.s32 s5, $0x0;
	s5 =	sld [smem:$0x3FAE]  }
0x2b: {  	s6 =	sld [smem:$0x3FAF]  }
0x2c: {  	s7 =	sld [smem:$0x3FB0]  }
0x2d: {  	s3 =	simm.s32 $0x108;
	s8 =	sld [smem:$0x3FB1]  }
0x2e: {  	s3 =	simm.s32 @!p0 $0x1082;
	s9 =	sld [smem:$0x3FB2]  }
0x2f: {  	lr =	sadd.s32 s0, s3;
	s0 =	sld [smem:$0x3FA9]  }
0x30: {  	s3 =	sld [smem:$0x3FAC]  }
0x31: {  	[smem:$0x3FB5] =	sst s10  }
0x32: {  	s10 =	sld [smem:$0x3FB3];
	_ =	sdelay $0x3  }
0x33: {  	p0 =	seq.s32 s10, $0x1;
	s10 =	sld [smem:$0x3FB5];
	_ =	sdelay $0x3  }
0x34: {  	[smem:$0x3FB5] =	sst s10  }
0x35: {  	s10 =	sld [smem:$0x3FB4];
	_ =	sdelay $0x3  }
0x36: {  	p1 =	seq.s32 s10, $0x1;
	s10 =	sld [smem:$0x3FB5];
	_ =	sdelay $0x3  }
0x37: {  	[smem:$0x3FB5] =	sst s10  }
0x38: {  	s10 =	sld [smem:$0x3FB6]  }
0x39: {  	_ = 	snop;
	(pc) =	sbr.ind lr, $3  }
0x3a: {  	_ = 	snop  }
0x3b: {  	_ = 	snop  }
0x3c: {  	p2 =	seq.s32 s10, $0x1;
	s10 =	sld [smem:$0x3FB5]  }
0x3d: {  	_ =	shalt  }
0x3e: {  	_ =	shalt  }
0x3f: {  	_ =	shalt  }
0x40: {  	_ =	shalt  }
0x41: {  	_ =	shalt  }
0x42: {  	_ =	shalt  }
0x43: {  	_ =	shalt  }
0x44: {  	_ =	shalt  }
0x45: {  	_ =	shalt  }
0x46: {  	_ =	shalt  }
0x47: {  	_ =	shalt  }
0x48: {  	_ =	shalt  }
0x49: {  	_ =	shalt  }
0x4a: {  	_ =	shalt  }
0x4b: {  	_ =	shalt  }
0x4c: {  	_ =	shalt  }
0x4d: {  	_ =	shalt  }
0x4e: {  	_ =	shalt  }
0x4f: {  	_ =	shalt  }
0x50: {  	_ =	shalt  }
0x51: {  	_ =	shalt  }
0x52: {  	_ =	shalt  }
0x53: {  	_ =	shalt  }
0x54: {  	_ =	shalt  }
0x55: {  	_ =	shalt  }
0x56: {  	_ =	shalt  }
0x57: {  	_ =	shalt  }
0x58: {  	_ =	shalt  }
0x59: {  	_ =	shalt  }
0x5a: {  	_ =	shalt  }
0x5b: {  	_ =	shalt  }
0x5c: {  	_ =	shalt  }
0x5d: {  	_ =	shalt  }
0x5e: {  	_ =	shalt  }
0x5f: {  	_ =	shalt  }
0x60: {  	_ =	shalt  }
0x61: {  	_ =	shalt  }
0x62: {  	_ =	shalt  }
0x63: {  	_ =	shalt  }
0x64: {  	_ =	shalt  }
0x65: {  	_ =	shalt  }
0x66: {  	_ =	shalt  }
0x67: {  	_ =	shalt  }
0x68: {  	_ =	shalt  }
0x69: {  	_ =	shalt  }
0x6a: {  	_ =	shalt  }
0x6b: {  	_ =	shalt  }
0x6c: {  	_ =	shalt  }
0x6d: {  	_ =	shalt  }
0x6e: {  	_ =	shalt  }
0x6f: {  	_ =	shalt  }
0x70: {  	_ =	shalt  }
0x71: {  	_ =	shalt  }
0x72: {  	_ =	shalt  }
0x73: {  	_ =	shalt  }
0x74: {  	_ =	shalt  }
0x75: {  	_ =	shalt  }
0x76: {  	_ =	shalt  }
0x77: {  	_ =	shalt  }
0x78: {  	_ =	shalt  }
0x79: {  	_ =	shalt  }
0x7a: {  	_ =	shalt  }
0x7b: {  	_ =	shalt  }
0x7c: {  	_ =	shalt  }
0x7d: {  	_ =	shalt  }
0x7e: {  	_ =	shalt  }
0x7f: {  	_ =	shalt  }
0x80: {  	_ =	shalt  }
0x81: {  	_ =	shalt  }
0x82: {  	_ =	shalt  }
0x83: {  	_ =	shalt  }
0x84: {  	_ =	shalt  }
0x85: {  	_ =	shalt  }
0x86: {  	_ =	shalt  }
0x87: {  	_ =	shalt  }
.Lfunc_end0:
.L_simem_size_0:
called_computation_lowered:
.L_overlay_start_0:
0x88: {  	s2 =	sld [smem:$0x3FD9]  }
0x89: {  	s3 =	sld [smem:$0x3FFE];
	_ =	sdelay $0x1  }
0x8a: {  	s1 =	srdreg.scid  }
0x8b: {  	s0 =	sand.u32 $0x1, s1  }
0x8c: {  	s17 =	sshll.u32 s0, $0xA;
	s2 =	sadd.s32 s3, s2  }
0x8d: {  	s2 =	sadd.s32 s2, s17  }
0x8e: {  	[smem:$0x3FC1] =	sst s2  }
0x8f: {  	_ = 	snop  }
0x90: {  	s2 =	sld [smem:$0x3FC6]  }
0x91: {  	s18 =	sld [smem:$0x3FD0];
	(tm) =	ssettm $0x1  }
0x92: {  	s4 =	sld [smem:$0x3FFB];
	_ =	sdelay $0x3  }
0x93: {  	_ =	strace s4  }
0x94: {  	s4 =	sld [smem:$0x3FFC];
	_ =	sdelay $0x3  }
0x95: {  	_ =	strace s4  }
0x96: {  	s4 =	sld [smem:$0x3FFD];
	_ =	sdelay $0x3  }
0x97: {  	_ =	strace s4  }
0x98: {  	_ =	strace $0x8FFFFFFF  }
0x99: {  	s19 =	sld [smem:$0x3FDB];
	_ =	sdelay $0x1  }
0x9a: {  	s5 =	simm.s32 $_scs_section_size  }
0x9b: {  	s6 =	simm.s32 $_size__tile_overlayer_lowered;
	s7 =	simm.s32 $_tile_overlayer_lowered  }
0x9c: {  	s22 =	simm.s32 $0x1BFF;
	s21 =	sshll.u32 s7, $0x1;
	s4 =	sadd.s32 s5, s19  }
0x9d: {  	s8 =	simm.s32 $0x0;
	s20 =	sshll.u32 s6, $0x1;
	s6 =	sadd.s32 s21, s4  }
0x9e: {  	[timem:s8], [sflag:s22] =	dma.local [hbm:s6], s20  }
0x9f: {  	_ =	swait.ge [sflag:s22], s20  }
0xa0: {  	s5 =	ssub.s32 $0x0, s20;
	[sflag:s22] =	ssyncset.done $0x0  }
0xa1: {  	[sflag:s22] =	ssyncadd.s32 s5;
	_ =	sdelay $0x1  }
0xa2: {  	s23 =	simm.s32 $0x1B8B  }
0xa3: {  	_ =	swait.ge [sflag:s23], $0x1  }
0xa4: {  	[sflag:s23] =	ssyncset.done $0x0  }
0xa5: {  	s25 =	simm.s32 $0x1B8E;
	s24 =	sld [smem:$0x3FFE];
	[sflag:s23] =	ssyncadd.s32 $0xFFFFFFFF  }
0xa6: {  	s26 =	simm.s32 $execute0_lowered;
	[smem:$0x3FD2] =	sst s25  }
0xa7: {  	s6 =	sshll.u32 s26, $0x1;
	_ =	strace $0x80000046;
	[dreg:$0x1] =	wrdreg $0xFFFFFFFF  }
0xa8: {  	s28 =	simm.s32 $_size_execute0_lowered;
	s4 =	sadd.s32 s4, s6;
	[dreg:$0x0] =	wrdreg $0x0  }
0xa9: {  	s6 =	sshll.u32 s28, $0x1;
	[dreg:$0x2] =	wrdreg s4  }
0xaa: {  	[dreg:$0x3] =	wrdreg s6  }
0xab: {  	[dreg:$0x4] =	wrdreg $0xC0  }
0xac: {  	_ =	task [dreg:s8], $0x5FFFF  }
0xad: {  	[dreg:$0x1] =	wrdreg $0xFFFFFFFF  }
0xae: {  	[dreg:$0x0] =	wrdreg $0x60  }
0xaf: {  	[dreg:$0x2] =	wrdreg s24  }
0xb0: {  	[dreg:$0x3] =	wrdreg s2  }
0xb1: {  	[dreg:$0x4] =	wrdreg s18  }
0xb2: {  	[dreg:$0x5] =	wrdreg $0x8F000  }
0xb3: {  	[dreg:$0x6] =	wrdreg $0x9  }
0xb4: {  	_ =	task.clear_ibuf [dreg:s8], $0x7FFFF;
	_ =	strace $0x90000046  }
0xb5: {  	s29 =	simm.s32 $0x9;
	_ =	strace $0x80000048  }
0xb6: {  	_ =	swait.ge [sflag:s29], $0x1  }
0xb7: {  	[sflag:s29] =	ssyncadd.s32 $0xFFFFFFFF  }
0xb8: {  	_ =	strace $0x90000048  }
0xb9: {  	_ =	sfence  }
0xba: {  	s30 =	sld [smem:$0x0];
	_ =	sdelay $0x2  }
0xbb: {  	s31 =	sshll.u32 s1, $0xD;
	s1 =	sshrl.u32 s1, $0x2  }
0xbc: {  	s3 =	sand.u32 $0x4000, s31;
	s1 =	sadd.s32 s1, s30  }
0xbd: {  	s0 =	sor.u32 s3, s0;
	s1 =	sshll.u32 s1, $0x11  }
0xbe: {  	s0 =	sor.u32 s1, s0  }
0xbf: {  	s0 =	sadd.s32 $0x8F2B, s0  }
0xc0: {  	[sflag:s0] =	ssyncadd.remote.s32 $0x1  }
0xc1: {  	_ =	sfence.sel $0xFFFF  }
0xc2: {  	[dreg:$0x0] =	wrdreg $0xFFFFFFFF;
	(pc) =	sbr.abs _section_cstart, $3  }
0xc3: {  	[dreg:$0x1] =	wrdreg $0xFFFFFFFF  }
0xc4: {  	_ =	task.clear_ibuf [dreg:s8], $0x2FFFF;
	_ =	strace $0x9FFFFFFF  }
0xc5: {  	(tm) =	ssettm $0x7FFFFFFF  }
tec
execute0_lowered:
.L_overlay_start_1:
0x0: {  	(tag) =	ssettag $0x1  }
0x1: {  	s0 =	rddreg [dreg:$0x0]  }
0x2: {  	s1 =	rddreg [dreg:$0x1]  }
0x3: {  	s2 =	rddreg [dreg:$0x2]  }
0x4: {  	s3 =	rddreg [dreg:$0x3];
	s13 =	stileid.u32  }
0x5: {  	s5 =	simm.s32 $0x0;
	s4 =	srdreg.scid;
	s8 =	smul.u32 $0x2800, s13  }
0x6: {  	s4 =	sand.u32 $0x1, s4;
	s6 =	sshll.u32 s13, $0x1;
	s28 =	smul.u32 $0x50000, s13  }
0x7: {  	s31 =	simm.s32 $0x8700;
	s19 =	smul.u32 $0x4E20, s13;
	s7 =	sor.u32 s4, s6  }
0x8: {  	[smem:$0x7FF] =	sst s5;
	s13 =	simm.s32 $0x7;
	s11 =	smul.u32 $0x2710, s7  }
0x9: {  	_ =	strace $0x80000047;
	s9 =	smul.u32 $0x28000, s4;
	s6 =	sadd.s32 $0xA000, s0  }
0xa: {  	s10 =	ssub.s32 $0x2, s4;
	s7 =	sadd.s32 $0x200, s0;
	s24 =	sshrl.u32 s11, $0x3  }
0xb: {  	s4 =	smul.u32 $0x2710, s4;
	s23 =	sshrl.u32 s10, $0x1;
	s25 =	sadd.s32 s7, s24  }
0xc: {  	s8 =	sadd.s32 s8, s9;
	s12 =	sadd.s32 s1, s24;
	[dreg:$0x5] =	wrdreg s25  }
0xd: {  	s0 =	sadd.s32 s8, s0;
	s29 =	sadd.s32 s2, s24;
	[dreg:$0x6] =	wrdreg s12  }
0xe: {  	s8 =	ssub.s32 s10, s23;
	s0 =	sadd.s32 $0x27B000, s0;
	[dreg:$0x7] =	wrdreg s29  }
0xf: {  	s26 =	sadd.s32 $0x10, s24;
	s8 =	smax.u32 s8, $0x1;
	[dreg:$0x14] =	wrdreg s0  }
0x10: {  	s4 =	sadd.s32 s4, s19;
	s30 =	sadd.s32 s7, s26;
	[dreg:$0x15] =	wrdreg s8  }
0x11: {  	s19 =	simm.s32 $0x4500;
	s14 =	sadd.s32 s1, s26;
	[dreg:$0x8] =	wrdreg s30  }
0x12: {  	s15 =	sadd.s32 $0x20, s24;
	s10 =	sadd.s32 s2, s26;
	[dreg:$0x9] =	wrdreg s14  }
0x13: {  	s11 =	sshrl.u32 s28, $0x2;
	s16 =	sadd.s32 s7, s15;
	[dreg:$0xa] =	wrdreg s10  }
0x14: {  	s18 =	sadd.s32 $0x30, s24;
	s17 =	sadd.s32 s1, s15;
	[dreg:$0xb] =	wrdreg s16  }
0x15: {  	s9 =	sadd.s32 $0x4E0, s24;
	s12 =	sadd.s32 s2, s15;
	[dreg:$0xc] =	wrdreg s17  }
0x16: {  	s24 =	sadd.s32 $0x280, s4;
	s20 =	sadd.s32 s7, s18;
	[dreg:$0xd] =	wrdreg s12  }
0x17: {  	s21 =	sadd.s32 s1, s18;
	s22 =	sadd.s32 s7, s9;
	[dreg:$0xe] =	wrdreg s20  }
0x18: {  	s23 =	sadd.s32 s1, s9;
	s9 =	sadd.s32 s2, s9;
	[dreg:$0xf] =	wrdreg s21  }
0x19: {  	s0 =	sshrl.u32 s24, $0x3;
	s25 =	sadd.s32 $0x200, s4;
	[dreg:$0x11] =	wrdreg s22  }
0x1a: {  	s4 =	simm.s32 $0x100;
	s8 =	simm.s32 $0x200;
	[dreg:$0x12] =	wrdreg s23  }
0x1b: {  	s15 =	simm.s32 $0x1;
	s24 =	simm.s32 $0x5;
	[dreg:$0x13] =	wrdreg s9  }
0x1c: {  	s14 =	sadd.s32 s11, s3;
	s10 =	sadd.s32 s2, s18;
	[dreg:$0x16] =	wrdreg s0  }
0x1d: {  	s0 =	sshrl.u32 s25, $0x3;
	s9 =	simm.s32 $0x80;
	s11 =	simm.s32 $0x280  }
0x1e: {  	s12 =	simm.s32 $0x500;
	s16 =	simm.s32 $0x300;
	s17 =	simm.s32 $0x2  }
0x1f: {  	s18 =	simm.s32 $0x380;
	s20 =	simm.s32 $0x3;
	[dreg:$0x10] =	wrdreg s10  }
0x20: {  	s21 =	simm.s32 $0x400;
	[dreg:$0x17] =	wrdreg s0;
	s26 =	sadd.s32 $0x4000, s14  }
0x21: {  	s22 =	simm.s32 $0x4;
	s28 =	sadd.s32 $0x8000, s14;
	[dreg:$0x18] =	wrdreg s26  }
0x22: {  	s23 =	simm.s32 $0x480;
	s29 =	sadd.s32 $0xC000, s14;
	[dreg:$0x19] =	wrdreg s28  }
0x23: {  	s25 =	simm.s32 $0x6;
	s30 =	sadd.s32 $0x10000, s14;
	[dreg:$0x1a] =	wrdreg s29  }
0x24: {  	v0 =	vimm.f32 $0.0e+00;
	s10 =	simm.s32 $0x180;
	s0 =	simm.s32 $0x0;
	[dreg:$0x1b] =	wrdreg s30  }
.LBB2_1:
0x25: {  	s26 =	rddreg [dreg:$0x5]  }
0x26: {  	[tilespmem:s5], [sflag:$0x1] =	stream.linear.gather [hbm4b:s26+s5], $0x80, $0x38;
	[tilespmem:$0x1CF00] =	vst v63  }
0x27: {  	s30 =	rddreg [dreg:$0x6]  }
0x28: {  	[tilespmem:s4], [sflag:$0x1] =	stream.linear.gather [hbm4b:s30+s5], $0x80, $0x38;
	[tilespmem:$0x1CF00] =	vst v63  }
0x29: {  	s29 =	rddreg [dreg:$0x7]  }
0x2a: {  	[tilespmem:s8], [sflag:$0x1] =	stream.linear.gather [hbm4b:s29+s5], $0x80, $0x38;
	[tilespmem:$0x1CF00] =	vst v63  }
0x2b: {  	s30 =	rddreg [dreg:$0x8]  }
0x2c: {  	[tilespmem:s9], [sflag:$0x2] =	stream.linear.gather [hbm4b:s30+s5], $0x80, $0x38;
	[tilespmem:$0x1CF00] =	vst v63  }
0x2d: {  	s29 =	rddreg [dreg:$0x9]  }
0x2e: {  	[tilespmem:s10], [sflag:$0x2] =	stream.linear.gather [hbm4b:s29+s5], $0x80, $0x38;
	[tilespmem:$0x1CF00] =	vst v63  }
0x2f: {  	s28 =	simm.s32 $0x200;
	s26 =	simm.s32 $0x0;
	s30 =	rddreg [dreg:$0xa]  }
0x30: {  	[tilespmem:s11], [sflag:$0x2] =	stream.linear.gather [hbm4b:s30+s5], $0x80, $0x38;
	[tilespmem:$0x1CF00] =	vst v63  }
.LBB2_2:
0x31: {  	p0 =	sne.s32 s28, $0xFE00;
	[tilespmem:s26+$0x570] =	vst v0  }
0x32: {  	[tilespmem:s26+$0x500] =	vst v0  }
0x33: {  	[tilespmem:s26+$0x510] =	vst v0  }
.Ltmp0:
0x34: {  	[tilespmem:s26+$0x520] =	vst v0;
	(pc) =	sbr.rel @p0 .LBB2_2-.Ltmp0, $4  }
0x35: {  	[tilespmem:s26+$0x530] =	vst v0  }
0x36: {  	[tilespmem:s26+$0x540] =	vst v0  }
0x37: {  	[tilespmem:s26+$0x550] =	vst v0  }
0x38: {  	[tilespmem:s26+$0x560] =	vst v0;
	s26 =	sshra.s32 s28, $0x2;
	s28 =	sadd.s32 $0x200, s28  }
0x39: {  	[tilespmem:s26+$0x570] =	vst v0  }
0x3a: {  	[tilespmem:s26+$0x500] =	vst v0  }
0x3b: {  	[tilespmem:s26+$0x510] =	vst v0  }
0x3c: {  	[tilespmem:s26+$0x520] =	vst v0  }
0x3d: {  	[tilespmem:s26+$0x530] =	vst v0  }
0x3e: {  	[tilespmem:s26+$0x540] =	vst v0  }
0x3f: {  	[tilespmem:s26+$0x550] =	vst v0  }
0x40: {  	[tilespmem:s26+$0x560] =	vst v0  }
0x41: {  	[spmem:s14] =	stream.linear.scatter [tilespmem:s12], [sflag:$0x7], $0x4000, $0x38;
	[tilespmem:$0x1CF00] =	vst v63  }
0x42: {  	_ =	swait.ge [sflag:s13], $0x4000  }
0x43: {  	[sflag:s13] =	ssyncset.done $0x0  }
0x44: {  	s30 =	rddreg [dreg:$0x18];
	[sflag:s13] =	ssyncadd.s32 $0xFFFFC000  }
0x45: {  	[spmem:s30] =	stream.linear.scatter [tilespmem:s12], [sflag:$0x7], $0x4000, $0x38;
	[tilespmem:$0x1CF00] =	vst v63  }
0x46: {  	_ =	swait.ge [sflag:s13], $0x4000  }
0x47: {  	[sflag:s13] =	ssyncset.done $0x0  }
0x48: {  	s30 =	rddreg [dreg:$0x19];
	[sflag:s13] =	ssyncadd.s32 $0xFFFFC000  }
0x49: {  	[spmem:s30] =	stream.linear.scatter [tilespmem:s12], [sflag:$0x7], $0x4000, $0x38;
	[tilespmem:$0x1CF00] =	vst v63  }
0x4a: {  	_ =	swait.ge [sflag:s13], $0x4000  }
0x4b: {  	[sflag:s13] =	ssyncset.done $0x0  }
0x4c: {  	s30 =	rddreg [dreg:$0x1a];
	[sflag:s13] =	ssyncadd.s32 $0xFFFFC000  }
0x4d: {  	[spmem:s30] =	stream.linear.scatter [tilespmem:s12], [sflag:$0x7], $0x4000, $0x38;
	[tilespmem:$0x1CF00] =	vst v63  }
0x4e: {  	_ =	swait.ge [sflag:s13], $0x4000  }
0x4f: {  	[sflag:s13] =	ssyncset.done $0x0  }
0x50: {  	s30 =	rddreg [dreg:$0x1b];
	[sflag:s13] =	ssyncadd.s32 $0xFFFFC000  }
0x51: {  	[spmem:s30] =	stream.linear.scatter [tilespmem:s12], [sflag:$0x7], $0x4000, $0x38;
	[tilespmem:$0x1CF00] =	vst v63  }
0x52: {  	_ =	swait.ge [sflag:s13], $0x4000  }
0x53: {  	[sflag:s13] =	ssyncset.done $0x0  }
0x54: {  	[sflag:s13] =	ssyncadd.s32 $0xFFFFC000  }
0x55: {  	[bflag:$0x0] =	sbarrier.arrive $0xFFFF  }
0x56: {  	_ =	swait.ge [sflag:s15], $0x80  }
0x57: {  	[sflag:s15] =	ssyncset.done $0x0  }
0x58: {  	[sflag:s15] =	ssyncadd.s32 $0xFFFFFF80  }
0x59: {  	_ =	swait.ge [sflag:s15], $0x80  }
0x5a: {  	[sflag:s15] =	ssyncset.done $0x0  }
0x5b: {  	[sflag:s15] =	ssyncadd.s32 $0xFFFFFF80  }
0x5c: {  	_ =	swait.ge [sflag:s15], $0x80  }
0x5d: {  	[sflag:s15] =	ssyncset.done $0x0  }
0x5e: {  	[sflag:s15] =	ssyncadd.s32 $0xFFFFFF80  }
0x5f: {  	v1 =	vld [tilespmem:$0x100]  }
0x60: {  	v2 =	vld [tilespmem:$0x0]  }
0x61: {  	v3 =	vld [tilespmem:$0x200]  }
0x62: {  	v4 =	vld [tilespmem:$0x110]  }
0x63: {  	v5 =	vld [tilespmem:$0x10]  }
0x64: {  	v6 =	vld [tilespmem:$0x210]  }
0x65: {  	v7 =	vld [tilespmem:$0x120]  }
0x66: {  	v8 =	vld [tilespmem:$0x20]  }
0x67: {  	v9 =	vld [tilespmem:$0x220]  }
0x68: {  	v10 =	vld [tilespmem:$0x130]  }
0x69: {  	v11 =	vld [tilespmem:$0x30]  }
0x6a: {  	v12 =	vld [tilespmem:$0x230]  }
0x6b: {  	v13 =	vld [tilespmem:$0x140]  }
0x6c: {  	v36 =	vld [tilespmem:$0x40];
	v1 =	vmul.u32 $0x2710, v1  }
0x6d: {  	v37 =	vld [tilespmem:$0x150];
	[tilespmem:$0x400] =	vst v3  }
0x6e: {  	v39 =	vld [tilespmem:$0x250];
	[tilespmem:$0x410] =	vst v6;
	v1 =	vadd.s32 v2, v1;
	v2 =	vmul.u32 $0x2710, v4  }
0x6f: {  	v43 =	vld [tilespmem:$0x260];
	v3 =	vmul.u32 $0x2710, v7;
	[tilespmem:$0x420] =	vst v9  }
0x70: {  	[tilespmem:$0x300] =	vst v1;
	v1 =	vld [tilespmem:$0x240];
	v2 =	vadd.s32 v5, v2  }
0x71: {  	v3 =	vadd.s32 v8, v3;
	[tilespmem:$0x310] =	vst v2;
	v2 =	vld [tilespmem:$0x50]  }
0x72: {  	[tilespmem:$0x320] =	vst v3;
	v3 =	vld [tilespmem:$0x160]  }
0x73: {  	v42 =	vld [tilespmem:$0x170];
	[tilespmem:$0x430] =	vst v12  }
0x74: {  	v41 =	vld [tilespmem:$0x60];
	[tilespmem:$0x450] =	vst v39;
	v5 =	vmul.u32 $0x2710, v37  }
0x75: {  	v44 =	vld [tilespmem:$0x70];
	v38 =	vmul.u32 $0x2710, v10;
	[tilespmem:$0x460] =	vst v43  }
0x76: {  	v40 =	vmul.u32 $0x2710, v13;
	[tilespmem:$0x440] =	vst v1;
	v1 =	vadd.s32 v2, v5  }
0x77: {  	v6 =	vadd.s32 v11, v38;
	v2 =	vmul.u32 $0x2710, v3;
	[tilespmem:$0x350] =	vst v1;
	v1 =	vld [tilespmem:$0x270]  }
0x78: {  	v4 =	vadd.s32 v36, v40;
	[tilespmem:$0x330] =	vst v6;
	v3 =	vmul.u32 $0x2710, v42  }
0x79: {  	[tilespmem:$0x340] =	vst v4;
	v2 =	vadd.s32 v41, v2  }
0x7a: {  	[tilespmem:$0x360] =	vst v2;
	v2 =	vadd.s32 v44, v3  }
0x7b: {  	[tilespmem:$0x370] =	vst v2  }
0x7c: {  	[tilespmem:$0x470] =	vst v1  }
0x7d: {  	[tilespmem:s12], [sflag:$0x3] =	stream.indirect.gather [hbm4b:s6+s9], $0x80, s16, s9, $0xb8;
	[tilespmem:$0x1CF00] =	vst v63  }
0x7e: {  	s30 =	rddreg [dreg:$0xb]  }
0x7f: {  	[tilespmem:s5], [sflag:$0x1] =	stream.linear.gather [hbm4b:s30+s5], $0x80, $0x38;
	[tilespmem:$0x1CF00] =	vst v63  }
0x80: {  	s30 =	rddreg [dreg:$0xc]  }
0x81: {  	[tilespmem:s4], [sflag:$0x1] =	stream.linear.gather [hbm4b:s30+s5], $0x80, $0x38;
	[tilespmem:$0x1CF00] =	vst v63  }
0x82: {  	s30 =	rddreg [dreg:$0xd]  }
0x83: {  	[tilespmem:s8], [sflag:$0x1] =	stream.linear.gather [hbm4b:s30+s5], $0x80, $0x38;
	[tilespmem:$0x1CF00] =	vst v63  }
0x84: {  	_ =	swait.ge [sflag:s17], $0x80  }
0x85: {  	[sflag:s17] =	ssyncset.done $0x0  }
0x86: {  	[sflag:s17] =	ssyncadd.s32 $0xFFFFFF80  }
0x87: {  	_ =	swait.ge [sflag:s17], $0x80  }
0x88: {  	[sflag:s17] =	ssyncset.done $0x0  }
0x89: {  	[sflag:s17] =	ssyncadd.s32 $0xFFFFFF80  }
0x8a: {  	_ =	swait.ge [sflag:s17], $0x80  }
0x8b: {  	[sflag:s17] =	ssyncset.done $0x0  }
0x8c: {  	[sflag:s17] =	ssyncadd.s32 $0xFFFFFF80  }
0x8d: {  	v1 =	vld [tilespmem:$0x180]  }
0x8e: {  	v2 =	vld [tilespmem:$0x80]  }
0x8f: {  	v3 =	vld [tilespmem:$0x280]  }
0x90: {  	v45 =	vld [tilespmem:$0x190]  }
0x91: {  	v46 =	vld [tilespmem:$0x90]  }
0x92: {  	v47 =	vld [tilespmem:$0x290]  }
0x93: {  	v48 =	vld [tilespmem:$0x1A0]  }
0x94: {  	v49 =	vld [tilespmem:$0xA0]  }
0x95: {  	v50 =	vld [tilespmem:$0x2A0]  }
0x96: {  	v51 =	vld [tilespmem:$0x1B0]  }
0x97: {  	v52 =	vld [tilespmem:$0xB0]  }
0x98: {  	v53 =	vld [tilespmem:$0x2B0]  }
0x99: {  	v54 =	vld [tilespmem:$0x1C0]  }
0x9a: {  	v55 =	vld [tilespmem:$0xC0];
	v1 =	vmul.u32 $0x2710, v1  }
0x9b: {  	v56 =	vld [tilespmem:$0x1D0];
	[tilespmem:$0x480] =	vst v3  }
0x9c: {  	v58 =	vld [tilespmem:$0x2D0];
	[tilespmem:$0x490] =	vst v47;
	v1 =	vadd.s32 v2, v1;
	v2 =	vmul.u32 $0x2710, v45  }
0x9d: {  	v62 =	vld [tilespmem:$0x2E0];
	v3 =	vmul.u32 $0x2710, v48;
	[tilespmem:$0x4A0] =	vst v50  }
0x9e: {  	[tilespmem:$0x380] =	vst v1;
	v1 =	vld [tilespmem:$0x2C0];
	v2 =	vadd.s32 v46, v2  }
0x9f: {  	v3 =	vadd.s32 v49, v3;
	[tilespmem:$0x390] =	vst v2;
	v2 =	vld [tilespmem:$0xD0]  }
0xa0: {  	[tilespmem:$0x3A0] =	vst v3;
	v3 =	vld [tilespmem:$0x1E0]  }
0xa1: {  	v61 =	vld [tilespmem:$0x1F0];
	[tilespmem:$0x4B0] =	vst v53  }
0xa2: {  	v60 =	vld [tilespmem:$0xE0];
	v5 =	vmul.u32 $0x2710, v56;
	[tilespmem:$0x4D0] =	vst v58  }
0xa3: {  	v63 =	vld [tilespmem:$0xF0];
	v57 =	vmul.u32 $0x2710, v51;
	[tilespmem:$0x4E0] =	vst v62  }
0xa4: {  	v59 =	vmul.u32 $0x2710, v54;
	[tilespmem:$0x4C0] =	vst v1;
	v1 =	vadd.s32 v2, v5  }
0xa5: {  	v6 =	vadd.s32 v52, v57;
	v2 =	vmul.u32 $0x2710, v3;
	[tilespmem:$0x3D0] =	vst v1;
	v1 =	vld [tilespmem:$0x2F0]  }
0xa6: {  	v4 =	vadd.s32 v55, v59;
	[tilespmem:$0x3B0] =	vst v6;
	v3 =	vmul.u32 $0x2710, v61  }
0xa7: {  	[tilespmem:$0x3C0] =	vst v4;
	v2 =	vadd.s32 v60, v2  }
0xa8: {  	[tilespmem:$0x3E0] =	vst v2;
	v2 =	vadd.s32 v63, v3  }
0xa9: {  	[tilespmem:$0x3F0] =	vst v2  }
0xaa: {  	[tilespmem:$0x4F0] =	vst v1  }
0xab: {  	[tilespmem:s19], [sflag:$0x4] =	stream.indirect.gather [hbm4b:s6+s9], $0x80, s18, s9, $0xb8;
	[tilespmem:$0x1CF00] =	vst v63  }
0xac: {  	s30 =	rddreg [dreg:$0xe]  }
0xad: {  	[tilespmem:s9], [sflag:$0x2] =	stream.linear.gather [hbm4b:s30+s5], $0x80, $0x38;
	[tilespmem:$0x1CF00] =	vst v63  }
0xae: {  	s30 =	rddreg [dreg:$0xf]  }
0xaf: {  	[tilespmem:s10], [sflag:$0x2] =	stream.linear.gather [hbm4b:s30+s5], $0x80, $0x38;
	[tilespmem:$0x1CF00] =	vst v63  }
0xb0: {  	s30 =	rddreg [dreg:$0x10]  }
0xb1: {  	[tilespmem:s11], [sflag:$0x2] =	stream.linear.gather [hbm4b:s30+s5], $0x80, $0x38;
	[tilespmem:$0x1CF00] =	vst v63  }
0xb2: {  	_ =	swait.ge [sflag:s20], $0x4000  }
0xb3: {  	[sflag:s20] =	ssyncset.done $0x0  }
0xb4: {  	[sflag:s20] =	ssyncadd.s32 $0xFFFFC000  }
0xb5: {  	[spmem:s3] =	stream.indirect.scatter.add.f32 [tilespmem:s12], [sflag:$0x5], $0x80, s21, s9, $0xb8;
	[tilespmem:$0x1CF00] =	vst v63  }
0xb6: {  	_ =	swait.ge [sflag:s22], $0x4000  }
0xb7: {  	[sflag:s22] =	ssyncset.done $0x0;
	s28 =	rddreg [dreg:$0x17]  }
0xb8: {  	s26 =	simm.s32 $0x25;
	s29 =	rddreg [dreg:$0x16];
	[sflag:s22] =	ssyncadd.s32 $0xFFFFC000  }
0xb9: {  	[spmem:s3] =	stream.indirect.scatter.add.f32 [tilespmem:s19], [sflag:$0x6], $0x80, s23, s9, $0xb8;
	[tilespmem:$0x1CF00] =	vst v63  }
.LBB2_4:
0xba: {  	_ =	swait.ge [sflag:s24], $0x4000  }
0xbb: {  	[sflag:s24] =	ssyncset.done $0x0  }
0xbc: {  	[sflag:s24] =	ssyncadd.s32 $0xFFFFC000  }
0xbd: {  	_ =	swait.ge [sflag:s15], $0x80  }
0xbe: {  	[sflag:s15] =	ssyncset.done $0x0  }
0xbf: {  	[sflag:s15] =	ssyncadd.s32 $0xFFFFFF80  }
0xc0: {  	_ =	swait.ge [sflag:s15], $0x80  }
0xc1: {  	[sflag:s15] =	ssyncset.done $0x0  }
0xc2: {  	[sflag:s15] =	ssyncadd.s32 $0xFFFFFF80  }
0xc3: {  	_ =	swait.ge [sflag:s15], $0x80  }
0xc4: {  	[sflag:s15] =	ssyncset.done $0x0  }
0xc5: {  	[sflag:s15] =	ssyncadd.s32 $0xFFFFFF80  }
0xc6: {  	v1 =	vld [tilespmem:$0x100]  }
0xc7: {  	v2 =	vld [tilespmem:$0x0]  }
0xc8: {  	v3 =	vld [tilespmem:$0x200]  }
0xc9: {  	v4 =	vld [tilespmem:$0x110]  }
0xca: {  	v5 =	vld [tilespmem:$0x10]  }
0xcb: {  	v6 =	vld [tilespmem:$0x210]  }
0xcc: {  	v7 =	vld [tilespmem:$0x120]  }
0xcd: {  	v8 =	vld [tilespmem:$0x20]  }
0xce: {  	v9 =	vld [tilespmem:$0x220]  }
0xcf: {  	v10 =	vld [tilespmem:$0x130]  }
0xd0: {  	v11 =	vld [tilespmem:$0x30]  }
0xd1: {  	v12 =	vld [tilespmem:$0x230]  }
0xd2: {  	v13 =	vld [tilespmem:$0x140]  }
0xd3: {  	v36 =	vld [tilespmem:$0x40];
	v1 =	vmul.u32 $0x2710, v1  }
0xd4: {  	v37 =	vld [tilespmem:$0x150];
	[tilespmem:$0x400] =	vst v3  }
0xd5: {  	v39 =	vld [tilespmem:$0x250];
	[tilespmem:$0x410] =	vst v6;
	v1 =	vadd.s32 v2, v1;
	v2 =	vmul.u32 $0x2710, v4  }
0xd6: {  	v43 =	vld [tilespmem:$0x260];
	v3 =	vmul.u32 $0x2710, v7;
	[tilespmem:$0x420] =	vst v9  }
0xd7: {  	[tilespmem:$0x300] =	vst v1;
	v1 =	vld [tilespmem:$0x240];
	v2 =	vadd.s32 v5, v2  }
0xd8: {  	v3 =	vadd.s32 v8, v3;
	[tilespmem:$0x310] =	vst v2;
	v2 =	vld [tilespmem:$0x50]  }
0xd9: {  	[tilespmem:$0x320] =	vst v3;
	v3 =	vld [tilespmem:$0x160]  }
0xda: {  	v42 =	vld [tilespmem:$0x170];
	[tilespmem:$0x430] =	vst v12  }
0xdb: {  	v41 =	vld [tilespmem:$0x60];
	[tilespmem:$0x450] =	vst v39;
	v5 =	vmul.u32 $0x2710, v37  }
0xdc: {  	v44 =	vld [tilespmem:$0x70];
	v38 =	vmul.u32 $0x2710, v10;
	[tilespmem:$0x460] =	vst v43  }
0xdd: {  	v40 =	vmul.u32 $0x2710, v13;
	[tilespmem:$0x440] =	vst v1;
	v1 =	vadd.s32 v2, v5  }
0xde: {  	v6 =	vadd.s32 v11, v38;
	v2 =	vmul.u32 $0x2710, v3;
	[tilespmem:$0x350] =	vst v1;
	v1 =	vld [tilespmem:$0x270]  }
0xdf: {  	v4 =	vadd.s32 v36, v40;
	[tilespmem:$0x330] =	vst v6;
	v3 =	vmul.u32 $0x2710, v42  }
0xe0: {  	[tilespmem:$0x340] =	vst v4;
	v2 =	vadd.s32 v41, v2  }
0xe1: {  	[tilespmem:$0x360] =	vst v2;
	v2 =	vadd.s32 v44, v3  }
0xe2: {  	[tilespmem:$0x370] =	vst v2  }
0xe3: {  	[tilespmem:$0x470] =	vst v1  }
0xe4: {  	[tilespmem:s12], [sflag:$0x3] =	stream.indirect.gather [hbm4b:s6+s9], $0x80, s16, s9, $0xb8;
	[tilespmem:$0x1CF00] =	vst v63  }
0xe5: {  	s30 =	sadd.s32 s28, s7  }
0xe6: {  	[tilespmem:s5], [sflag:$0x1] =	stream.linear.gather [hbm4b:s30+s5], $0x80, $0x38;
	[tilespmem:$0x1CF00] =	vst v63  }
0xe7: {  	s30 =	sadd.s32 s28, s1  }
0xe8: {  	[tilespmem:s4], [sflag:$0x1] =	stream.linear.gather [hbm4b:s30+s5], $0x80, $0x38;
	[tilespmem:$0x1CF00] =	vst v63  }
0xe9: {  	s30 =	sadd.s32 s28, s2  }
0xea: {  	[tilespmem:s8], [sflag:$0x1] =	stream.linear.gather [hbm4b:s30+s5], $0x80, $0x38;
	[tilespmem:$0x1CF00] =	vst v63  }
0xeb: {  	_ =	swait.ge [sflag:s25], $0x4000  }
0xec: {  	[sflag:s25] =	ssyncset.done $0x0  }
0xed: {  	[sflag:s25] =	ssyncadd.s32 $0xFFFFC000  }
0xee: {  	_ =	swait.ge [sflag:s17], $0x80  }
0xef: {  	[sflag:s17] =	ssyncset.done $0x0  }
0xf0: {  	[sflag:s17] =	ssyncadd.s32 $0xFFFFFF80  }
0xf1: {  	_ =	swait.ge [sflag:s17], $0x80  }
0xf2: {  	[sflag:s17] =	ssyncset.done $0x0  }
0xf3: {  	[sflag:s17] =	ssyncadd.s32 $0xFFFFFF80  }
0xf4: {  	_ =	swait.ge [sflag:s17], $0x80  }
0xf5: {  	[sflag:s17] =	ssyncset.done $0x0  }
0xf6: {  	[sflag:s17] =	ssyncadd.s32 $0xFFFFFF80  }
0xf7: {  	v1 =	vld [tilespmem:$0x180]  }
0xf8: {  	v2 =	vld [tilespmem:$0x80]  }
0xf9: {  	v3 =	vld [tilespmem:$0x280]  }
0xfa: {  	v45 =	vld [tilespmem:$0x190]  }
0xfb: {  	v46 =	vld [tilespmem:$0x90]  }
0xfc: {  	v47 =	vld [tilespmem:$0x290]  }
0xfd: {  	v48 =	vld [tilespmem:$0x1A0]  }
0xfe: {  	v49 =	vld [tilespmem:$0xA0]  }
0xff: {  	v50 =	vld [tilespmem:$0x2A0]  }
0x100: {  	v51 =	vld [tilespmem:$0x1B0]  }
0x101: {  	v52 =	vld [tilespmem:$0xB0]  }
0x102: {  	v53 =	vld [tilespmem:$0x2B0]  }
0x103: {  	v54 =	vld [tilespmem:$0x1C0]  }
0x104: {  	v55 =	vld [tilespmem:$0xC0];
	v1 =	vmul.u32 $0x2710, v1  }
0x105: {  	v56 =	vld [tilespmem:$0x1D0];
	[tilespmem:$0x480] =	vst v3  }
0x106: {  	v58 =	vld [tilespmem:$0x2D0];
	[tilespmem:$0x490] =	vst v47;
	v1 =	vadd.s32 v2, v1;
	v2 =	vmul.u32 $0x2710, v45  }
0x107: {  	v62 =	vld [tilespmem:$0x2E0];
	v3 =	vmul.u32 $0x2710, v48;
	[tilespmem:$0x4A0] =	vst v50  }
0x108: {  	[tilespmem:$0x380] =	vst v1;
	v1 =	vld [tilespmem:$0x2C0];
	v2 =	vadd.s32 v46, v2  }
0x109: {  	v3 =	vadd.s32 v49, v3;
	[tilespmem:$0x390] =	vst v2;
	v2 =	vld [tilespmem:$0xD0]  }
0x10a: {  	[tilespmem:$0x3A0] =	vst v3;
	v3 =	vld [tilespmem:$0x1E0]  }
0x10b: {  	v61 =	vld [tilespmem:$0x1F0];
	[tilespmem:$0x4B0] =	vst v53  }
0x10c: {  	v60 =	vld [tilespmem:$0xE0];
	v5 =	vmul.u32 $0x2710, v56;
	[tilespmem:$0x4D0] =	vst v58  }
0x10d: {  	v63 =	vld [tilespmem:$0xF0];
	v57 =	vmul.u32 $0x2710, v51;
	[tilespmem:$0x4E0] =	vst v62  }
0x10e: {  	v59 =	vmul.u32 $0x2710, v54;
	[tilespmem:$0x4C0] =	vst v1;
	v1 =	vadd.s32 v2, v5  }
0x10f: {  	v6 =	vadd.s32 v52, v57;
	v2 =	vmul.u32 $0x2710, v3;
	[tilespmem:$0x3D0] =	vst v1;
	v1 =	vld [tilespmem:$0x2F0]  }
0x110: {  	v4 =	vadd.s32 v55, v59;
	[tilespmem:$0x3B0] =	vst v6;
	v3 =	vmul.u32 $0x2710, v61  }
0x111: {  	[tilespmem:$0x3C0] =	vst v4;
	v2 =	vadd.s32 v60, v2  }
0x112: {  	[tilespmem:$0x3E0] =	vst v2;
	v2 =	vadd.s32 v63, v3  }
0x113: {  	[tilespmem:$0x3F0] =	vst v2  }
0x114: {  	[tilespmem:$0x4F0] =	vst v1  }
0x115: {  	[tilespmem:s19], [sflag:$0x4] =	stream.indirect.gather [hbm4b:s6+s9], $0x80, s18, s9, $0xb8;
	[tilespmem:$0x1CF00] =	vst v63  }
0x116: {  	s30 =	sadd.s32 s29, s7  }
0x117: {  	[tilespmem:s9], [sflag:$0x2] =	stream.linear.gather [hbm4b:s30+s5], $0x80, $0x38;
	[tilespmem:$0x1CF00] =	vst v63  }
0x118: {  	s30 =	sadd.s32 s29, s1  }
0x119: {  	[tilespmem:s10], [sflag:$0x2] =	stream.linear.gather [hbm4b:s30+s5], $0x80, $0x38;
	[tilespmem:$0x1CF00] =	vst v63  }
0x11a: {  	s30 =	sadd.s32 s29, s2  }
0x11b: {  	[tilespmem:s11], [sflag:$0x2] =	stream.linear.gather [hbm4b:s30+s5], $0x80, $0x38;
	[tilespmem:$0x1CF00] =	vst v63  }
0x11c: {  	_ =	swait.ge [sflag:s20], $0x4000  }
0x11d: {  	[sflag:s20] =	ssyncset.done $0x0  }
0x11e: {  	p0 =	sne.s32 s26, $0x1;
	[sflag:s20] =	ssyncadd.s32 $0xFFFFC000  }
0x11f: {  	[spmem:s3] =	stream.indirect.scatter.add.f32 [tilespmem:s12], [sflag:$0x5], $0x80, s21, s9, $0xb8;
	[tilespmem:$0x1CF00] =	vst v63  }
.Ltmp1:
0x120: {  	_ = 	snop;
	(pc) =	sbr.rel @p0 .LBB2_4-.Ltmp1, $4  }
0x121: {  	_ =	swait.ge [sflag:s22], $0x4000  }
0x122: {  	s26 =	sadd.s32 $0xFFFFFFFF, s26;
	[sflag:s22] =	ssyncset.done $0x0  }
0x123: {  	s28 =	sadd.s32 $0x20, s28;
	s29 =	sadd.s32 $0x20, s29;
	[sflag:s22] =	ssyncadd.s32 $0xFFFFC000  }
0x124: {  	[spmem:s3] =	stream.indirect.scatter.add.f32 [tilespmem:s19], [sflag:$0x6], $0x80, s23, s9, $0xb8;
	[tilespmem:$0x1CF00] =	vst v63  }
0x125: {  	_ =	swait.ge [sflag:s24], $0x4000  }
0x126: {  	[sflag:s24] =	ssyncset.done $0x0  }
0x127: {  	[sflag:s24] =	ssyncadd.s32 $0xFFFFC000  }
0x128: {  	_ =	swait.ge [sflag:s15], $0x80  }
0x129: {  	[sflag:s15] =	ssyncset.done $0x0  }
0x12a: {  	[sflag:s15] =	ssyncadd.s32 $0xFFFFFF80  }
0x12b: {  	_ =	swait.ge [sflag:s15], $0x80  }
0x12c: {  	[sflag:s15] =	ssyncset.done $0x0  }
0x12d: {  	[sflag:s15] =	ssyncadd.s32 $0xFFFFFF80  }
0x12e: {  	_ =	swait.ge [sflag:s15], $0x80  }
0x12f: {  	[sflag:s15] =	ssyncset.done $0x0  }
0x130: {  	[sflag:s15] =	ssyncadd.s32 $0xFFFFFF80  }
0x131: {  	v1 =	vld [tilespmem:$0x100]  }
0x132: {  	v2 =	vld [tilespmem:$0x0]  }
0x133: {  	v3 =	vld [tilespmem:$0x200]  }
0x134: {  	v4 =	vld [tilespmem:$0x110]  }
0x135: {  	v5 =	vld [tilespmem:$0x10]  }
0x136: {  	v6 =	vld [tilespmem:$0x210]  }
0x137: {  	v7 =	vld [tilespmem:$0x120]  }
0x138: {  	v8 =	vld [tilespmem:$0x20]  }
0x139: {  	v9 =	vld [tilespmem:$0x220]  }
0x13a: {  	v10 =	vld [tilespmem:$0x130]  }
0x13b: {  	v11 =	vld [tilespmem:$0x30]  }
0x13c: {  	v12 =	vld [tilespmem:$0x230]  }
0x13d: {  	v13 =	vld [tilespmem:$0x140]  }
0x13e: {  	v36 =	vld [tilespmem:$0x40];
	v1 =	vmul.u32 $0x2710, v1  }
0x13f: {  	v37 =	vld [tilespmem:$0x150];
	[tilespmem:$0x400] =	vst v3  }
0x140: {  	v39 =	vld [tilespmem:$0x250];
	[tilespmem:$0x410] =	vst v6;
	v1 =	vadd.s32 v2, v1;
	v2 =	vmul.u32 $0x2710, v4  }
0x141: {  	v43 =	vld [tilespmem:$0x260];
	v3 =	vmul.u32 $0x2710, v7;
	[tilespmem:$0x420] =	vst v9  }
0x142: {  	[tilespmem:$0x300] =	vst v1;
	v1 =	vld [tilespmem:$0x240];
	v2 =	vadd.s32 v5, v2  }
0x143: {  	v3 =	vadd.s32 v8, v3;
	[tilespmem:$0x310] =	vst v2;
	v2 =	vld [tilespmem:$0x50]  }
0x144: {  	[tilespmem:$0x320] =	vst v3;
	v3 =	vld [tilespmem:$0x160]  }
0x145: {  	v42 =	vld [tilespmem:$0x170];
	[tilespmem:$0x430] =	vst v12  }
0x146: {  	v41 =	vld [tilespmem:$0x60];
	[tilespmem:$0x450] =	vst v39;
	v5 =	vmul.u32 $0x2710, v37  }
0x147: {  	v44 =	vld [tilespmem:$0x70];
	v38 =	vmul.u32 $0x2710, v10;
	[tilespmem:$0x460] =	vst v43  }
0x148: {  	v40 =	vmul.u32 $0x2710, v13;
	[tilespmem:$0x440] =	vst v1;
	v1 =	vadd.s32 v2, v5  }
0x149: {  	v6 =	vadd.s32 v11, v38;
	v2 =	vmul.u32 $0x2710, v3;
	[tilespmem:$0x350] =	vst v1;
	v1 =	vld [tilespmem:$0x270]  }
0x14a: {  	v4 =	vadd.s32 v36, v40;
	[tilespmem:$0x330] =	vst v6;
	v3 =	vmul.u32 $0x2710, v42  }
0x14b: {  	[tilespmem:$0x340] =	vst v4;
	v2 =	vadd.s32 v41, v2  }
0x14c: {  	[tilespmem:$0x360] =	vst v2;
	v2 =	vadd.s32 v44, v3  }
0x14d: {  	[tilespmem:$0x370] =	vst v2  }
0x14e: {  	[tilespmem:$0x470] =	vst v1  }
0x14f: {  	[tilespmem:s12], [sflag:$0x3] =	stream.indirect.gather [hbm4b:s6+s9], $0x80, s16, s9, $0xb8;
	[tilespmem:$0x1CF00] =	vst v63  }
0x150: {  	_ =	swait.ge [sflag:s25], $0x4000  }
0x151: {  	[sflag:s25] =	ssyncset.done $0x0  }
0x152: {  	[sflag:s25] =	ssyncadd.s32 $0xFFFFC000  }
0x153: {  	_ =	swait.ge [sflag:s17], $0x80  }
0x154: {  	[sflag:s17] =	ssyncset.done $0x0  }
0x155: {  	[sflag:s17] =	ssyncadd.s32 $0xFFFFFF80  }
0x156: {  	_ =	swait.ge [sflag:s17], $0x80  }
0x157: {  	[sflag:s17] =	ssyncset.done $0x0  }
0x158: {  	[sflag:s17] =	ssyncadd.s32 $0xFFFFFF80  }
0x159: {  	_ =	swait.ge [sflag:s17], $0x80  }
0x15a: {  	[sflag:s17] =	ssyncset.done $0x0  }
0x15b: {  	[sflag:s17] =	ssyncadd.s32 $0xFFFFFF80  }
0x15c: {  	v1 =	vld [tilespmem:$0x180]  }
0x15d: {  	v2 =	vld [tilespmem:$0x80]  }
0x15e: {  	v3 =	vld [tilespmem:$0x280]  }
0x15f: {  	v45 =	vld [tilespmem:$0x190]  }
0x160: {  	v46 =	vld [tilespmem:$0x90]  }
0x161: {  	v47 =	vld [tilespmem:$0x290]  }
0x162: {  	v48 =	vld [tilespmem:$0x1A0]  }
0x163: {  	v49 =	vld [tilespmem:$0xA0]  }
0x164: {  	v50 =	vld [tilespmem:$0x2A0]  }
0x165: {  	v51 =	vld [tilespmem:$0x1B0]  }
0x166: {  	v52 =	vld [tilespmem:$0xB0]  }
0x167: {  	v53 =	vld [tilespmem:$0x2B0]  }
0x168: {  	v54 =	vld [tilespmem:$0x1C0]  }
0x169: {  	v55 =	vld [tilespmem:$0xC0];
	v1 =	vmul.u32 $0x2710, v1  }
0x16a: {  	v56 =	vld [tilespmem:$0x1D0];
	[tilespmem:$0x480] =	vst v3  }
0x16b: {  	v58 =	vld [tilespmem:$0x2D0];
	[tilespmem:$0x490] =	vst v47;
	v1 =	vadd.s32 v2, v1;
	v2 =	vmul.u32 $0x2710, v45  }
0x16c: {  	v62 =	vld [tilespmem:$0x2E0];
	v3 =	vmul.u32 $0x2710, v48;
	[tilespmem:$0x4A0] =	vst v50  }
0x16d: {  	[tilespmem:$0x380] =	vst v1;
	v1 =	vld [tilespmem:$0x2C0];
	v2 =	vadd.s32 v46, v2  }
0x16e: {  	v3 =	vadd.s32 v49, v3;
	[tilespmem:$0x390] =	vst v2;
	v2 =	vld [tilespmem:$0xD0]  }
0x16f: {  	[tilespmem:$0x3A0] =	vst v3;
	v3 =	vld [tilespmem:$0x1E0]  }
0x170: {  	v61 =	vld [tilespmem:$0x1F0];
	[tilespmem:$0x4B0] =	vst v53  }
0x171: {  	v60 =	vld [tilespmem:$0xE0];
	v5 =	vmul.u32 $0x2710, v56;
	[tilespmem:$0x4D0] =	vst v58  }
0x172: {  	v63 =	vld [tilespmem:$0xF0];
	v57 =	vmul.u32 $0x2710, v51;
	[tilespmem:$0x4E0] =	vst v62  }
0x173: {  	v59 =	vmul.u32 $0x2710, v54;
	[tilespmem:$0x4C0] =	vst v1;
	v1 =	vadd.s32 v2, v5  }
0x174: {  	v6 =	vadd.s32 v52, v57;
	v2 =	vmul.u32 $0x2710, v3;
	[tilespmem:$0x3D0] =	vst v1;
	v1 =	vld [tilespmem:$0x2F0]  }
0x175: {  	v4 =	vadd.s32 v55, v59;
	[tilespmem:$0x3B0] =	vst v6;
	v3 =	vmul.u32 $0x2710, v61  }
0x176: {  	[tilespmem:$0x3C0] =	vst v4;
	v2 =	vadd.s32 v60, v2  }
0x177: {  	[tilespmem:$0x3E0] =	vst v2;
	v2 =	vadd.s32 v63, v3  }
0x178: {  	[tilespmem:$0x3F0] =	vst v2  }
0x179: {  	[tilespmem:$0x4F0] =	vst v1  }
0x17a: {  	[tilespmem:s19], [sflag:$0x4] =	stream.indirect.gather [hbm4b:s6+s9], $0x80, s18, s9, $0xb8;
	[tilespmem:$0x1CF00] =	vst v63  }
0x17b: {  	_ =	swait.ge [sflag:s20], $0x4000  }
0x17c: {  	[sflag:s20] =	ssyncset.done $0x0  }
0x17d: {  	[sflag:s20] =	ssyncadd.s32 $0xFFFFC000  }
0x17e: {  	[spmem:s3] =	stream.indirect.scatter.add.f32 [tilespmem:s12], [sflag:$0x5], $0x80, s21, s9, $0xb8;
	[tilespmem:$0x1CF00] =	vst v63  }
0x17f: {  	_ =	swait.ge [sflag:s22], $0x4000  }
0x180: {  	[sflag:s22] =	ssyncset.done $0x0  }
0x181: {  	[sflag:s22] =	ssyncadd.s32 $0xFFFFC000  }
0x182: {  	[spmem:s3] =	stream.indirect.scatter.add.f32 [tilespmem:s19], [sflag:$0x6], $0x80, s23, s9, $0xb8;
	[tilespmem:$0x1CF00] =	vst v63  }
0x183: {  	s28 =	simm.s32 $0x8500;
	s26 =	rddreg [dreg:$0x11]  }
0x184: {  	[tilespmem:s28], [sflag:$0x7] =	stream.linear.gather [hbm4b:s26+s5], $0x10, $0x38;
	[tilespmem:$0x1CF00] =	vst v63  }
0x185: {  	_ =	swait.ge [sflag:s13], $0x10  }
0x186: {  	[sflag:s13] =	ssyncset.done $0x0  }
0x187: {  	s30 =	simm.s32 $0x8580;
	s29 =	rddreg [dreg:$0x12];
	[sflag:s13] =	ssyncadd.s32 $0xFFFFFFF0  }
0x188: {  	[tilespmem:s30], [sflag:$0x7] =	stream.linear.gather [hbm4b:s29+s5], $0x10, $0x38;
	[tilespmem:$0x1CF00] =	vst v63  }
0x189: {  	_ =	swait.ge [sflag:s13], $0x10  }
0x18a: {  	[sflag:s13] =	ssyncset.done $0x0  }
0x18b: {  	s28 =	simm.s32 $0x8600;
	s29 =	rddreg [dreg:$0x13];
	[sflag:s13] =	ssyncadd.s32 $0xFFFFFFF0  }
0x18c: {  	[tilespmem:s28], [sflag:$0x7] =	stream.linear.gather [hbm4b:s29+s5], $0x10, $0x38;
	[tilespmem:$0x1CF00] =	vst v63  }
0x18d: {  	_ =	swait.ge [sflag:s13], $0x10  }
0x18e: {  	[sflag:s13] =	ssyncset.done $0x0  }
0x18f: {  	[sflag:s13] =	ssyncadd.s32 $0xFFFFFFF0  }
0x190: {  	v1 =	vld [tilespmem:$0x8580];
	_ =	sdelay $0x1  }
0x191: {  	v2 =	vld [tilespmem:$0x8500];
	_ =	sdelay $0x2  }
0x192: {  	v1 =	vmul.u32 $0x2710, v1;
	_ =	sdelay $0x1  }
0x193: {  	v1 =	vadd.s32 v2, v1  }
0x194: {  	s30 =	simm.s32 $0x10;
	s29 =	simm.s32 $0x8680;
	[tilespmem:$0x8680] =	vst v1  }
0x195: {  	[tilespmem:s31], [sflag:$0x3] =	stream.indirect.gather [hbm4b:s6+s30], $0x80, s29, s30, $0xb8;
	[tilespmem:$0x1CF00] =	vst v63  }
0x196: {  	_ =	swait.ge [sflag:s20], $0x800  }
0x197: {  	[sflag:s20] =	ssyncset.done $0x0  }
0x198: {  	[sflag:s20] =	ssyncadd.s32 $0xFFFFF800  }
0x199: {  	[spmem:s3] =	stream.indirect.scatter.add.f32 [tilespmem:s31], [sflag:$0x7], $0x80, s28, s30, $0xb8;
	[tilespmem:$0x1CF00] =	vst v63  }
0x19a: {  	_ =	swait.ge [sflag:s13], $0x800  }
0x19b: {  	[sflag:s13] =	ssyncset.done $0x0  }
0x19c: {  	[sflag:s13] =	ssyncadd.s32 $0xFFFFF800  }
0x19d: {  	_ =	swait.ge [sflag:s24], $0x4000  }
0x19e: {  	[sflag:s24] =	ssyncset.done $0x0  }
0x19f: {  	[sflag:s24] =	ssyncadd.s32 $0xFFFFC000  }
0x1a0: {  	_ =	swait.ge [sflag:s25], $0x4000  }
0x1a1: {  	[sflag:s25] =	ssyncset.done $0x0  }
0x1a2: {  	s29 =	stileid.u32;
	[sflag:s25] =	ssyncadd.s32 $0xFFFFC000  }
0x1a3: {  	s26 =	sshll.u32 s29, $0x6;
	[bflag:$0x0] =	sbarrier.arrive $0xFFFF  }
0x1a4: {  	s26 =	sor.u32 $0x1C07, s26;
	s28 =	sshrl.u32 s14, $0x3;
	s30 =	rddreg [dreg:$0x14]  }
0x1a5: {  	[hbm:s30], [sflag:s26] =	dma.local [spmem:s28], $0x2800  }
0x1a6: {  	_ =	swait.ge [sflag:s13], $0x2800  }
0x1a7: {  	s0 =	sadd.s32 $0x1, s0;
	s30 =	rddreg [dreg:$0x15]  }
0x1a8: {  	p0 =	sne.s32 s0, s30  }
.Ltmp2:
0x1a9: {  	_ = 	snop;
	(pc) =	sbr.rel @p0 .LBB2_1-.Ltmp2, $3  }
0x1aa: {  	_ =	sdelay $0x1  }
0x1ab: {  	[sflag:s13] =	ssyncset.done $0x0  }
0x1ac: {  	[sflag:s13] =	ssyncadd.s32 $0xFFFFD800  }
0x1ad: {  	_ =	sfence.sel $0x180000  }
0x1ae: {  	[bflag:$0x0] =	sbarrier.arrive $0xFFFF  }
0x1af: {  	_ =	strace $0x90000047  }
0x1b0: {  	s0 =	stileid.u32;
	[bflag:$0x2] =	sbarrier.arrive $0xFFFF  }
0x1b1: {  	p0 =	sne.s32 s0, $0x0;
	s0 =	rddreg [dreg:$0x4]  }
0x1b2: {  	s0 =	sadd.s32 @!p0 $0x100000, s0  }
0x1b3: {  	[sflag:s0] =	ssyncadd.tile.s32 @!p0 $0x1;
	_ =	shalt  }
.Lfunc_end2:
_tile_overlayer_lowered:
.L_overlay_start_2:
0x1b4: {  	(tag) =	ssettag $0x2  }
0x1b5: {  	s0 =	rddreg [dreg:$0x0];
	s2 =	stileid.u32  }
0x1b6: {  	s1 =	rddreg [dreg:$0x1];
	p0 =	sne.s32 s2, $0x0  }
0x1b7: {  	s3 =	rddreg [dreg:$0x2];
	[bflag:$0x3] =	sbarrier.arrive $0xFFFF;
	s2 =	simm.s32 @!p0 $0x1C07  }
0x1b8: {  	[timem:s3], [sflag:s2] =	dma.local @!p0 [hbm:s0], s1  }
0x1b9: {  	s0 =	simm.s32 @!p0 $0x7  }
0x1ba: {  	_ =	swait.ge @!p0 [sflag:s0], s1  }
0x1bb: {  	s1 =	ssub.s32 @!p0 $0x0, s1;
	[sflag:s0] =	ssyncset.done @!p0 $0x0  }
0x1bc: {  	[sflag:s0] =	ssyncadd.s32 @!p0 s1  }
0x1bd: {  	[bflag:$0x3] =	sbarrier.arrive $0xFFFF  }
0x1be: {  	_ =	shalt  }

</sc_bundles>
